<compile_context>
chip_gen: v7x
topology: tpu7x:2x2x1
jax: 0.10.2.dev20260603
libtpu: 0.0.44.dev20260713+nightly
codegen_flags: <defaults>
</compile_context>

<pallas_src>
import functools

import jax
import jax.numpy as jnp
from jax import lax
from jax.experimental import pallas as pl
from jax.experimental.pallas import tpu as pltpu
from jax.experimental.pallas import tpu_sc as plsc

_STRIDE = 64
_POINT_LIMIT = 64
_NUM_CORR = 256
_D_COARSE = 256
_D_FINE = 64
_NUM_ITER = 100
_FINE_TOPK = 3
_FINE_TOPK_TOTAL = 1000
_CONF = 0.05

_B_SIM = 8


def _sim_body(tgt_f_ref, src_f_ref, s_ref):
    inv_sqrt_d = 1.0 / (_D_COARSE ** 0.5)
    tgt_f = tgt_f_ref[...]
    src_f = src_f_ref[...]
    rows = []
    for b in range(_B_SIM):
        s_b = jnp.dot(tgt_f[b], src_f[b].T,
                      preferred_element_type=jnp.float32) * inv_sqrt_d
        rows.append(s_b[None])
    s_ref[...] = jnp.concatenate(rows, axis=0)


def _ot_fine_body(sT_ref, rmT_ref, cmT_ref, alpha_ref,
                  msT_ref, candv_ref, candi_ref, win_ref):
    n = _POINT_LIMIT
    B = _NUM_CORR
    alpha = alpha_ref[0, 0]

    sT = sT_ref[...]
    rmT = rmT_ref[...]
    cmT = cmT_ref[...]

    arow = jnp.full((n, 1, B), alpha, jnp.float32)
    acol = jnp.full((1, n + 1, B), alpha, jnp.float32)
    padded = jnp.concatenate(
        [jnp.concatenate([sT, arow], axis=1), acol], axis=0)
    prow = jnp.concatenate([rmT, jnp.ones((1, B), jnp.float32)], axis=0)
    pcol = jnp.concatenate([cmT, jnp.ones((1, B), jnp.float32)], axis=0)
    smask = prow[:, None, :] * pcol[None, :, :]
    padded = jnp.where(smask > 0.0, padded, -1e9)

    nvr = jnp.sum(rmT, axis=0, keepdims=True)
    nvc = jnp.sum(cmT, axis=0, keepdims=True)
    norm = -jnp.log(nvr + nvc)
    log_mu = jnp.concatenate(
        [jnp.broadcast_to(norm, (n, B)), jnp.log(nvc) + norm], axis=0)
    log_mu = jnp.where(prow > 0.0, log_mu, -1e9)
    log_nu = jnp.concatenate(
        [jnp.broadcast_to(norm, (n, B)), jnp.log(nvr) + norm], axis=0)
    log_nu = jnp.where(pcol > 0.0, log_nu, -1e9)

    def lse(x, axis):
        m = jnp.max(x, axis=axis)
        return jnp.log(jnp.sum(jnp.exp(x - jnp.expand_dims(m, axis)),
                               axis=axis)) + m

    def body(_, carry):
        u, v = carry
        u = log_mu - lse(padded + v[None, :, :], 1)
        v = log_nu - lse(padded + u[:, None, :], 0)
        return (u, v)

    u0 = jnp.zeros((n + 1, B), jnp.float32)
    v0 = jnp.zeros((n + 1, B), jnp.float32)
    u, v = jax.lax.fori_loop(0, _NUM_ITER, body, (u0, v0))

    msT = padded + u[:, None, :] + v[None, :, :] - norm[None, :, :]
    msT_ref[...] = msT

    sc = jnp.exp(msT[:n, :n, :])
    valid = (rmT[:, None, :] * cmT[None, :, :]) > 0.0
    sc = jnp.where(valid, sc, 0.0)

    def third_largest(x, axis):
        m1 = jnp.max(x, axis=axis, keepdims=True)
        c1 = jnp.sum((x == m1).astype(jnp.float32), axis=axis, keepdims=True)
        x2 = jnp.where(x < m1, x, -1.0)
        m2 = jnp.max(x2, axis=axis, keepdims=True)
        c2 = jnp.sum((x == m2).astype(jnp.float32), axis=axis, keepdims=True)
        m3 = jnp.max(jnp.where(x2 < m2, x2, -1.0), axis=axis, keepdims=True)
        return jnp.where(c1 >= 3.0, m1, jnp.where(c1 + c2 >= 3.0, m2, m3))

    row_mask = sc >= third_largest(sc, 1)
    col_mask = sc >= third_largest(sc, 0)
    corr = row_mask & col_mask & (sc > _CONF) & valid
    sel = jnp.where(corr, sc, 0.0)

    win_ref[...] = sel[:32, :, 0:1]

    iota_j = jax.lax.broadcasted_iota(jnp.int32, (n, n, B), 1)
    iota_i = jax.lax.broadcasted_iota(jnp.int32, (n, n, B), 0)
    iota_b = jax.lax.broadcasted_iota(jnp.int32, (n, n, B), 2)
    flat_base = (iota_b * n + iota_i) * n

    cur = sel
    cvs, cis = [], []
    for _ in range(_FINE_TOPK):
        vk = jnp.max(cur, axis=1, keepdims=True)
        jk = jnp.min(jnp.where(cur == vk, iota_j, n), axis=1,
                     keepdims=True)
        cvs.append(jnp.where(vk > 0.0, vk, -1.0))
        cis.append(jnp.min(jnp.where(cur == vk, flat_base + iota_j,
                                     jnp.int32(2 ** 30)), axis=1,
                           keepdims=True))
        cur = jnp.where(iota_j == jk, -1.0, cur)
    candv_ref[...] = jnp.concatenate(cvs, axis=1)
    candi_ref[...] = jnp.concatenate(cis, axis=1)


def _ot_fine(tgt_ckf, src_ckf, tgt_ckm, src_ckm, alpha):
    b = tgt_ckf.shape[0]
    n = _POINT_LIMIT
    s = pl.pallas_call(
        _sim_body,
        grid=(b // _B_SIM,),
        in_specs=[
            pl.BlockSpec((_B_SIM, n, _D_COARSE), lambda i: (i, 0, 0)),
            pl.BlockSpec((_B_SIM, n, _D_COARSE), lambda i: (i, 0, 0)),
        ],
        out_specs=pl.BlockSpec((_B_SIM, n, n), lambda i: (i, 0, 0)),
        out_shape=jax.ShapeDtypeStruct((b, n, n), jnp.float32),
    )(tgt_ckf, src_ckf)

    sT = jnp.transpose(s, (1, 2, 0))
    rmT = jnp.transpose(tgt_ckm.astype(jnp.float32))
    cmT = jnp.transpose(src_ckm.astype(jnp.float32))

    msT, candv, candi, win = pl.pallas_call(
        _ot_fine_body,
        in_specs=[
            pl.BlockSpec((n, n, b), lambda: (0, 0, 0)),
            pl.BlockSpec((n, b), lambda: (0, 0)),
            pl.BlockSpec((n, b), lambda: (0, 0)),
            pl.BlockSpec(memory_space=pltpu.SMEM),
        ],
        out_specs=[
            pl.BlockSpec((n + 1, n + 1, b), lambda: (0, 0, 0)),
            pl.BlockSpec((n, _FINE_TOPK, b), lambda: (0, 0, 0)),
            pl.BlockSpec((n, _FINE_TOPK, b), lambda: (0, 0, 0)),
            pl.BlockSpec((32, n, 1), lambda: (0, 0, 0)),
        ],
        out_shape=[
            jax.ShapeDtypeStruct((n + 1, n + 1, b), jnp.float32),
            jax.ShapeDtypeStruct((n, _FINE_TOPK, b), jnp.float32),
            jax.ShapeDtypeStruct((n, _FINE_TOPK, b), jnp.int32),
            jax.ShapeDtypeStruct((32, n, 1), jnp.float32),
        ],
    )(sT, rmT, cmT, alpha.reshape(1, 1))

    ms = jnp.transpose(msT, (2, 0, 1))
    return ms, candv, candi, win


def _fine_topk(candv, candi, win):
    n = _POINT_LIMIT
    cand_v = jnp.transpose(candv, (2, 0, 1)).reshape(-1)
    cand_i = jnp.transpose(candi, (2, 0, 1)).reshape(-1)
    w = win.reshape(-1)
    zkey = jnp.where(w == 0.0, -jnp.arange(w.shape[0], dtype=jnp.float32),
                     -3e9)
    _, zidx = jax.lax.top_k(zkey, _FINE_TOPK_TOTAL)
    allv = jnp.concatenate([cand_v, jnp.zeros((_FINE_TOPK_TOTAL,), jnp.float32)])
    alli = jnp.concatenate([cand_i, zidx.astype(jnp.int32)])
    vals, pos = jax.lax.top_k(allv, _FINE_TOPK_TOTAL)
    idx = alli[pos]
    return vals, idx


_N_ROWS_PAD = 320
_N_PTS = 20000
_NV = _N_PTS // 16


def _knn_sc_rows(dist2_padded):
    mesh = plsc.VectorSubcoreMesh(core_axis_name="c", subcore_axis_name="s")
    big_f = jnp.float32(3e38)
    big_i = jnp.int32(2 ** 30)

    @functools.partial(
        pl.kernel, mesh=mesh,
        compiler_params=pltpu.CompilerParams(needs_layout_passes=False),
        out_type=jax.ShapeDtypeStruct((_N_ROWS_PAD, 64), jnp.int32),
        scratch_types=[
            pltpu.VMEM((_N_PTS,), jnp.float32),
            pltpu.VMEM((_N_PTS + 16,), jnp.float32),
            pltpu.VMEM((_N_PTS + 16,), jnp.int32),
            pltpu.VMEM((64,), jnp.int32),
        ],
    )
    def knn_kernel(d_hbm, out_hbm, drow_v, candv_v, candi_v, outrow_v):
        wid = lax.axis_index("s") * 2 + lax.axis_index("c")
        iota = lax.iota(jnp.int32, 16)
        iota_f = iota.astype(jnp.float32)

        def do_row(t, _):
            rid = wid + 32 * t
            pltpu.sync_copy(d_hbm.at[rid], drow_v)

            def s1(j, carry):
                m1, m2, m3, m4 = carry
                for q in range(5):
                    v = plsc.load_gather(drow_v, [(j * 5 + q) * 16 + iota])
                    t1 = jnp.maximum(m1, v)
                    m1 = jnp.minimum(m1, v)
                    t2 = jnp.maximum(m2, t1)
                    m2 = jnp.minimum(m2, t1)
                    t3 = jnp.maximum(m3, t2)
                    m3 = jnp.minimum(m3, t2)
                    m4 = jnp.minimum(m4, t3)
                return (m1, m2, m3, m4)

            inf16 = jnp.full((16,), big_f, jnp.float32)
            _, _, _, m4 = lax.fori_loop(0, _NV // 5, s1,
                                        (inf16, inf16, inf16, inf16))
            tau = jnp.max(m4)
            tau_v = jnp.full((16,), tau, jnp.float32)

            def s2(j, off):
                vs, masks = [], []
                anym = None
                for q in range(5):
                    idx = (j * 5 + q) * 16 + iota
                    v = plsc.load_gather(drow_v, [idx])
                    m = v <= tau_v
                    vs.append((idx, v, m))
                    anym = m if anym is None else (anym | m)

                def emit(off):
                    for idx, v, m in vs:
                        cs = plsc.cumsum(m.astype(jnp.int32))
                        pos = off + cs - 1
                        plsc.store_scatter(candv_v, [pos], v, mask=m)
                        plsc.store_scatter(candi_v, [pos], idx, mask=m)
                        off = off + plsc.all_reduce_population_count(m)
                    return off

                return lax.cond(jnp.any(anym), emit, lambda off: off, off)

            off = lax.fori_loop(0, _NV // 5, s2, jnp.zeros((16,), jnp.int32))
            n_cand = jnp.max(off)
            plsc.store_scatter(candv_v, [n_cand + iota],
                               jnp.full((16,), big_f, jnp.float32))
            nv = (n_cand + 15) // 16

            def s3(r, _):
                def p1(i, m):
                    v = plsc.load_gather(candv_v, [i * 16 + iota])
                    return jnp.minimum(m, v)

                mvec = lax.fori_loop(0, nv, p1, inf16)
                m = jnp.min(mvec)
                m_v = jnp.full((16,), m, jnp.float32)

                def p2(i, fp):
                    v = plsc.load_gather(candv_v, [i * 16 + iota])
                    pm = jnp.where(v == m_v, i * 16 + iota, big_i)
                    return jnp.minimum(fp, pm)

                fpvec = lax.fori_loop(0, nv, p2,
                                      jnp.full((16,), big_i, jnp.int32))
                p = jnp.min(fpvec)
                p_v = jnp.full((16,), p, jnp.int32)
                oi = plsc.load_gather(candi_v, [p_v])
                lane0 = iota == 0
                plsc.store_scatter(outrow_v, [jnp.full((16,), r, jnp.int32)],
                                   oi, mask=lane0)
                plsc.store_scatter(candv_v, [p_v],
                                   jnp.full((16,), big_f, jnp.float32), mask=lane0)
                return 0

            lax.fori_loop(0, 64, s3, 0)
            pltpu.sync_copy(outrow_v, out_hbm.at[rid])
            return 0

        lax.fori_loop(0, _N_ROWS_PAD // 32, do_row, 0)

    return knn_kernel(dist2_padded)


def _gather_rows_sc(table, idx):
    B = idx.shape[0]
    D = table.shape[1]
    b_per_w = B // 32
    chunk = 256
    n_chunks = b_per_w // chunk
    mesh = plsc.VectorSubcoreMesh(core_axis_name="c", subcore_axis_name="s")

    @functools.partial(
        pl.kernel, mesh=mesh,
        out_type=jax.ShapeDtypeStruct((B, D), jnp.float32),
        scratch_types=[
            pltpu.VMEM((chunk,), jnp.int32),
            pltpu.VMEM((chunk, D), jnp.float32),
            pltpu.SemaphoreType.DMA,
        ],
    )
    def gather_kernel(table_hbm, idx_hbm, out_hbm, idx_v, rows_v, sem):
        wid = lax.axis_index("s") * 2 + lax.axis_index("c")
        for c in range(n_chunks):
            base = wid * b_per_w + c * chunk
            pltpu.sync_copy(idx_hbm.at[pl.ds(base, chunk)], idx_v)
            pltpu.async_copy(table_hbm.at[idx_v], rows_v, sem).wait()
            pltpu.sync_copy(rows_v, out_hbm.at[pl.ds(base, chunk)])

    return gather_kernel(table, idx)


_PF_BLK = 2000


def _point_feats_body(h_ref, wp1_ref, wf_ref, bf_ref, out_ref):
    pf = jax.nn.relu(jnp.dot(h_ref[...], wp1_ref[...],
                             preferred_element_type=jnp.float32))
    out_ref[...] = jnp.dot(pf, wf_ref[...],
                           preferred_element_type=jnp.float32) + bf_ref[...]


def _node_feats_body(nh_ref, wn1_ref, wn2_ref, wc_ref, bc_ref, out_ref):
    f = jax.nn.relu(jnp.dot(nh_ref[...], wn1_ref[...],
                            preferred_element_type=jnp.float32))
    f = jnp.dot(f, wn2_ref[...], preferred_element_type=jnp.float32)
    g = jnp.dot(f, wc_ref[...], preferred_element_type=jnp.float32) + bc_ref[...]
    nrm = jnp.sqrt(jnp.sum(g * g, axis=1, keepdims=True))
    out_ref[...] = g / (nrm + 1e-12)


def _backbone_pallas(h, node_h, Wn1, Wn2, Wp1, W_coarse, b_coarse,
                     W_fine, b_fine):
    npts = h.shape[0]
    point_feats = pl.pallas_call(
        _point_feats_body,
        grid=(npts // _PF_BLK,),
        in_specs=[
            pl.BlockSpec((_PF_BLK, 10), lambda i: (i, 0)),
            pl.BlockSpec((10, _D_FINE), lambda i: (0, 0)),
            pl.BlockSpec((_D_FINE, _D_COARSE), lambda i: (0, 0)),
            pl.BlockSpec((1, _D_COARSE), lambda i: (0, 0)),
        ],
        out_specs=pl.BlockSpec((_PF_BLK, _D_COARSE), lambda i: (i, 0)),
        out_shape=jax.ShapeDtypeStruct((npts, _D_COARSE), jnp.float32),
    )(h, Wp1, W_fine, b_fine.reshape(1, -1))

    nn = node_h.shape[0]
    node_feats = pl.pallas_call(
        _node_feats_body,
        in_specs=[
            pl.BlockSpec((nn, 10), lambda: (0, 0)),
            pl.BlockSpec((10, 128), lambda: (0, 0)),
            pl.BlockSpec((128, _D_COARSE), lambda: (0, 0)),
            pl.BlockSpec((_D_COARSE, _D_COARSE), lambda: (0, 0)),
            pl.BlockSpec((1, _D_COARSE), lambda: (0, 0)),
        ],
        out_specs=pl.BlockSpec((nn, _D_COARSE), lambda: (0, 0)),
        out_shape=jax.ShapeDtypeStruct((nn, _D_COARSE), jnp.float32),
    )(node_h, Wn1, Wn2, W_coarse, b_coarse.reshape(1, -1))
    return point_feats, node_feats


def _point_to_node_partition(points, nodes, point_limit):
    dist2 = (jnp.sum(nodes ** 2, axis=1)[:, None]
             + jnp.sum(points ** 2, axis=1)[None, :]
             - 2.0 * (nodes @ points.T))
    point_to_node = jnp.argmin(dist2, axis=0)
    n_nodes = nodes.shape[0]
    counts = jnp.bincount(point_to_node, length=n_nodes)
    node_masks = counts > 0
    pad = jnp.broadcast_to(jnp.arange(_N_PTS, dtype=jnp.float32),
                           (_N_ROWS_PAD - n_nodes, _N_PTS))
    knn_indices = _knn_sc_rows(
        jnp.concatenate([dist2, pad], axis=0))[:n_nodes]
    knn_masks = point_to_node[knn_indices] == jnp.arange(n_nodes)[:, None]
    knn_indices = jnp.where(knn_masks, knn_indices, points.shape[0])
    return point_to_node, node_masks, knn_indices, knn_masks


def _coarse_score_body(tf_ref, sf_ref, tm_ref, sm_ref, out_ref):
    sim = jnp.exp(jnp.dot(tf_ref[...], sf_ref[...].T,
                          preferred_element_type=jnp.float32))
    row = sim / (jnp.sum(sim, axis=1, keepdims=True) + 1e-12)
    col = sim / (jnp.sum(sim, axis=0, keepdims=True) + 1e-12)
    score = row * col
    mask = (tm_ref[...] * sm_ref[...].T) > 0.0
    out_ref[...] = jnp.where(mask, score, 0.0)


def _coarse_matching(tgt_feats, src_feats, tgt_masks, src_masks, k):
    nn = tgt_feats.shape[0]
    score = pl.pallas_call(
        _coarse_score_body,
        in_specs=[
            pl.BlockSpec((nn, _D_COARSE), lambda: (0, 0)),
            pl.BlockSpec((nn, _D_COARSE), lambda: (0, 0)),
            pl.BlockSpec((nn, 1), lambda: (0, 0)),
            pl.BlockSpec((nn, 1), lambda: (0, 0)),
        ],
        out_specs=pl.BlockSpec((nn, nn), lambda: (0, 0)),
        out_shape=jax.ShapeDtypeStruct((nn, nn), jnp.float32),
    )(tgt_feats, src_feats,
      tgt_masks.astype(jnp.float32).reshape(-1, 1),
      src_masks.astype(jnp.float32).reshape(-1, 1))
    vals, idx = jax.lax.top_k(score.reshape(-1), k)
    m = src_feats.shape[0]
    return idx // m, idx % m, vals


def kernel(src_points, tgt_points, src_normals, tgt_normals, src_feats,
           tgt_feats, src_v, tgt_v, Wn1, Wn2, Wp1, W_coarse, b_coarse,
           W_fine, b_fine, alpha):
    src_h = jnp.concatenate([src_points, src_normals, src_feats, src_v], axis=1)
    tgt_h = jnp.concatenate([tgt_points, tgt_normals, tgt_feats, tgt_v], axis=1)
    src_node_xyz = src_points[::_STRIDE]
    tgt_node_xyz = tgt_points[::_STRIDE]
    src_point_feats, src_node_feats = _backbone_pallas(
        src_h, src_h[::_STRIDE], Wn1, Wn2, Wp1, W_coarse, b_coarse,
        W_fine, b_fine)
    tgt_point_feats, tgt_node_feats = _backbone_pallas(
        tgt_h, tgt_h[::_STRIDE], Wn1, Wn2, Wp1, W_coarse, b_coarse,
        W_fine, b_fine)

    _, src_node_masks, src_knn_idx, src_knn_masks = _point_to_node_partition(
        src_points, src_node_xyz, _POINT_LIMIT)
    _, tgt_node_masks, tgt_knn_idx, tgt_knn_masks = _point_to_node_partition(
        tgt_points, tgt_node_xyz, _POINT_LIMIT)

    tgt_ci, src_ci, _ = _coarse_matching(
        tgt_node_feats, src_node_feats, tgt_node_masks, src_node_masks,
        _NUM_CORR)

    src_ckm = src_knn_masks[src_ci]
    tgt_ckm = tgt_knn_masks[tgt_ci]
    src_ckidx = src_knn_idx[src_ci]
    tgt_ckidx = tgt_knn_idx[tgt_ci]

    src_pp_feats = jnp.concatenate(
        [src_point_feats, jnp.zeros((1, _D_COARSE), jnp.float32)], axis=0)
    tgt_pp_feats = jnp.concatenate(
        [tgt_point_feats, jnp.zeros((1, _D_COARSE), jnp.float32)], axis=0)
    src_ckf = _gather_rows_sc(
        src_pp_feats, src_ckidx.reshape(-1).astype(jnp.int32)).reshape(
            _NUM_CORR, _POINT_LIMIT, _D_COARSE)
    tgt_ckf = _gather_rows_sc(
        tgt_pp_feats, tgt_ckidx.reshape(-1).astype(jnp.int32)).reshape(
            _NUM_CORR, _POINT_LIMIT, _D_COARSE)

    ms, candv, candi, win = _ot_fine(tgt_ckf, src_ckf, tgt_ckm, src_ckm, alpha)
    vals, idx = _fine_topk(candv, candi, win)

    n = m = _POINT_LIMIT
    bi = idx // (n * m)
    rem = idx % (n * m)

    src_padded_points = jnp.concatenate(
        [src_points, jnp.zeros((1, 3), src_points.dtype)], axis=0)
    tgt_padded_points = jnp.concatenate(
        [tgt_points, jnp.zeros((1, 3), tgt_points.dtype)], axis=0)
    tgt_corr_points = tgt_padded_points[tgt_ckidx[bi, rem // m]]
    src_corr_points = src_padded_points[src_ckidx[bi, rem % m]]
    return ms, tgt_corr_points, src_corr_points, vals

# --- scband reference (transcript-rebuilt; emitter-appended) ---
"""Pipeline reference for scband-rid-net-72567767433475 (READ-ONLY COPY).

The authoritative reference and input builder live on the scoring server;
editing this copy changes nothing except your own understanding.
"""

import jax, jax.numpy as jnp
import numpy as np

N_SRC = 20000
N_TGT = 20000
STRIDE = 64
POINT_LIMIT = 64
NUM_CORR = 256
D_COARSE = 256
D_FINE = 64
NUM_SINKHORN_ITER = 100
FINE_TOPK = 3
FINE_TOPK_TOTAL = 1000
CONF_THRESH = 0.05


def setup_inputs(seed: int = 0):
    key = jax.random.key(seed)
    ks = jax.random.split(key, 12)
    inp = {}
    inp['src_points'] = jax.random.normal(ks[0], (N_SRC, 3), dtype=jnp.float32)
    inp['tgt_points'] = jax.random.normal(ks[1], (N_TGT, 3), dtype=jnp.float32)
    inp['src_normals'] = jax.random.normal(ks[2], (N_SRC, 3), dtype=jnp.float32)
    inp['tgt_normals'] = jax.random.normal(ks[3], (N_TGT, 3), dtype=jnp.float32)
    inp['src_feats'] = jnp.ones((N_SRC, 1), dtype=jnp.float32)
    inp['tgt_feats'] = jnp.ones((N_TGT, 1), dtype=jnp.float32)
    inp['src_v'] = jax.random.normal(ks[4], (N_SRC, 3), dtype=jnp.float32)
    inp['tgt_v'] = jax.random.normal(ks[5], (N_TGT, 3), dtype=jnp.float32)
    inp['Wn1'] = jax.random.normal(ks[6], (10, 128), dtype=jnp.float32) * 0.1
    inp['Wn2'] = jax.random.normal(ks[7], (128, D_COARSE), dtype=jnp.float32) * 0.1
    inp['Wp1'] = jax.random.normal(ks[8], (10, D_FINE), dtype=jnp.float32) * 0.1
    inp['W_coarse'] = jax.random.normal(ks[9], (D_COARSE, D_COARSE), dtype=jnp.float32) * 0.06
    inp['b_coarse'] = jnp.zeros((D_COARSE,), dtype=jnp.float32)
    inp['W_fine'] = jax.random.normal(ks[10], (D_FINE, D_COARSE), dtype=jnp.float32) * 0.12
    inp['b_fine'] = jnp.zeros((D_COARSE,), dtype=jnp.float32)
    inp['alpha'] = jnp.ones((), dtype=jnp.float32)
    return inp


def _backbone(points, normals, feats, v, Wn1, Wn2, Wp1):
    h = jnp.concatenate([points, normals, feats, v], axis=1)
    point_feats = jax.nn.relu(h @ Wp1)
    node_xyz = points[::STRIDE]
    node_h = h[::STRIDE]
    node_feats = jax.nn.relu(node_h @ Wn1) @ Wn2
    return node_xyz, node_feats, point_feats


def _point_to_node_partition(points, nodes, point_limit):
    dist2 = jnp.sum(nodes ** 2, axis=1)[:, None] + jnp.sum(points ** 2, axis=1)[None, :] - 2.0 * (nodes @ points.T)
    point_to_node = jnp.argmin(dist2, axis=0)
    n_nodes = nodes.shape[0]
    counts = jnp.bincount(point_to_node, length=n_nodes)
    node_masks = counts > 0
    _, knn_indices = jax.lax.top_k(-dist2, point_limit)
    knn_masks = point_to_node[knn_indices] == jnp.arange(n_nodes)[:, None]
    knn_indices = jnp.where(knn_masks, knn_indices, points.shape[0])
    return point_to_node, node_masks, knn_indices, knn_masks


def _coarse_matching(tgt_feats, src_feats, tgt_masks, src_masks, k):
    sim = jnp.exp(tgt_feats @ src_feats.T)
    row = sim / (jnp.sum(sim, axis=1, keepdims=True) + 1e-12)
    col = sim / (jnp.sum(sim, axis=0, keepdims=True) + 1e-12)
    score = row * col
    mask = tgt_masks[:, None] & src_masks[None, :]
    score = jnp.where(mask, score, 0.0)
    vals, idx = jax.lax.top_k(score.reshape(-1), k)
    m = src_feats.shape[0]
    return idx // m, idx % m, vals


def _log_optimal_transport(scores, row_masks, col_masks, alpha, num_iter):
    b, n, m = scores.shape
    top = jnp.concatenate([scores, jnp.broadcast_to(alpha, (b, n, 1))], axis=2)
    padded = jnp.concatenate([top, jnp.broadcast_to(alpha, (b, 1, m + 1))], axis=1)
    prow = jnp.concatenate([row_masks, jnp.ones((b, 1), dtype=bool)], axis=1)
    pcol = jnp.concatenate([col_masks, jnp.ones((b, 1), dtype=bool)], axis=1)
    smask = prow[:, :, None] & pcol[:, None, :]
    padded = jnp.where(smask, padded, -1e9)
    nvr = jnp.sum(row_masks, axis=1).astype(jnp.float32)
    nvc = jnp.sum(col_masks, axis=1).astype(jnp.float32)
    norm = -jnp.log(nvr + nvc)
    log_mu = jnp.concatenate([jnp.broadcast_to(norm[:, None], (b, n)), (jnp.log(nvc) + norm)[:, None]], axis=1)
    log_mu = jnp.where(prow, log_mu, -1e9)
    log_nu = jnp.concatenate([jnp.broadcast_to(norm[:, None], (b, m)), (jnp.log(nvr) + norm)[:, None]], axis=1)
    log_nu = jnp.where(pcol, log_nu, -1e9)

    def body(carry, _):
        u, v = carry
        u = log_mu - jax.nn.logsumexp(padded + v[:, None, :], axis=2)
        v = log_nu - jax.nn.logsumexp(padded + u[:, :, None], axis=1)
        return (u, v), None

    (u, v), _ = jax.lax.scan(body, (jnp.zeros((b, n + 1)), jnp.zeros((b, m + 1))), None, length=num_iter)
    return padded + u[:, :, None] + v[:, None, :] - norm[:, None, None]


def _forward(src_points, tgt_points, src_normals, tgt_normals, src_feats, tgt_feats, src_v, tgt_v, Wn1, Wn2, Wp1, W_coarse, b_coarse, W_fine, b_fine, alpha):
    src_node_xyz, src_node_feats, src_point_feats = _backbone(src_points, src_normals, src_feats, src_v, Wn1, Wn2, Wp1)
    tgt_node_xyz, tgt_node_feats, tgt_point_feats = _backbone(tgt_points, tgt_normals, tgt_feats, tgt_v, Wn1, Wn2, Wp1)

    def l2n(x):
        return x / (jnp.linalg.norm(x, axis=1, keepdims=True) + 1e-12)

    src_node_feats = l2n(src_node_feats @ W_coarse + b_coarse)
    tgt_node_feats = l2n(tgt_node_feats @ W_coarse + b_coarse)
    src_point_feats = src_point_feats @ W_fine + b_fine
    tgt_point_feats = tgt_point_feats @ W_fine + b_fine

    _, src_node_masks, src_knn_idx, src_knn_masks = _point_to_node_partition(src_points, src_node_xyz, POINT_LIMIT)
    _, tgt_node_masks, tgt_knn_idx, tgt_knn_masks = _point_to_node_partition(tgt_points, tgt_node_xyz, POINT_LIMIT)

    src_padded_points = jnp.concatenate([src_points, jnp.zeros((1, 3), dtype=src_points.dtype)], axis=0)
    tgt_padded_points = jnp.concatenate([tgt_points, jnp.zeros((1, 3), dtype=tgt_points.dtype)], axis=0)
    src_node_knn_points = src_padded_points[src_knn_idx]
    tgt_node_knn_points = tgt_padded_points[tgt_knn_idx]

    tgt_ci, src_ci, node_corr_scores = _coarse_matching(jax.lax.stop_gradient(tgt_node_feats), jax.lax.stop_gradient(src_node_feats), tgt_node_masks, src_node_masks, NUM_CORR)

    src_ckm = src_knn_masks[src_ci]
    tgt_ckm = tgt_knn_masks[tgt_ci]
    src_ckp = src_node_knn_points[src_ci]
    tgt_ckp = tgt_node_knn_points[tgt_ci]
    src_ckidx = src_knn_idx[src_ci]
    tgt_ckidx = tgt_knn_idx[tgt_ci]

    src_pp_feats = jnp.concatenate([src_point_feats, jnp.zeros((1, D_COARSE), dtype=src_point_feats.dtype)], axis=0)
    tgt_pp_feats = jnp.concatenate([tgt_point_feats, jnp.zeros((1, D_COARSE), dtype=tgt_point_feats.dtype)], axis=0)
    src_ckf = src_pp_feats[src_ckidx]
    tgt_ckf = tgt_pp_feats[tgt_ckidx]

    ms = jnp.einsum('bnd,bmd->bnm', tgt_ckf, src_ckf) / (D_COARSE ** 0.5)
    ms = _log_optimal_transport(ms, tgt_ckm, src_ckm, alpha, NUM_SINKHORN_ITER)
    return ms, tgt_ckp, src_ckp, tgt_ckm, src_ckm, node_corr_scores


def _fine_matching(ms, tgt_ckp, src_ckp, tgt_ckm, src_ckm):
    s = ms[:, :-1, :-1]
    scores = jnp.exp(jax.lax.stop_gradient(s))
    valid = tgt_ckm[:, :, None] & src_ckm[:, None, :]
    scores = jnp.where(valid, scores, 0.0)
    row_vals, _ = jax.lax.top_k(scores, FINE_TOPK)
    row_mask = scores >= row_vals[..., -1:]
    scores_t = jnp.swapaxes(scores, 1, 2)
    col_vals, _ = jax.lax.top_k(scores_t, FINE_TOPK)
    col_mask = jnp.swapaxes(scores_t >= col_vals[..., -1:], 1, 2)
    corr_mask = row_mask & col_mask & (scores > CONF_THRESH) & valid
    sel = jnp.where(corr_mask, scores, 0.0)
    b, n, m = sel.shape
    vals, idx = jax.lax.top_k(sel.reshape(-1), FINE_TOPK_TOTAL)
    bi = idx // (n * m)
    rem = idx % (n * m)
    tgt_corr_points = tgt_ckp[bi, rem // m]
    src_corr_points = src_ckp[bi, rem % m]
    return tgt_corr_points, src_corr_points, vals


def reference(src_points, tgt_points, src_normals, tgt_normals, src_feats, tgt_feats, src_v, tgt_v, Wn1, Wn2, Wp1, W_coarse, b_coarse, W_fine, b_fine, alpha):
    ms, tgt_ckp, src_ckp, tgt_ckm, src_ckm, node_corr_scores = _forward(src_points, tgt_points, src_normals, tgt_normals, src_feats, tgt_feats, src_v, tgt_v, Wn1, Wn2, Wp1, W_coarse, b_coarse, W_fine, b_fine, alpha)
    tgt_corr_points, src_corr_points, corr_scores = _fine_matching(ms, tgt_ckp, src_ckp, tgt_ckm, src_ckm)
    return ms, tgt_corr_points, src_corr_points, corr_scores

if __name__ == "__main__":
    import jax
    _d = setup_inputs()
    print(jax.jit(kernel)(*tuple(_d.values())))

</pallas_src>

<mosaic_0001>
#map = affine_map<(d0, d1) -> (0, 0)>
#map1 = affine_map<(d0, d1) -> (0)>
module attributes {stable_mosaic.version = 14 : i64} {
  func.func @gather_kernel(%arg0: i32, %arg1: i32, %arg2: memref<20001x256xf32, #tpu.memory_space<hbm>>, %arg3: memref<16384xi32, #tpu.memory_space<hbm>>, %arg4: memref<16384x256xf32, #tpu.memory_space<hbm>>, %arg5: memref<256xi32, #tpu.memory_space<vmem>>, %arg6: memref<256x256xf32, #tpu.memory_space<vmem>>, %arg7: memref<!tpu.dma_semaphore, #tpu.memory_space<semaphore_mem>>) attributes {dimension_semantics = [#tpu.dimension_semantics<core_parallel>, #tpu.dimension_semantics<subcore_parallel>], iteration_bounds = array<i64: 2, 16>, scalar_prefetch = 0 : i64, scratch_operands = 3 : i64, tpu.core_type = #tpu.core_type<sc_vector_subcore>, window_params = [{transform_indices = #map}, {transform_indices = #map1}, {transform_indices = #map}]} {
    %mul3A = arith.constant 2 : i32
    %mul3A_0 = arith.muli %arg1, %mul3A : i32
    %add3A = arith.addi %mul3A_0, %arg0 : i32
    %mul3A_1 = arith.constant 512 : i32
    %mul3A_2 = arith.muli %add3A, %mul3A_1 : i32
    %add3A_3 = arith.constant 0 : i32
    %add3A_4 = arith.addi %mul3A_2, %add3A_3 : i32
    "tpu.region"() ({
      %run_scoped3A = tpu.sem_alloc : memref<!tpu.dma_semaphore, #tpu.memory_space<semaphore_mem>>
      %dma_start3A_19 = tpu.memref_slice %arg3[%add3A_4] : memref<16384xi32, #tpu.memory_space<hbm>> -> memref<256xi32, #tpu.memory_space<hbm>>
      %dma_start3A_20 = tpu.memref_slice %arg3[%add3A_4] : memref<16384xi32, #tpu.memory_space<hbm>> -> memref<256xi32, #tpu.memory_space<hbm>>
      tpu.enqueue_dma source(%dma_start3A_20 : memref<256xi32, #tpu.memory_space<hbm>>) target(%arg5 : memref<256xi32, #tpu.memory_space<vmem>>) target_semaphore(%run_scoped3A : memref<!tpu.dma_semaphore, #tpu.memory_space<semaphore_mem>>)
      %dma_wait3A_21 = tpu.memref_slice %arg3[%add3A_4] : memref<16384xi32, #tpu.memory_space<hbm>> -> memref<256xi32, #tpu.memory_space<hbm>>
      %dma_wait3A_22 = tpu.memref_slice %arg3[%add3A_4] : memref<16384xi32, #tpu.memory_space<hbm>> -> memref<256xi32, #tpu.memory_space<hbm>>
      tpu.wait_dma2 semaphore(%run_scoped3A : memref<!tpu.dma_semaphore, #tpu.memory_space<semaphore_mem>>) src(%dma_wait3A_22 : memref<256xi32, #tpu.memory_space<hbm>>) dst(%arg5 : memref<256xi32, #tpu.memory_space<vmem>>)
      tpu.yield
    }) : () -> ()
    %dma_start3A = arith.constant 0 : i32
    %dma_start3A_5 = arith.constant 0 : i32
    %dma_start3A_6 = tpu.memref_slice %arg2[%dma_start3A, %dma_start3A_5] : memref<20001x256xf32, #tpu.memory_space<hbm>> -> memref<20001x256xf32, #tpu.memory_space<hbm>>
    tpu.enqueue_indirect_dma source(%dma_start3A_6 : memref<20001x256xf32, #tpu.memory_space<hbm>>) target(%arg6 : memref<256x256xf32, #tpu.memory_space<vmem>>) offsets(%arg5 : memref<256xi32, #tpu.memory_space<vmem>>) semaphore(%arg7 : memref<!tpu.dma_semaphore, #tpu.memory_space<semaphore_mem>>)
    %dma_wait3A = arith.constant 0 : i32
    %dma_wait3A_7 = arith.constant 0 : i32
    %dma_wait3A_8 = tpu.memref_slice %arg2[%dma_wait3A, %dma_wait3A_7] : memref<20001x256xf32, #tpu.memory_space<hbm>> -> memref<20001x256xf32, #tpu.memory_space<hbm>>
    tpu.wait_indirect_dma semaphore(%arg7 : memref<!tpu.dma_semaphore, #tpu.memory_space<semaphore_mem>>) src(%dma_wait3A_8 : memref<20001x256xf32, #tpu.memory_space<hbm>>) dst(%arg6 : memref<256x256xf32, #tpu.memory_space<vmem>>)
    "tpu.region"() ({
      %run_scoped3A = tpu.sem_alloc : memref<!tpu.dma_semaphore, #tpu.memory_space<semaphore_mem>>
      %dma_start3A_19 = arith.constant 0 : i32
      %dma_start3A_20 = tpu.memref_slice %arg4[%add3A_4, %dma_start3A_19] : memref<16384x256xf32, #tpu.memory_space<hbm>> -> memref<256x256xf32, #tpu.memory_space<hbm>>
      %dma_start3A_21 = arith.constant 0 : i32
      %dma_start3A_22 = tpu.memref_slice %arg4[%add3A_4, %dma_start3A_21] : memref<16384x256xf32, #tpu.memory_space<hbm>> -> memref<256x256xf32, #tpu.memory_space<hbm>>
      tpu.enqueue_dma source(%arg6 : memref<256x256xf32, #tpu.memory_space<vmem>>) target(%dma_start3A_22 : memref<256x256xf32, #tpu.memory_space<hbm>>) target_semaphore(%run_scoped3A : memref<!tpu.dma_semaphore, #tpu.memory_space<semaphore_mem>>)
      %dma_wait3A_23 = arith.constant 0 : i32
      %dma_wait3A_24 = tpu.memref_slice %arg4[%add3A_4, %dma_wait3A_23] : memref<16384x256xf32, #tpu.memory_space<hbm>> -> memref<256x256xf32, #tpu.memory_space<hbm>>
      %dma_wait3A_25 = arith.constant 0 : i32
      %dma_wait3A_26 = tpu.memref_slice %arg4[%add3A_4, %dma_wait3A_25] : memref<16384x256xf32, #tpu.memory_space<hbm>> -> memref<256x256xf32, #tpu.memory_space<hbm>>
      tpu.wait_dma2 semaphore(%run_scoped3A : memref<!tpu.dma_semaphore, #tpu.memory_space<semaphore_mem>>) src(%arg6 : memref<256x256xf32, #tpu.memory_space<vmem>>) dst(%dma_wait3A_26 : memref<256x256xf32, #tpu.memory_space<hbm>>)
      tpu.yield
    }) : () -> ()
    %mul3A_9 = arith.constant 512 : i32
    %mul3A_10 = arith.muli %add3A, %mul3A_9 : i32
    %add3A_11 = arith.constant 256 : i32
    %add3A_12 = arith.addi %mul3A_10, %add3A_11 : i32
    "tpu.region"() ({
      %run_scoped3A = tpu.sem_alloc : memref<!tpu.dma_semaphore, #tpu.memory_space<semaphore_mem>>
      %dma_start3A_19 = tpu.memref_slice %arg3[%add3A_12] : memref<16384xi32, #tpu.memory_space<hbm>> -> memref<256xi32, #tpu.memory_space<hbm>>
      %dma_start3A_20 = tpu.memref_slice %arg3[%add3A_12] : memref<16384xi32, #tpu.memory_space<hbm>> -> memref<256xi32, #tpu.memory_space<hbm>>
      tpu.enqueue_dma source(%dma_start3A_20 : memref<256xi32, #tpu.memory_space<hbm>>) target(%arg5 : memref<256xi32, #tpu.memory_space<vmem>>) target_semaphore(%run_scoped3A : memref<!tpu.dma_semaphore, #tpu.memory_space<semaphore_mem>>)
      %dma_wait3A_21 = tpu.memref_slice %arg3[%add3A_12] : memref<16384xi32, #tpu.memory_space<hbm>> -> memref<256xi32, #tpu.memory_space<hbm>>
      %dma_wait3A_22 = tpu.memref_slice %arg3[%add3A_12] : memref<16384xi32, #tpu.memory_space<hbm>> -> memref<256xi32, #tpu.memory_space<hbm>>
      tpu.wait_dma2 semaphore(%run_scoped3A : memref<!tpu.dma_semaphore, #tpu.memory_space<semaphore_mem>>) src(%dma_wait3A_22 : memref<256xi32, #tpu.memory_space<hbm>>) dst(%arg5 : memref<256xi32, #tpu.memory_space<vmem>>)
      tpu.yield
    }) : () -> ()
    %dma_start3A_13 = arith.constant 0 : i32
    %dma_start3A_14 = arith.constant 0 : i32
    %dma_start3A_15 = tpu.memref_slice %arg2[%dma_start3A_13, %dma_start3A_14] : memref<20001x256xf32, #tpu.memory_space<hbm>> -> memref<20001x256xf32, #tpu.memory_space<hbm>>
    tpu.enqueue_indirect_dma source(%dma_start3A_15 : memref<20001x256xf32, #tpu.memory_space<hbm>>) target(%arg6 : memref<256x256xf32, #tpu.memory_space<vmem>>) offsets(%arg5 : memref<256xi32, #tpu.memory_space<vmem>>) semaphore(%arg7 : memref<!tpu.dma_semaphore, #tpu.memory_space<semaphore_mem>>)
    %dma_wait3A_16 = arith.constant 0 : i32
    %dma_wait3A_17 = arith.constant 0 : i32
    %dma_wait3A_18 = tpu.memref_slice %arg2[%dma_wait3A_16, %dma_wait3A_17] : memref<20001x256xf32, #tpu.memory_space<hbm>> -> memref<20001x256xf32, #tpu.memory_space<hbm>>
    tpu.wait_indirect_dma semaphore(%arg7 : memref<!tpu.dma_semaphore, #tpu.memory_space<semaphore_mem>>) src(%dma_wait3A_18 : memref<20001x256xf32, #tpu.memory_space<hbm>>) dst(%arg6 : memref<256x256xf32, #tpu.memory_space<vmem>>)
    "tpu.region"() ({
      %run_scoped3A = tpu.sem_alloc : memref<!tpu.dma_semaphore, #tpu.memory_space<semaphore_mem>>
      %dma_start3A_19 = arith.constant 0 : i32
      %dma_start3A_20 = tpu.memref_slice %arg4[%add3A_12, %dma_start3A_19] : memref<16384x256xf32, #tpu.memory_space<hbm>> -> memref<256x256xf32, #tpu.memory_space<hbm>>
      %dma_start3A_21 = arith.constant 0 : i32
      %dma_start3A_22 = tpu.memref_slice %arg4[%add3A_12, %dma_start3A_21] : memref<16384x256xf32, #tpu.memory_space<hbm>> -> memref<256x256xf32, #tpu.memory_space<hbm>>
      tpu.enqueue_dma source(%arg6 : memref<256x256xf32, #tpu.memory_space<vmem>>) target(%dma_start3A_22 : memref<256x256xf32, #tpu.memory_space<hbm>>) target_semaphore(%run_scoped3A : memref<!tpu.dma_semaphore, #tpu.memory_space<semaphore_mem>>)
      %dma_wait3A_23 = arith.constant 0 : i32
      %dma_wait3A_24 = tpu.memref_slice %arg4[%add3A_12, %dma_wait3A_23] : memref<16384x256xf32, #tpu.memory_space<hbm>> -> memref<256x256xf32, #tpu.memory_space<hbm>>
      %dma_wait3A_25 = arith.constant 0 : i32
      %dma_wait3A_26 = tpu.memref_slice %arg4[%add3A_12, %dma_wait3A_25] : memref<16384x256xf32, #tpu.memory_space<hbm>> -> memref<256x256xf32, #tpu.memory_space<hbm>>
      tpu.wait_dma2 semaphore(%run_scoped3A : memref<!tpu.dma_semaphore, #tpu.memory_space<semaphore_mem>>) src(%arg6 : memref<256x256xf32, #tpu.memory_space<vmem>>) dst(%dma_wait3A_26 : memref<256x256xf32, #tpu.memory_space<hbm>>)
      tpu.yield
    }) : () -> ()
    return
  }
}

#map = affine_map<(d0, d1) -> (0, 0)>
#map1 = affine_map<(d0, d1) -> (0)>
module attributes {stable_mosaic.version = 14 : i64} {
  func.func @gather_kernel(%arg0: i32, %arg1: i32, %arg2: memref<20001x256xf32, #tpu.memory_space<hbm>>, %arg3: memref<16384xi32, #tpu.memory_space<hbm>>, %arg4: memref<16384x256xf32, #tpu.memory_space<hbm>>, %arg5: memref<256xi32, #tpu.memory_space<vmem>>, %arg6: memref<256x256xf32, #tpu.memory_space<vmem>>, %arg7: memref<!tpu.dma_semaphore, #tpu.memory_space<semaphore_mem>>) attributes {dimension_semantics = [#tpu.dimension_semantics<core_parallel>, #tpu.dimension_semantics<subcore_parallel>], iteration_bounds = array<i64: 2, 16>, scalar_prefetch = 0 : i64, scratch_operands = 3 : i64, tpu.core_type = #tpu.core_type<sc_vector_subcore>, window_params = [{transform_indices = #map}, {transform_indices = #map1}, {transform_indices = #map}]} {
    %mul3A = arith.constant 2 : i32
    %mul3A_0 = arith.muli %arg1, %mul3A : i32
    %add3A = arith.addi %mul3A_0, %arg0 : i32
    %mul3A_1 = arith.constant 512 : i32
    %mul3A_2 = arith.muli %add3A, %mul3A_1 : i32
    %add3A_3 = arith.constant 0 : i32
    %add3A_4 = arith.addi %mul3A_2, %add3A_3 : i32
    "tpu.region"() ({
      %run_scoped3A = tpu.sem_alloc : memref<!tpu.dma_semaphore, #tpu.memory_space<semaphore_mem>>
      %dma_start3A_19 = tpu.memref_slice %arg3[%add3A_4] : memref<16384xi32, #tpu.memory_space<hbm>> -> memref<256xi32, #tpu.memory_space<hbm>>
      %dma_start3A_20 = tpu.memref_slice %arg3[%add3A_4] : memref<16384xi32, #tpu.memory_space<hbm>> -> memref<256xi32, #tpu.memory_space<hbm>>
      tpu.enqueue_dma source(%dma_start3A_20 : memref<256xi32, #tpu.memory_space<hbm>>) target(%arg5 : memref<256xi32, #tpu.memory_space<vmem>>) target_semaphore(%run_scoped3A : memref<!tpu.dma_semaphore, #tpu.memory_space<semaphore_mem>>)
      %dma_wait3A_21 = tpu.memref_slice %arg3[%add3A_4] : memref<16384xi32, #tpu.memory_space<hbm>> -> memref<256xi32, #tpu.memory_space<hbm>>
      %dma_wait3A_22 = tpu.memref_slice %arg3[%add3A_4] : memref<16384xi32, #tpu.memory_space<hbm>> -> memref<256xi32, #tpu.memory_space<hbm>>
      tpu.wait_dma2 semaphore(%run_scoped3A : memref<!tpu.dma_semaphore, #tpu.memory_space<semaphore_mem>>) src(%dma_wait3A_22 : memref<256xi32, #tpu.memory_space<hbm>>) dst(%arg5 : memref<256xi32, #tpu.memory_space<vmem>>)
      tpu.yield
    }) : () -> ()
    %dma_start3A = arith.constant 0 : i32
    %dma_start3A_5 = arith.constant 0 : i32
    %dma_start3A_6 = tpu.memref_slice %arg2[%dma_start3A, %dma_start3A_5] : memref<20001x256xf32, #tpu.memory_space<hbm>> -> memref<20001x256xf32, #tpu.memory_space<hbm>>
    tpu.enqueue_indirect_dma source(%dma_start3A_6 : memref<20001x256xf32, #tpu.memory_space<hbm>>) target(%arg6 : memref<256x256xf32, #tpu.memory_space<vmem>>) offsets(%arg5 : memref<256xi32, #tpu.memory_space<vmem>>) semaphore(%arg7 : memref<!tpu.dma_semaphore, #tpu.memory_space<semaphore_mem>>)
    %dma_wait3A = arith.constant 0 : i32
    %dma_wait3A_7 = arith.constant 0 : i32
    %dma_wait3A_8 = tpu.memref_slice %arg2[%dma_wait3A, %dma_wait3A_7] : memref<20001x256xf32, #tpu.memory_space<hbm>> -> memref<20001x256xf32, #tpu.memory_space<hbm>>
    tpu.wait_indirect_dma semaphore(%arg7 : memref<!tpu.dma_semaphore, #tpu.memory_space<semaphore_mem>>) src(%dma_wait3A_8 : memref<20001x256xf32, #tpu.memory_space<hbm>>) dst(%arg6 : memref<256x256xf32, #tpu.memory_space<vmem>>)
    "tpu.region"() ({
      %run_scoped3A = tpu.sem_alloc : memref<!tpu.dma_semaphore, #tpu.memory_space<semaphore_mem>>
      %dma_start3A_19 = arith.constant 0 : i32
      %dma_start3A_20 = tpu.memref_slice %arg4[%add3A_4, %dma_start3A_19] : memref<16384x256xf32, #tpu.memory_space<hbm>> -> memref<256x256xf32, #tpu.memory_space<hbm>>
      %dma_start3A_21 = arith.constant 0 : i32
      %dma_start3A_22 = tpu.memref_slice %arg4[%add3A_4, %dma_start3A_21] : memref<16384x256xf32, #tpu.memory_space<hbm>> -> memref<256x256xf32, #tpu.memory_space<hbm>>
      tpu.enqueue_dma source(%arg6 : memref<256x256xf32, #tpu.memory_space<vmem>>) target(%dma_start3A_22 : memref<256x256xf32, #tpu.memory_space<hbm>>) target_semaphore(%run_scoped3A : memref<!tpu.dma_semaphore, #tpu.memory_space<semaphore_mem>>)
      %dma_wait3A_23 = arith.constant 0 : i32
      %dma_wait3A_24 = tpu.memref_slice %arg4[%add3A_4, %dma_wait3A_23] : memref<16384x256xf32, #tpu.memory_space<hbm>> -> memref<256x256xf32, #tpu.memory_space<hbm>>
      %dma_wait3A_25 = arith.constant 0 : i32
      %dma_wait3A_26 = tpu.memref_slice %arg4[%add3A_4, %dma_wait3A_25] : memref<16384x256xf32, #tpu.memory_space<hbm>> -> memref<256x256xf32, #tpu.memory_space<hbm>>
      tpu.wait_dma2 semaphore(%run_scoped3A : memref<!tpu.dma_semaphore, #tpu.memory_space<semaphore_mem>>) src(%arg6 : memref<256x256xf32, #tpu.memory_space<vmem>>) dst(%dma_wait3A_26 : memref<256x256xf32, #tpu.memory_space<hbm>>)
      tpu.yield
    }) : () -> ()
    %mul3A_9 = arith.constant 512 : i32
    %mul3A_10 = arith.muli %add3A, %mul3A_9 : i32
    %add3A_11 = arith.constant 256 : i32
    %add3A_12 = arith.addi %mul3A_10, %add3A_11 : i32
    "tpu.region"() ({
      %run_scoped3A = tpu.sem_alloc : memref<!tpu.dma_semaphore, #tpu.memory_space<semaphore_mem>>
      %dma_start3A_19 = tpu.memref_slice %arg3[%add3A_12] : memref<16384xi32, #tpu.memory_space<hbm>> -> memref<256xi32, #tpu.memory_space<hbm>>
      %dma_start3A_20 = tpu.memref_slice %arg3[%add3A_12] : memref<16384xi32, #tpu.memory_space<hbm>> -> memref<256xi32, #tpu.memory_space<hbm>>
      tpu.enqueue_dma source(%dma_start3A_20 : memref<256xi32, #tpu.memory_space<hbm>>) target(%arg5 : memref<256xi32, #tpu.memory_space<vmem>>) target_semaphore(%run_scoped3A : memref<!tpu.dma_semaphore, #tpu.memory_space<semaphore_mem>>)
      %dma_wait3A_21 = tpu.memref_slice %arg3[%add3A_12] : memref<16384xi32, #tpu.memory_space<hbm>> -> memref<256xi32, #tpu.memory_space<hbm>>
      %dma_wait3A_22 = tpu.memref_slice %arg3[%add3A_12] : memref<16384xi32, #tpu.memory_space<hbm>> -> memref<256xi32, #tpu.memory_space<hbm>>
      tpu.wait_dma2 semaphore(%run_scoped3A : memref<!tpu.dma_semaphore, #tpu.memory_space<semaphore_mem>>) src(%dma_wait3A_22 : memref<256xi32, #tpu.memory_space<hbm>>) dst(%arg5 : memref<256xi32, #tpu.memory_space<vmem>>)
      tpu.yield
    }) : () -> ()
    %dma_start3A_13 = arith.constant 0 : i32
    %dma_start3A_14 = arith.constant 0 : i32
    %dma_start3A_15 = tpu.memref_slice %arg2[%dma_start3A_13, %dma_start3A_14] : memref<20001x256xf32, #tpu.memory_space<hbm>> -> memref<20001x256xf32, #tpu.memory_space<hbm>>
    tpu.enqueue_indirect_dma source(%dma_start3A_15 : memref<20001x256xf32, #tpu.memory_space<hbm>>) target(%arg6 : memref<256x256xf32, #tpu.memory_space<vmem>>) offsets(%arg5 : memref<256xi32, #tpu.memory_space<vmem>>) semaphore(%arg7 : memref<!tpu.dma_semaphore, #tpu.memory_space<semaphore_mem>>)
    %dma_wait3A_16 = arith.constant 0 : i32
    %dma_wait3A_17 = arith.constant 0 : i32
    %dma_wait3A_18 = tpu.memref_slice %arg2[%dma_wait3A_16, %dma_wait3A_17] : memref<20001x256xf32, #tpu.memory_space<hbm>> -> memref<20001x256xf32, #tpu.memory_space<hbm>>
    tpu.wait_indirect_dma semaphore(%arg7 : memref<!tpu.dma_semaphore, #tpu.memory_space<semaphore_mem>>) src(%dma_wait3A_18 : memref<20001x256xf32, #tpu.memory_space<hbm>>) dst(%arg6 : memref<256x256xf32, #tpu.memory_space<vmem>>)
    "tpu.region"() ({
      %run_scoped3A = tpu.sem_alloc : memref<!tpu.dma_semaphore, #tpu.memory_space<semaphore_mem>>
      %dma_start3A_19 = arith.constant 0 : i32
      %dma_start3A_20 = tpu.memref_slice %arg4[%add3A_12, %dma_start3A_19] : memref<16384x256xf32, #tpu.memory_space<hbm>> -> memref<256x256xf32, #tpu.memory_space<hbm>>
      %dma_start3A_21 = arith.constant 0 : i32
      %dma_start3A_22 = tpu.memref_slice %arg4[%add3A_12, %dma_start3A_21] : memref<16384x256xf32, #tpu.memory_space<hbm>> -> memref<256x256xf32, #tpu.memory_space<hbm>>
      tpu.enqueue_dma source(%arg6 : memref<256x256xf32, #tpu.memory_space<vmem>>) target(%dma_start3A_22 : memref<256x256xf32, #tpu.memory_space<hbm>>) target_semaphore(%run_scoped3A : memref<!tpu.dma_semaphore, #tpu.memory_space<semaphore_mem>>)
      %dma_wait3A_23 = arith.constant 0 : i32
      %dma_wait3A_24 = tpu.memref_slice %arg4[%add3A_12, %dma_wait3A_23] : memref<16384x256xf32, #tpu.memory_space<hbm>> -> memref<256x256xf32, #tpu.memory_space<hbm>>
      %dma_wait3A_25 = arith.constant 0 : i32
      %dma_wait3A_26 = tpu.memref_slice %arg4[%add3A_12, %dma_wait3A_25] : memref<16384x256xf32, #tpu.memory_space<hbm>> -> memref<256x256xf32, #tpu.memory_space<hbm>>
      tpu.wait_dma2 semaphore(%run_scoped3A : memref<!tpu.dma_semaphore, #tpu.memory_space<semaphore_mem>>) src(%arg6 : memref<256x256xf32, #tpu.memory_space<vmem>>) dst(%dma_wait3A_26 : memref<256x256xf32, #tpu.memory_space<hbm>>)
      tpu.yield
    }) : () -> ()
    return
  }
}

module attributes {stable_mosaic.version = 14 : i64} {
  func.func @_node_feats_body(%arg0: memref<313x10xf32, #tpu.memory_space<vmem>>, %arg1: memref<10x128xf32, #tpu.memory_space<vmem>>, %arg2: memref<128x256xf32, #tpu.memory_space<vmem>>, %arg3: memref<256x256xf32, #tpu.memory_space<vmem>>, %arg4: memref<1x256xf32, #tpu.memory_space<vmem>>, %arg5: memref<313x256xf32, #tpu.memory_space<vmem>>) attributes {dimension_semantics = [], scalar_prefetch = 0 : i64, scratch_operands = 0 : i64, tpu.core_type = #tpu.core_type<tc>} {
    %get3A = arith.constant 0 : index
    %get3A_0 = arith.constant 0 : index
    %get3A_1 = vector.load %arg0[%get3A, %get3A_0] : memref<313x10xf32, #tpu.memory_space<vmem>>, vector<313x10xf32>
    %get3A_2 = arith.constant 0 : index
    %get3A_3 = arith.constant 0 : index
    %get3A_4 = vector.load %arg1[%get3A_2, %get3A_3] : memref<10x128xf32, #tpu.memory_space<vmem>>, vector<10x128xf32>
    %dot_general3A = arith.constant dense<0.000000e+00> : vector<313x128xf32>
    %dot_general3A_5 = tpu.matmul %get3A_1, %get3A_4, %dot_general3A {dimension_numbers = #tpu.dot_dimension_numbers<[1], [0], [0], [1], [0, 0, 1, 1], [], []>, transpose_lhs_hint = false} : vector<313x10xf32>, vector<10x128xf32>, vector<313x128xf32> -> vector<313x128xf32>
    %max3A = arith.constant 0.000000e+00 : f32
    %max3A_6 = vector.broadcast %max3A : f32 to vector<313x128xf32>
    %max3A_7 = arith.maximumf %dot_general3A_5, %max3A_6 : vector<313x128xf32>
    %get3A_8 = arith.constant 0 : index
    %get3A_9 = arith.constant 0 : index
    %get3A_10 = vector.load %arg2[%get3A_8, %get3A_9] : memref<128x256xf32, #tpu.memory_space<vmem>>, vector<128x256xf32>
    %dot_general3A_11 = arith.constant dense<0.000000e+00> : vector<313x256xf32>
    %dot_general3A_12 = tpu.matmul %max3A_7, %get3A_10, %dot_general3A_11 {dimension_numbers = #tpu.dot_dimension_numbers<[1], [0], [0], [1], [0, 0, 1, 1], [], []>, transpose_lhs_hint = false} : vector<313x128xf32>, vector<128x256xf32>, vector<313x256xf32> -> vector<313x256xf32>
    %get3A_13 = arith.constant 0 : index
    %get3A_14 = arith.constant 0 : index
    %get3A_15 = vector.load %arg3[%get3A_13, %get3A_14] : memref<256x256xf32, #tpu.memory_space<vmem>>, vector<256x256xf32>
    %dot_general3A_16 = arith.constant dense<0.000000e+00> : vector<313x256xf32>
    %dot_general3A_17 = tpu.matmul %dot_general3A_12, %get3A_15, %dot_general3A_16 {dimension_numbers = #tpu.dot_dimension_numbers<[1], [0], [0], [1], [0, 0, 1, 1], [], []>, transpose_lhs_hint = false} : vector<313x256xf32>, vector<256x256xf32>, vector<313x256xf32> -> vector<313x256xf32>
    %get3A_18 = arith.constant 0 : index
    %get3A_19 = arith.constant 0 : index
    %get3A_20 = vector.load %arg4[%get3A_18, %get3A_19] : memref<1x256xf32, #tpu.memory_space<vmem>>, vector<1x256xf32>
    %add3A = vector.broadcast %get3A_20 : vector<1x256xf32> to vector<313x256xf32>
    %add3A_21 = arith.addf %dot_general3A_17, %add3A : vector<313x256xf32>
    %mul3A = arith.mulf %add3A_21, %add3A_21 : vector<313x256xf32>
    %reduce_sum3A = arith.constant dense<0.000000e+00> : vector<313xf32>
    %reduce_sum3A_22 = vector.multi_reduction <add>, %mul3A, %reduce_sum3A [1] : vector<313x256xf32> to vector<313xf32>
    %broadcast_in_dim3A = vector.shape_cast %reduce_sum3A_22 : vector<313xf32> to vector<313x1xf32>
    %sqrt3A = math.sqrt %broadcast_in_dim3A : vector<313x1xf32>
    %add3A_23 = arith.constant 9.99999996E-13 : f32
    %add3A_24 = vector.broadcast %add3A_23 : f32 to vector<313x1xf32>
    %add3A_25 = arith.addf %sqrt3A, %add3A_24 : vector<313x1xf32>
    %div3A = vector.broadcast %add3A_25 : vector<313x1xf32> to vector<313x256xf32>
    %div3A_26 = arith.divf %add3A_21, %div3A : vector<313x256xf32>
    %swap3A = arith.constant 0 : index
    %swap3A_27 = arith.constant 0 : index
    %swap3A_28 = vector.load %arg5[%swap3A, %swap3A_27] : memref<313x256xf32, #tpu.memory_space<vmem>>, vector<313x256xf32>
    tpu.vector_store %arg5[%swap3A, %swap3A_27], %div3A_26 {strides = array<i32>} : memref<313x256xf32, #tpu.memory_space<vmem>>, vector<313x256xf32>,
    return
  }
}

module attributes {stable_mosaic.version = 14 : i64} {
  func.func @_point_feats_body(%arg0: i32, %arg1: memref<2000x10xf32, #tpu.memory_space<vmem>>, %arg2: memref<10x64xf32, #tpu.memory_space<vmem>>, %arg3: memref<64x256xf32, #tpu.memory_space<vmem>>, %arg4: memref<1x256xf32, #tpu.memory_space<vmem>>, %arg5: memref<2000x256xf32, #tpu.memory_space<vmem>>) attributes {dimension_semantics = [#tpu.dimension_semantics<arbitrary>], iteration_bounds = array<i64: 10>, scalar_prefetch = 0 : i64, scratch_operands = 0 : i64, tpu.core_type = #tpu.core_type<tc>, window_params = [{transform_indices = @transform_0, window_bounds = array<i64: 2000, 10>}, {pipeline_mode = #tpu.pipeline_mode<synchronous>, transform_indices = @transform_1, window_bounds = array<i64: 10, 64>}, {pipeline_mode = #tpu.pipeline_mode<synchronous>, transform_indices = @transform_2, window_bounds = array<i64: 64, 256>}, {pipeline_mode = #tpu.pipeline_mode<synchronous>, transform_indices = @transform_3, window_bounds = array<i64: 1, 256>}, {transform_indices = @transform_4, window_bounds = array<i64: 2000, 256>}]} {
    %get3A = arith.constant 0 : index
    %get3A_0 = arith.constant 0 : index
    %get3A_1 = vector.load %arg1[%get3A, %get3A_0] : memref<2000x10xf32, #tpu.memory_space<vmem>>, vector<2000x10xf32>
    %get3A_2 = arith.constant 0 : index
    %get3A_3 = arith.constant 0 : index
    %get3A_4 = vector.load %arg2[%get3A_2, %get3A_3] : memref<10x64xf32, #tpu.memory_space<vmem>>, vector<10x64xf32>
    %dot_general3A = arith.constant dense<0.000000e+00> : vector<2000x64xf32>
    %dot_general3A_5 = tpu.matmul %get3A_1, %get3A_4, %dot_general3A {dimension_numbers = #tpu.dot_dimension_numbers<[1], [0], [0], [1], [0, 0, 1, 1], [], []>, transpose_lhs_hint = false} : vector<2000x10xf32>, vector<10x64xf32>, vector<2000x64xf32> -> vector<2000x64xf32>
    %max3A = arith.constant 0.000000e+00 : f32
    %max3A_6 = vector.broadcast %max3A : f32 to vector<2000x64xf32>
    %max3A_7 = arith.maximumf %dot_general3A_5, %max3A_6 : vector<2000x64xf32>
    %get3A_8 = arith.constant 0 : index
    %get3A_9 = arith.constant 0 : index
    %get3A_10 = vector.load %arg3[%get3A_8, %get3A_9] : memref<64x256xf32, #tpu.memory_space<vmem>>, vector<64x256xf32>
    %dot_general3A_11 = arith.constant dense<0.000000e+00> : vector<2000x256xf32>
    %dot_general3A_12 = tpu.matmul %max3A_7, %get3A_10, %dot_general3A_11 {dimension_numbers = #tpu.dot_dimension_numbers<[1], [0], [0], [1], [0, 0, 1, 1], [], []>, transpose_lhs_hint = false} : vector<2000x64xf32>, vector<64x256xf32>, vector<2000x256xf32> -> vector<2000x256xf32>
    %get3A_13 = arith.constant 0 : index
    %get3A_14 = arith.constant 0 : index
    %get3A_15 = vector.load %arg4[%get3A_13, %get3A_14] : memref<1x256xf32, #tpu.memory_space<vmem>>, vector<1x256xf32>
    %add3A = vector.broadcast %get3A_15 : vector<1x256xf32> to vector<2000x256xf32>
    %add3A_16 = arith.addf %dot_general3A_12, %add3A : vector<2000x256xf32>
    %swap3A = arith.constant 0 : index
    %swap3A_17 = arith.constant 0 : index
    %swap3A_18 = vector.load %arg5[%swap3A, %swap3A_17] : memref<2000x256xf32, #tpu.memory_space<vmem>>, vector<2000x256xf32>
    tpu.vector_store %arg5[%swap3A, %swap3A_17], %add3A_16 {strides = array<i32>} : memref<2000x256xf32, #tpu.memory_space<vmem>>, vector<2000x256xf32>,
    return
  }
  func.func @transform_0(%arg0: i32) -> (i32, i32) {
    %c0_i32 = arith.constant 0 : i32
    %c0_i32_0 = arith.constant 0 : i32
    return %arg0, %c0_i32 : i32, i32
  }
  func.func @transform_1(%arg0: i32) -> (i32, i32) {
    %c0_i32 = arith.constant 0 : i32
    %c0_i32_0 = arith.constant 0 : i32
    %c0_i32_1 = arith.constant 0 : i32
    return %c0_i32, %c0_i32_0 : i32, i32
  }
  func.func @transform_2(%arg0: i32) -> (i32, i32) {
    %c0_i32 = arith.constant 0 : i32
    %c0_i32_0 = arith.constant 0 : i32
    %c0_i32_1 = arith.constant 0 : i32
    return %c0_i32, %c0_i32_0 : i32, i32
  }
  func.func @transform_3(%arg0: i32) -> (i32, i32) {
    %c0_i32 = arith.constant 0 : i32
    %c0_i32_0 = arith.constant 0 : i32
    %c0_i32_1 = arith.constant 0 : i32
    return %c0_i32, %c0_i32_0 : i32, i32
  }
  func.func @transform_4(%arg0: i32) -> (i32, i32) {
    %c0_i32 = arith.constant 0 : i32
    %c0_i32_0 = arith.constant 0 : i32
    return %arg0, %c0_i32 : i32, i32
  }
}

module attributes {stable_mosaic.version = 14 : i64} {
  func.func @_sim_body(%arg0: i32, %arg1: memref<8x64x256xf32, #tpu.memory_space<vmem>>, %arg2: memref<8x64x256xf32, #tpu.memory_space<vmem>>, %arg3: memref<8x64x64xf32, #tpu.memory_space<vmem>>) attributes {dimension_semantics = [#tpu.dimension_semantics<arbitrary>], iteration_bounds = array<i64: 32>, scalar_prefetch = 0 : i64, scratch_operands = 0 : i64, tpu.core_type = #tpu.core_type<tc>, window_params = [{transform_indices = @transform_0, window_bounds = array<i64: 8, 64, 256>}, {transform_indices = @transform_1, window_bounds = array<i64: 8, 64, 256>}, {transform_indices = @transform_2, window_bounds = array<i64: 8, 64, 64>}]} {
    %get3A = arith.constant 0 : index
    %get3A_0 = arith.constant 0 : index
    %get3A_1 = arith.constant 0 : index
    %get3A_2 = vector.load %arg1[%get3A, %get3A_0, %get3A_1] : memref<8x64x256xf32, #tpu.memory_space<vmem>>, vector<8x64x256xf32>
    %get3A_3 = arith.constant 0 : index
    %get3A_4 = arith.constant 0 : index
    %get3A_5 = arith.constant 0 : index
    %get3A_6 = vector.load %arg2[%get3A_3, %get3A_4, %get3A_5] : memref<8x64x256xf32, #tpu.memory_space<vmem>>, vector<8x64x256xf32>
    %slice3A = vector.extract_strided_slice %get3A_2 {offsets = [0, 0, 0], sizes = [1, 64, 256], strides = [1, 1, 1]} : vector<8x64x256xf32> to vector<1x64x256xf32>
    %squeeze3A = vector.shape_cast %slice3A : vector<1x64x256xf32> to vector<64x256xf32>
    %slice3A_7 = vector.extract_strided_slice %get3A_6 {offsets = [0, 0, 0], sizes = [1, 64, 256], strides = [1, 1, 1]} : vector<8x64x256xf32> to vector<1x64x256xf32>
    %squeeze3A_8 = vector.shape_cast %slice3A_7 : vector<1x64x256xf32> to vector<64x256xf32>
    %transpose3A = tpu.transpose %squeeze3A_8, [1, 0] : vector<64x256xf32> -> vector<256x64xf32>
    %dot_general3A = arith.constant dense<0.000000e+00> : vector<64x64xf32>
    %dot_general3A_9 = tpu.matmul %squeeze3A, %transpose3A, %dot_general3A {dimension_numbers = #tpu.dot_dimension_numbers<[1], [0], [0], [1], [0, 0, 1, 1], [], []>, transpose_lhs_hint = false} : vector<64x256xf32>, vector<256x64xf32>, vector<64x64xf32> -> vector<64x64xf32>
    %mul3A = arith.constant 6.250000e-02 : f32
    %mul3A_10 = vector.broadcast %mul3A : f32 to vector<64x64xf32>
    %mul3A_11 = arith.mulf %dot_general3A_9, %mul3A_10 : vector<64x64xf32>
    %broadcast_in_dim3A = vector.shape_cast %mul3A_11 : vector<64x64xf32> to vector<1x64x64xf32>
    %slice3A_12 = vector.extract_strided_slice %get3A_2 {offsets = [1, 0, 0], sizes = [1, 64, 256], strides = [1, 1, 1]} : vector<8x64x256xf32> to vector<1x64x256xf32>
    %squeeze3A_13 = vector.shape_cast %slice3A_12 : vector<1x64x256xf32> to vector<64x256xf32>
    %slice3A_14 = vector.extract_strided_slice %get3A_6 {offsets = [1, 0, 0], sizes = [1, 64, 256], strides = [1, 1, 1]} : vector<8x64x256xf32> to vector<1x64x256xf32>
    %squeeze3A_15 = vector.shape_cast %slice3A_14 : vector<1x64x256xf32> to vector<64x256xf32>
    %transpose3A_16 = tpu.transpose %squeeze3A_15, [1, 0] : vector<64x256xf32> -> vector<256x64xf32>
    %dot_general3A_17 = arith.constant dense<0.000000e+00> : vector<64x64xf32>
    %dot_general3A_18 = tpu.matmul %squeeze3A_13, %transpose3A_16, %dot_general3A_17 {dimension_numbers = #tpu.dot_dimension_numbers<[1], [0], [0], [1], [0, 0, 1, 1], [], []>, transpose_lhs_hint = false} : vector<64x256xf32>, vector<256x64xf32>, vector<64x64xf32> -> vector<64x64xf32>
    %mul3A_19 = arith.constant 6.250000e-02 : f32
    %mul3A_20 = vector.broadcast %mul3A_19 : f32 to vector<64x64xf32>
    %mul3A_21 = arith.mulf %dot_general3A_18, %mul3A_20 : vector<64x64xf32>
    %broadcast_in_dim3A_22 = vector.shape_cast %mul3A_21 : vector<64x64xf32> to vector<1x64x64xf32>
    %slice3A_23 = vector.extract_strided_slice %get3A_2 {offsets = [2, 0, 0], sizes = [1, 64, 256], strides = [1, 1, 1]} : vector<8x64x256xf32> to vector<1x64x256xf32>
    %squeeze3A_24 = vector.shape_cast %slice3A_23 : vector<1x64x256xf32> to vector<64x256xf32>
    %slice3A_25 = vector.extract_strided_slice %get3A_6 {offsets = [2, 0, 0], sizes = [1, 64, 256], strides = [1, 1, 1]} : vector<8x64x256xf32> to vector<1x64x256xf32>
    %squeeze3A_26 = vector.shape_cast %slice3A_25 : vector<1x64x256xf32> to vector<64x256xf32>
    %transpose3A_27 = tpu.transpose %squeeze3A_26, [1, 0] : vector<64x256xf32> -> vector<256x64xf32>
    %dot_general3A_28 = arith.constant dense<0.000000e+00> : vector<64x64xf32>
    %dot_general3A_29 = tpu.matmul %squeeze3A_24, %transpose3A_27, %dot_general3A_28 {dimension_numbers = #tpu.dot_dimension_numbers<[1], [0], [0], [1], [0, 0, 1, 1], [], []>, transpose_lhs_hint = false} : vector<64x256xf32>, vector<256x64xf32>, vector<64x64xf32> -> vector<64x64xf32>
    %mul3A_30 = arith.constant 6.250000e-02 : f32
    %mul3A_31 = vector.broadcast %mul3A_30 : f32 to vector<64x64xf32>
    %mul3A_32 = arith.mulf %dot_general3A_29, %mul3A_31 : vector<64x64xf32>
    %broadcast_in_dim3A_33 = vector.shape_cast %mul3A_32 : vector<64x64xf32> to vector<1x64x64xf32>
    %slice3A_34 = vector.extract_strided_slice %get3A_2 {offsets = [3, 0, 0], sizes = [1, 64, 256], strides = [1, 1, 1]} : vector<8x64x256xf32> to vector<1x64x256xf32>
    %squeeze3A_35 = vector.shape_cast %slice3A_34 : vector<1x64x256xf32> to vector<64x256xf32>
    %slice3A_36 = vector.extract_strided_slice %get3A_6 {offsets = [3, 0, 0], sizes = [1, 64, 256], strides = [1, 1, 1]} : vector<8x64x256xf32> to vector<1x64x256xf32>
    %squeeze3A_37 = vector.shape_cast %slice3A_36 : vector<1x64x256xf32> to vector<64x256xf32>
    %transpose3A_38 = tpu.transpose %squeeze3A_37, [1, 0] : vector<64x256xf32> -> vector<256x64xf32>
    %dot_general3A_39 = arith.constant dense<0.000000e+00> : vector<64x64xf32>
    %dot_general3A_40 = tpu.matmul %squeeze3A_35, %transpose3A_38, %dot_general3A_39 {dimension_numbers = #tpu.dot_dimension_numbers<[1], [0], [0], [1], [0, 0, 1, 1], [], []>, transpose_lhs_hint = false} : vector<64x256xf32>, vector<256x64xf32>, vector<64x64xf32> -> vector<64x64xf32>
    %mul3A_41 = arith.constant 6.250000e-02 : f32
    %mul3A_42 = vector.broadcast %mul3A_41 : f32 to vector<64x64xf32>
    %mul3A_43 = arith.mulf %dot_general3A_40, %mul3A_42 : vector<64x64xf32>
    %broadcast_in_dim3A_44 = vector.shape_cast %mul3A_43 : vector<64x64xf32> to vector<1x64x64xf32>
    %slice3A_45 = vector.extract_strided_slice %get3A_2 {offsets = [4, 0, 0], sizes = [1, 64, 256], strides = [1, 1, 1]} : vector<8x64x256xf32> to vector<1x64x256xf32>
    %squeeze3A_46 = vector.shape_cast %slice3A_45 : vector<1x64x256xf32> to vector<64x256xf32>
    %slice3A_47 = vector.extract_strided_slice %get3A_6 {offsets = [4, 0, 0], sizes = [1, 64, 256], strides = [1, 1, 1]} : vector<8x64x256xf32> to vector<1x64x256xf32>
    %squeeze3A_48 = vector.shape_cast %slice3A_47 : vector<1x64x256xf32> to vector<64x256xf32>
    %transpose3A_49 = tpu.transpose %squeeze3A_48, [1, 0] : vector<64x256xf32> -> vector<256x64xf32>
    %dot_general3A_50 = arith.constant dense<0.000000e+00> : vector<64x64xf32>
    %dot_general3A_51 = tpu.matmul %squeeze3A_46, %transpose3A_49, %dot_general3A_50 {dimension_numbers = #tpu.dot_dimension_numbers<[1], [0], [0], [1], [0, 0, 1, 1], [], []>, transpose_lhs_hint = false} : vector<64x256xf32>, vector<256x64xf32>, vector<64x64xf32> -> vector<64x64xf32>
    %mul3A_52 = arith.constant 6.250000e-02 : f32
    %mul3A_53 = vector.broadcast %mul3A_52 : f32 to vector<64x64xf32>
    %mul3A_54 = arith.mulf %dot_general3A_51, %mul3A_53 : vector<64x64xf32>
    %broadcast_in_dim3A_55 = vector.shape_cast %mul3A_54 : vector<64x64xf32> to vector<1x64x64xf32>
    %slice3A_56 = vector.extract_strided_slice %get3A_2 {offsets = [5, 0, 0], sizes = [1, 64, 256], strides = [1, 1, 1]} : vector<8x64x256xf32> to vector<1x64x256xf32>
    %squeeze3A_57 = vector.shape_cast %slice3A_56 : vector<1x64x256xf32> to vector<64x256xf32>
    %slice3A_58 = vector.extract_strided_slice %get3A_6 {offsets = [5, 0, 0], sizes = [1, 64, 256], strides = [1, 1, 1]} : vector<8x64x256xf32> to vector<1x64x256xf32>
    %squeeze3A_59 = vector.shape_cast %slice3A_58 : vector<1x64x256xf32> to vector<64x256xf32>
    %transpose3A_60 = tpu.transpose %squeeze3A_59, [1, 0] : vector<64x256xf32> -> vector<256x64xf32>
    %dot_general3A_61 = arith.constant dense<0.000000e+00> : vector<64x64xf32>
    %dot_general3A_62 = tpu.matmul %squeeze3A_57, %transpose3A_60, %dot_general3A_61 {dimension_numbers = #tpu.dot_dimension_numbers<[1], [0], [0], [1], [0, 0, 1, 1], [], []>, transpose_lhs_hint = false} : vector<64x256xf32>, vector<256x64xf32>, vector<64x64xf32> -> vector<64x64xf32>
    %mul3A_63 = arith.constant 6.250000e-02 : f32
    %mul3A_64 = vector.broadcast %mul3A_63 : f32 to vector<64x64xf32>
    %mul3A_65 = arith.mulf %dot_general3A_62, %mul3A_64 : vector<64x64xf32>
    %broadcast_in_dim3A_66 = vector.shape_cast %mul3A_65 : vector<64x64xf32> to vector<1x64x64xf32>
    %slice3A_67 = vector.extract_strided_slice %get3A_2 {offsets = [6, 0, 0], sizes = [1, 64, 256], strides = [1, 1, 1]} : vector<8x64x256xf32> to vector<1x64x256xf32>
    %squeeze3A_68 = vector.shape_cast %slice3A_67 : vector<1x64x256xf32> to vector<64x256xf32>
    %slice3A_69 = vector.extract_strided_slice %get3A_6 {offsets = [6, 0, 0], sizes = [1, 64, 256], strides = [1, 1, 1]} : vector<8x64x256xf32> to vector<1x64x256xf32>
    %squeeze3A_70 = vector.shape_cast %slice3A_69 : vector<1x64x256xf32> to vector<64x256xf32>
    %transpose3A_71 = tpu.transpose %squeeze3A_70, [1, 0] : vector<64x256xf32> -> vector<256x64xf32>
    %dot_general3A_72 = arith.constant dense<0.000000e+00> : vector<64x64xf32>
    %dot_general3A_73 = tpu.matmul %squeeze3A_68, %transpose3A_71, %dot_general3A_72 {dimension_numbers = #tpu.dot_dimension_numbers<[1], [0], [0], [1], [0, 0, 1, 1], [], []>, transpose_lhs_hint = false} : vector<64x256xf32>, vector<256x64xf32>, vector<64x64xf32> -> vector<64x64xf32>
    %mul3A_74 = arith.constant 6.250000e-02 : f32
    %mul3A_75 = vector.broadcast %mul3A_74 : f32 to vector<64x64xf32>
    %mul3A_76 = arith.mulf %dot_general3A_73, %mul3A_75 : vector<64x64xf32>
    %broadcast_in_dim3A_77 = vector.shape_cast %mul3A_76 : vector<64x64xf32> to vector<1x64x64xf32>
    %slice3A_78 = vector.extract_strided_slice %get3A_2 {offsets = [7, 0, 0], sizes = [1, 64, 256], strides = [1, 1, 1]} : vector<8x64x256xf32> to vector<1x64x256xf32>
    %squeeze3A_79 = vector.shape_cast %slice3A_78 : vector<1x64x256xf32> to vector<64x256xf32>
    %slice3A_80 = vector.extract_strided_slice %get3A_6 {offsets = [7, 0, 0], sizes = [1, 64, 256], strides = [1, 1, 1]} : vector<8x64x256xf32> to vector<1x64x256xf32>
    %squeeze3A_81 = vector.shape_cast %slice3A_80 : vector<1x64x256xf32> to vector<64x256xf32>
    %transpose3A_82 = tpu.transpose %squeeze3A_81, [1, 0] : vector<64x256xf32> -> vector<256x64xf32>
    %dot_general3A_83 = arith.constant dense<0.000000e+00> : vector<64x64xf32>
    %dot_general3A_84 = tpu.matmul %squeeze3A_79, %transpose3A_82, %dot_general3A_83 {dimension_numbers = #tpu.dot_dimension_numbers<[1], [0], [0], [1], [0, 0, 1, 1], [], []>, transpose_lhs_hint = false} : vector<64x256xf32>, vector<256x64xf32>, vector<64x64xf32> -> vector<64x64xf32>
    %mul3A_85 = arith.constant 6.250000e-02 : f32
    %mul3A_86 = vector.broadcast %mul3A_85 : f32 to vector<64x64xf32>
    %mul3A_87 = arith.mulf %dot_general3A_84, %mul3A_86 : vector<64x64xf32>
    %broadcast_in_dim3A_88 = vector.shape_cast %mul3A_87 : vector<64x64xf32> to vector<1x64x64xf32>
    %concatenate3A = tpu.concatenate %broadcast_in_dim3A, %broadcast_in_dim3A_22, %broadcast_in_dim3A_33, %broadcast_in_dim3A_44, %broadcast_in_dim3A_55, %broadcast_in_dim3A_66, %broadcast_in_dim3A_77, %broadcast_in_dim3A_88 in 0 : vector<1x64x64xf32>, vector<1x64x64xf32>, vector<1x64x64xf32>, vector<1x64x64xf32>, vector<1x64x64xf32>, vector<1x64x64xf32>, vector<1x64x64xf32>, vector<1x64x64xf32> -> vector<8x64x64xf32>
    %swap3A = arith.constant 0 : index
    %swap3A_89 = arith.constant 0 : index
    %swap3A_90 = arith.constant 0 : index
    %swap3A_91 = vector.load %arg3[%swap3A, %swap3A_89, %swap3A_90] : memref<8x64x64xf32, #tpu.memory_space<vmem>>, vector<8x64x64xf32>
    tpu.vector_store %arg3[%swap3A, %swap3A_89, %swap3A_90], %concatenate3A {strides = array<i32>} : memref<8x64x64xf32, #tpu.memory_space<vmem>>, vector<8x64x64xf32>,
    return
  }
  func.func @transform_0(%arg0: i32) -> (i32, i32, i32) {
    %c0_i32 = arith.constant 0 : i32
    %c0_i32_0 = arith.constant 0 : i32
    %c0_i32_1 = arith.constant 0 : i32
    return %arg0, %c0_i32, %c0_i32_0 : i32, i32, i32
  }
  func.func @transform_1(%arg0: i32) -> (i32, i32, i32) {
    %c0_i32 = arith.constant 0 : i32
    %c0_i32_0 = arith.constant 0 : i32
    %c0_i32_1 = arith.constant 0 : i32
    return %arg0, %c0_i32, %c0_i32_0 : i32, i32, i32
  }
  func.func @transform_2(%arg0: i32) -> (i32, i32, i32) {
    %c0_i32 = arith.constant 0 : i32
    %c0_i32_0 = arith.constant 0 : i32
    %c0_i32_1 = arith.constant 0 : i32
    return %arg0, %c0_i32, %c0_i32_0 : i32, i32, i32
  }
}

module attributes {stable_mosaic.version = 14 : i64} {
  func.func @_ot_fine_body(%arg0: memref<64x64x256xf32, #tpu.memory_space<vmem>>, %arg1: memref<64x256xf32, #tpu.memory_space<vmem>>, %arg2: memref<64x256xf32, #tpu.memory_space<vmem>>, %arg3: memref<1x1xf32, #tpu.memory_space<smem>>, %arg4: memref<65x65x256xf32, #tpu.memory_space<vmem>>, %arg5: memref<64x3x256xf32, #tpu.memory_space<vmem>>, %arg6: memref<64x3x256xi32, #tpu.memory_space<vmem>>, %arg7: memref<32x64x1xf32, #tpu.memory_space<vmem>>) attributes {dimension_semantics = [], scalar_prefetch = 0 : i64, scratch_operands = 0 : i64, tpu.core_type = #tpu.core_type<tc>} {
    %get3A = arith.constant 0 : index
    %get3A_0 = arith.constant 0 : index
    %get3A_1 = memref.load %arg3[%get3A, %get3A_0] : memref<1x1xf32, #tpu.memory_space<smem>>
    %get3A_2 = arith.constant 0 : index
    %get3A_3 = arith.constant 0 : index
    %get3A_4 = arith.constant 0 : index
    %get3A_5 = vector.load %arg0[%get3A_2, %get3A_3, %get3A_4] : memref<64x64x256xf32, #tpu.memory_space<vmem>>, vector<64x64x256xf32>
    %get3A_6 = arith.constant 0 : index
    %get3A_7 = arith.constant 0 : index
    %get3A_8 = vector.load %arg1[%get3A_6, %get3A_7] : memref<64x256xf32, #tpu.memory_space<vmem>>, vector<64x256xf32>
    %get3A_9 = arith.constant 0 : index
    %get3A_10 = arith.constant 0 : index
    %get3A_11 = vector.load %arg2[%get3A_9, %get3A_10] : memref<64x256xf32, #tpu.memory_space<vmem>>, vector<64x256xf32>
    %broadcast_in_dim3A = vector.broadcast %get3A_1 : f32 to vector<64x1x256xf32>
    %broadcast_in_dim3A_12 = vector.broadcast %get3A_1 : f32 to vector<1x65x256xf32>
    %concatenate3A = tpu.concatenate %get3A_5, %broadcast_in_dim3A in 1 : vector<64x64x256xf32>, vector<64x1x256xf32> -> vector<64x65x256xf32>
    %concatenate3A_13 = tpu.concatenate %concatenate3A, %broadcast_in_dim3A_12 in 0 : vector<64x65x256xf32>, vector<1x65x256xf32> -> vector<65x65x256xf32>
    %broadcast_in_dim3A_14 = arith.constant 1.000000e+00 : f32
    %broadcast_in_dim3A_15 = vector.broadcast %broadcast_in_dim3A_14 : f32 to vector<1x256xf32>
    %concatenate3A_16 = tpu.concatenate %get3A_8, %broadcast_in_dim3A_15 in 0 : vector<64x256xf32>, vector<1x256xf32> -> vector<65x256xf32>
    %broadcast_in_dim3A_17 = arith.constant 1.000000e+00 : f32
    %broadcast_in_dim3A_18 = vector.broadcast %broadcast_in_dim3A_17 : f32 to vector<1x256xf32>
    %concatenate3A_19 = tpu.concatenate %get3A_11, %broadcast_in_dim3A_18 in 0 : vector<64x256xf32>, vector<1x256xf32> -> vector<65x256xf32>
    %broadcast_in_dim3A_20 = vector.shape_cast %concatenate3A_16 : vector<65x256xf32> to vector<65x1x256xf32>
    %broadcast_in_dim3A_21 = vector.shape_cast %concatenate3A_19 : vector<65x256xf32> to vector<1x65x256xf32>
    %mul3A = vector.broadcast %broadcast_in_dim3A_20 : vector<65x1x256xf32> to vector<65x65x256xf32>
    %mul3A_22 = vector.broadcast %broadcast_in_dim3A_21 : vector<1x65x256xf32> to vector<65x65x256xf32>
    %mul3A_23 = arith.mulf %mul3A, %mul3A_22 : vector<65x65x256xf32>
    %gt3A = arith.constant 0.000000e+00 : f32
    %gt3A_24 = vector.broadcast %gt3A : f32 to vector<65x65x256xf32>
    %gt3A_25 = arith.cmpf ogt, %mul3A_23, %gt3A_24 : vector<65x65x256xf32>
    %jit3A = arith.constant -1.000000e+09 : f32
    %broadcast_in_dim3A_26 = vector.broadcast %jit3A : f32 to vector<65x65x256xf32>
    %select_n3A = arith.select %gt3A_25, %concatenate3A_13, %broadcast_in_dim3A_26 : vector<65x65x256xi1>, vector<65x65x256xf32>
    %reduce_sum3A = arith.constant dense<0.000000e+00> : vector<256xf32>
    %reduce_sum3A_27 = vector.multi_reduction <add>, %get3A_8, %reduce_sum3A [0] : vector<64x256xf32> to vector<256xf32>
    %broadcast_in_dim3A_28 = vector.shape_cast %reduce_sum3A_27 : vector<256xf32> to vector<1x256xf32>
    %reduce_sum3A_29 = arith.constant dense<0.000000e+00> : vector<256xf32>
    %reduce_sum3A_30 = vector.multi_reduction <add>, %get3A_11, %reduce_sum3A_29 [0] : vector<64x256xf32> to vector<256xf32>
    %broadcast_in_dim3A_31 = vector.shape_cast %reduce_sum3A_30 : vector<256xf32> to vector<1x256xf32>
    %add3A = arith.addf %broadcast_in_dim3A_28, %broadcast_in_dim3A_31 : vector<1x256xf32>
    %log3A = math.log %add3A : vector<1x256xf32>
    %neg3A = arith.constant 0.000000e+00 : f32
    %neg3A_32 = vector.broadcast %neg3A : f32 to vector<1x256xf32>
    %neg3A_33 = arith.subf %neg3A_32, %log3A : vector<1x256xf32>
    %broadcast_in_dim3A_34 = vector.shape_cast %neg3A_33 : vector<1x256xf32> to vector<1x256xf32>
    %broadcast_in_dim3A_35 = vector.broadcast %broadcast_in_dim3A_34 : vector<1x256xf32> to vector<64x256xf32>
    %log3A_36 = math.log %broadcast_in_dim3A_31 : vector<1x256xf32>
    %add3A_37 = arith.addf %log3A_36, %neg3A_33 : vector<1x256xf32>
    %concatenate3A_38 = tpu.concatenate %broadcast_in_dim3A_35, %add3A_37 in 0 : vector<64x256xf32>, vector<1x256xf32> -> vector<65x256xf32>
    %gt3A_39 = arith.constant 0.000000e+00 : f32
    %gt3A_40 = vector.broadcast %gt3A_39 : f32 to vector<65x256xf32>
    %gt3A_41 = arith.cmpf ogt, %concatenate3A_16, %gt3A_40 : vector<65x256xf32>
    %jit3A_42 = arith.constant -1.000000e+09 : f32
    %broadcast_in_dim3A_43 = vector.broadcast %jit3A_42 : f32 to vector<65x256xf32>
    %select_n3A_44 = arith.select %gt3A_41, %concatenate3A_38, %broadcast_in_dim3A_43 : vector<65x256xi1>, vector<65x256xf32>
    %broadcast_in_dim3A_45 = vector.shape_cast %neg3A_33 : vector<1x256xf32> to vector<1x256xf32>
    %broadcast_in_dim3A_46 = vector.broadcast %broadcast_in_dim3A_45 : vector<1x256xf32> to vector<64x256xf32>
    %log3A_47 = math.log %broadcast_in_dim3A_28 : vector<1x256xf32>
    %add3A_48 = arith.addf %log3A_47, %neg3A_33 : vector<1x256xf32>
    %concatenate3A_49 = tpu.concatenate %broadcast_in_dim3A_46, %add3A_48 in 0 : vector<64x256xf32>, vector<1x256xf32> -> vector<65x256xf32>
    %gt3A_50 = arith.constant 0.000000e+00 : f32
    %gt3A_51 = vector.broadcast %gt3A_50 : f32 to vector<65x256xf32>
    %gt3A_52 = arith.cmpf ogt, %concatenate3A_19, %gt3A_51 : vector<65x256xf32>
    %jit3A_53 = arith.constant -1.000000e+09 : f32
    %broadcast_in_dim3A_54 = vector.broadcast %jit3A_53 : f32 to vector<65x256xf32>
    %select_n3A_55 = arith.select %gt3A_52, %concatenate3A_49, %broadcast_in_dim3A_54 : vector<65x256xi1>, vector<65x256xf32>
    %broadcast_in_dim3A_56 = arith.constant 0.000000e+00 : f32
    %broadcast_in_dim3A_57 = vector.broadcast %broadcast_in_dim3A_56 : f32 to vector<65x256xf32>
    %broadcast_in_dim3A_58 = arith.constant 0.000000e+00 : f32
    %broadcast_in_dim3A_59 = vector.broadcast %broadcast_in_dim3A_58 : f32 to vector<65x256xf32>
    %scan3A = arith.constant 0 : i32
    %scan3A_60 = arith.constant 100 : i32
    %scan3A_61 = arith.addi %scan3A, %scan3A_60 : i32
    %scan3A_62 = arith.constant 1 : i32
    %scan3A_63:2 = scf.for %scan3A_280 = %scan3A to %scan3A_61 step %scan3A_62 iter_args(%scan3A_281 = %broadcast_in_dim3A_57, %scan3A_282 = %broadcast_in_dim3A_59) -> (vector<65x256xf32>, vector<65x256xf32>)  : i32 {
      %broadcast_in_dim3A_283 = vector.shape_cast %scan3A_282 : vector<65x256xf32> to vector<1x65x256xf32>
      %add3A_284 = vector.broadcast %broadcast_in_dim3A_283 : vector<1x65x256xf32> to vector<65x65x256xf32>
      %add3A_285 = arith.addf %select_n3A, %add3A_284 : vector<65x65x256xf32>
      %reduce_max3A_286 = arith.constant dense<0xFF800000> : vector<65x256xf32>
      %reduce_max3A_287 = vector.multi_reduction <maximumf>, %add3A_285, %reduce_max3A_286 [1] : vector<65x65x256xf32> to vector<65x256xf32>
      %broadcast_in_dim3A_288 = vector.shape_cast %reduce_max3A_287 : vector<65x256xf32> to vector<65x1x256xf32>
      %sub3A_289 = vector.broadcast %broadcast_in_dim3A_288 : vector<65x1x256xf32> to vector<65x65x256xf32>
      %sub3A_290 = arith.subf %add3A_285, %sub3A_289 : vector<65x65x256xf32>
      %exp3A_291 = math.exp %sub3A_290 : vector<65x65x256xf32>
      %reduce_sum3A_292 = arith.constant dense<0.000000e+00> : vector<65x256xf32>
      %reduce_sum3A_293 = vector.multi_reduction <add>, %exp3A_291, %reduce_sum3A_292 [1] : vector<65x65x256xf32> to vector<65x256xf32>
      %log3A_294 = math.log %reduce_sum3A_293 : vector<65x256xf32>
      %add3A_295 = arith.addf %log3A_294, %reduce_max3A_287 : vector<65x256xf32>
      %sub3A_296 = arith.subf %select_n3A_44, %add3A_295 : vector<65x256xf32>
      %broadcast_in_dim3A_297 = vector.shape_cast %sub3A_296 : vector<65x256xf32> to vector<65x1x256xf32>
      %add3A_298 = vector.broadcast %broadcast_in_dim3A_297 : vector<65x1x256xf32> to vector<65x65x256xf32>
      %add3A_299 = arith.addf %select_n3A, %add3A_298 : vector<65x65x256xf32>
      %reduce_max3A_300 = arith.constant dense<0xFF800000> : vector<65x256xf32>
      %reduce_max3A_301 = vector.multi_reduction <maximumf>, %add3A_299, %reduce_max3A_300 [0] : vector<65x65x256xf32> to vector<65x256xf32>
      %broadcast_in_dim3A_302 = vector.shape_cast %reduce_max3A_301 : vector<65x256xf32> to vector<1x65x256xf32>
      %sub3A_303 = vector.broadcast %broadcast_in_dim3A_302 : vector<1x65x256xf32> to vector<65x65x256xf32>
      %sub3A_304 = arith.subf %add3A_299, %sub3A_303 : vector<65x65x256xf32>
      %exp3A_305 = math.exp %sub3A_304 : vector<65x65x256xf32>
      %reduce_sum3A_306 = arith.constant dense<0.000000e+00> : vector<65x256xf32>
      %reduce_sum3A_307 = vector.multi_reduction <add>, %exp3A_305, %reduce_sum3A_306 [0] : vector<65x65x256xf32> to vector<65x256xf32>
      %log3A_308 = math.log %reduce_sum3A_307 : vector<65x256xf32>
      %add3A_309 = arith.addf %log3A_308, %reduce_max3A_301 : vector<65x256xf32>
      %sub3A_310 = arith.subf %select_n3A_55, %add3A_309 : vector<65x256xf32>
      scf.yield %sub3A_296, %sub3A_310 : vector<65x256xf32>, vector<65x256xf32>
    }
    %broadcast_in_dim3A_64 = vector.shape_cast %scan3A_63#0 : vector<65x256xf32> to vector<65x1x256xf32>
    %add3A_65 = vector.broadcast %broadcast_in_dim3A_64 : vector<65x1x256xf32> to vector<65x65x256xf32>
    %add3A_66 = arith.addf %select_n3A, %add3A_65 : vector<65x65x256xf32>
    %broadcast_in_dim3A_67 = vector.shape_cast %scan3A_63#1 : vector<65x256xf32> to vector<1x65x256xf32>
    %add3A_68 = vector.broadcast %broadcast_in_dim3A_67 : vector<1x65x256xf32> to vector<65x65x256xf32>
    %add3A_69 = arith.addf %add3A_66, %add3A_68 : vector<65x65x256xf32>
    %broadcast_in_dim3A_70 = vector.shape_cast %neg3A_33 : vector<1x256xf32> to vector<1x1x256xf32>
    %sub3A = vector.broadcast %broadcast_in_dim3A_70 : vector<1x1x256xf32> to vector<65x65x256xf32>
    %sub3A_71 = arith.subf %add3A_69, %sub3A : vector<65x65x256xf32>
    %swap3A = arith.constant 0 : index
    %swap3A_72 = arith.constant 0 : index
    %swap3A_73 = arith.constant 0 : index
    %swap3A_74 = vector.load %arg4[%swap3A, %swap3A_72, %swap3A_73] : memref<65x65x256xf32, #tpu.memory_space<vmem>>, vector<65x65x256xf32>
    tpu.vector_store %arg4[%swap3A, %swap3A_72, %swap3A_73], %sub3A_71 {strides = array<i32>} : memref<65x65x256xf32, #tpu.memory_space<vmem>>, vector<65x65x256xf32>,
    %slice3A = vector.extract_strided_slice %sub3A_71 {offsets = [0, 0, 0], sizes = [64, 64, 256], strides = [1, 1, 1]} : vector<65x65x256xf32> to vector<64x64x256xf32>
    %exp3A = math.exp %slice3A : vector<64x64x256xf32>
    %broadcast_in_dim3A_75 = vector.shape_cast %get3A_8 : vector<64x256xf32> to vector<64x1x256xf32>
    %broadcast_in_dim3A_76 = vector.shape_cast %get3A_11 : vector<64x256xf32> to vector<1x64x256xf32>
    %mul3A_77 = vector.broadcast %broadcast_in_dim3A_75 : vector<64x1x256xf32> to vector<64x64x256xf32>
    %mul3A_78 = vector.broadcast %broadcast_in_dim3A_76 : vector<1x64x256xf32> to vector<64x64x256xf32>
    %mul3A_79 = arith.mulf %mul3A_77, %mul3A_78 : vector<64x64x256xf32>
    %gt3A_80 = arith.constant 0.000000e+00 : f32
    %gt3A_81 = vector.broadcast %gt3A_80 : f32 to vector<64x64x256xf32>
    %gt3A_82 = arith.cmpf ogt, %mul3A_79, %gt3A_81 : vector<64x64x256xf32>
    %jit3A_83 = arith.constant 0.000000e+00 : f32
    %broadcast_in_dim3A_84 = vector.broadcast %jit3A_83 : f32 to vector<64x64x256xf32>
    %select_n3A_85 = arith.select %gt3A_82, %exp3A, %broadcast_in_dim3A_84 : vector<64x64x256xi1>, vector<64x64x256xf32>
    %reduce_max3A = arith.constant dense<0xFF800000> : vector<64x256xf32>
    %reduce_max3A_86 = vector.multi_reduction <maximumf>, %select_n3A_85, %reduce_max3A [1] : vector<64x64x256xf32> to vector<64x256xf32>
    %broadcast_in_dim3A_87 = vector.shape_cast %reduce_max3A_86 : vector<64x256xf32> to vector<64x1x256xf32>
    %eq3A = vector.broadcast %broadcast_in_dim3A_87 : vector<64x1x256xf32> to vector<64x64x256xf32>
    %eq3A_88 = arith.cmpf oeq, %select_n3A_85, %eq3A : vector<64x64x256xf32>
    %convert_element_type3A = arith.extui %eq3A_88 : vector<64x64x256xi1> to vector<64x64x256xi32>
    %convert_element_type3A_89 = arith.sitofp %convert_element_type3A : vector<64x64x256xi32> to vector<64x64x256xf32>
    %reduce_sum3A_90 = arith.constant dense<0.000000e+00> : vector<64x256xf32>
    %reduce_sum3A_91 = vector.multi_reduction <add>, %convert_element_type3A_89, %reduce_sum3A_90 [1] : vector<64x64x256xf32> to vector<64x256xf32>
    %broadcast_in_dim3A_92 = vector.shape_cast %reduce_sum3A_91 : vector<64x256xf32> to vector<64x1x256xf32>
    %lt3A = vector.broadcast %broadcast_in_dim3A_87 : vector<64x1x256xf32> to vector<64x64x256xf32>
    %lt3A_93 = arith.cmpf olt, %select_n3A_85, %lt3A : vector<64x64x256xf32>
    %jit3A_94 = arith.constant -1.000000e+00 : f32
    %broadcast_in_dim3A_95 = vector.broadcast %jit3A_94 : f32 to vector<64x64x256xf32>
    %select_n3A_96 = arith.select %lt3A_93, %select_n3A_85, %broadcast_in_dim3A_95 : vector<64x64x256xi1>, vector<64x64x256xf32>
    %reduce_max3A_97 = arith.constant dense<0xFF800000> : vector<64x256xf32>
    %reduce_max3A_98 = vector.multi_reduction <maximumf>, %select_n3A_96, %reduce_max3A_97 [1] : vector<64x64x256xf32> to vector<64x256xf32>
    %broadcast_in_dim3A_99 = vector.shape_cast %reduce_max3A_98 : vector<64x256xf32> to vector<64x1x256xf32>
    %eq3A_100 = vector.broadcast %broadcast_in_dim3A_99 : vector<64x1x256xf32> to vector<64x64x256xf32>
    %eq3A_101 = arith.cmpf oeq, %select_n3A_85, %eq3A_100 : vector<64x64x256xf32>
    %convert_element_type3A_102 = arith.extui %eq3A_101 : vector<64x64x256xi1> to vector<64x64x256xi32>
    %convert_element_type3A_103 = arith.sitofp %convert_element_type3A_102 : vector<64x64x256xi32> to vector<64x64x256xf32>
    %reduce_sum3A_104 = arith.constant dense<0.000000e+00> : vector<64x256xf32>
    %reduce_sum3A_105 = vector.multi_reduction <add>, %convert_element_type3A_103, %reduce_sum3A_104 [1] : vector<64x64x256xf32> to vector<64x256xf32>
    %broadcast_in_dim3A_106 = vector.shape_cast %reduce_sum3A_105 : vector<64x256xf32> to vector<64x1x256xf32>
    %lt3A_107 = vector.broadcast %broadcast_in_dim3A_99 : vector<64x1x256xf32> to vector<64x64x256xf32>
    %lt3A_108 = arith.cmpf olt, %select_n3A_96, %lt3A_107 : vector<64x64x256xf32>
    %jit3A_109 = arith.constant -1.000000e+00 : f32
    %broadcast_in_dim3A_110 = vector.broadcast %jit3A_109 : f32 to vector<64x64x256xf32>
    %select_n3A_111 = arith.select %lt3A_108, %select_n3A_96, %broadcast_in_dim3A_110 : vector<64x64x256xi1>, vector<64x64x256xf32>
    %reduce_max3A_112 = arith.constant dense<0xFF800000> : vector<64x256xf32>
    %reduce_max3A_113 = vector.multi_reduction <maximumf>, %select_n3A_111, %reduce_max3A_112 [1] : vector<64x64x256xf32> to vector<64x256xf32>
    %broadcast_in_dim3A_114 = vector.shape_cast %reduce_max3A_113 : vector<64x256xf32> to vector<64x1x256xf32>
    %ge3A = arith.constant 3.000000e+00 : f32
    %ge3A_115 = vector.broadcast %ge3A : f32 to vector<64x1x256xf32>
    %ge3A_116 = arith.cmpf oge, %broadcast_in_dim3A_92, %ge3A_115 : vector<64x1x256xf32>
    %add3A_117 = arith.addf %broadcast_in_dim3A_92, %broadcast_in_dim3A_106 : vector<64x1x256xf32>
    %ge3A_118 = arith.constant 3.000000e+00 : f32
    %ge3A_119 = vector.broadcast %ge3A_118 : f32 to vector<64x1x256xf32>
    %ge3A_120 = arith.cmpf oge, %add3A_117, %ge3A_119 : vector<64x1x256xf32>
    %select_n3A_121 = arith.select %ge3A_120, %broadcast_in_dim3A_99, %broadcast_in_dim3A_114 : vector<64x1x256xi1>, vector<64x1x256xf32>
    %select_n3A_122 = arith.select %ge3A_116, %broadcast_in_dim3A_87, %select_n3A_121 : vector<64x1x256xi1>, vector<64x1x256xf32>
    %ge3A_123 = vector.broadcast %select_n3A_122 : vector<64x1x256xf32> to vector<64x64x256xf32>
    %ge3A_124 = arith.cmpf oge, %select_n3A_85, %ge3A_123 : vector<64x64x256xf32>
    %reduce_max3A_125 = arith.constant dense<0xFF800000> : vector<64x256xf32>
    %reduce_max3A_126 = vector.multi_reduction <maximumf>, %select_n3A_85, %reduce_max3A_125 [0] : vector<64x64x256xf32> to vector<64x256xf32>
    %broadcast_in_dim3A_127 = vector.shape_cast %reduce_max3A_126 : vector<64x256xf32> to vector<1x64x256xf32>
    %eq3A_128 = vector.broadcast %broadcast_in_dim3A_127 : vector<1x64x256xf32> to vector<64x64x256xf32>
    %eq3A_129 = arith.cmpf oeq, %select_n3A_85, %eq3A_128 : vector<64x64x256xf32>
    %convert_element_type3A_130 = arith.extui %eq3A_129 : vector<64x64x256xi1> to vector<64x64x256xi32>
    %convert_element_type3A_131 = arith.sitofp %convert_element_type3A_130 : vector<64x64x256xi32> to vector<64x64x256xf32>
    %reduce_sum3A_132 = arith.constant dense<0.000000e+00> : vector<64x256xf32>
    %reduce_sum3A_133 = vector.multi_reduction <add>, %convert_element_type3A_131, %reduce_sum3A_132 [0] : vector<64x64x256xf32> to vector<64x256xf32>
    %broadcast_in_dim3A_134 = vector.shape_cast %reduce_sum3A_133 : vector<64x256xf32> to vector<1x64x256xf32>
    %lt3A_135 = vector.broadcast %broadcast_in_dim3A_127 : vector<1x64x256xf32> to vector<64x64x256xf32>
    %lt3A_136 = arith.cmpf olt, %select_n3A_85, %lt3A_135 : vector<64x64x256xf32>
    %jit3A_137 = arith.constant -1.000000e+00 : f32
    %broadcast_in_dim3A_138 = vector.broadcast %jit3A_137 : f32 to vector<64x64x256xf32>
    %select_n3A_139 = arith.select %lt3A_136, %select_n3A_85, %broadcast_in_dim3A_138 : vector<64x64x256xi1>, vector<64x64x256xf32>
    %reduce_max3A_140 = arith.constant dense<0xFF800000> : vector<64x256xf32>
    %reduce_max3A_141 = vector.multi_reduction <maximumf>, %select_n3A_139, %reduce_max3A_140 [0] : vector<64x64x256xf32> to vector<64x256xf32>
    %broadcast_in_dim3A_142 = vector.shape_cast %reduce_max3A_141 : vector<64x256xf32> to vector<1x64x256xf32>
    %eq3A_143 = vector.broadcast %broadcast_in_dim3A_142 : vector<1x64x256xf32> to vector<64x64x256xf32>
    %eq3A_144 = arith.cmpf oeq, %select_n3A_85, %eq3A_143 : vector<64x64x256xf32>
    %convert_element_type3A_145 = arith.extui %eq3A_144 : vector<64x64x256xi1> to vector<64x64x256xi32>
    %convert_element_type3A_146 = arith.sitofp %convert_element_type3A_145 : vector<64x64x256xi32> to vector<64x64x256xf32>
    %reduce_sum3A_147 = arith.constant dense<0.000000e+00> : vector<64x256xf32>
    %reduce_sum3A_148 = vector.multi_reduction <add>, %convert_element_type3A_146, %reduce_sum3A_147 [0] : vector<64x64x256xf32> to vector<64x256xf32>
    %broadcast_in_dim3A_149 = vector.shape_cast %reduce_sum3A_148 : vector<64x256xf32> to vector<1x64x256xf32>
    %lt3A_150 = vector.broadcast %broadcast_in_dim3A_142 : vector<1x64x256xf32> to vector<64x64x256xf32>
    %lt3A_151 = arith.cmpf olt, %select_n3A_139, %lt3A_150 : vector<64x64x256xf32>
    %jit3A_152 = arith.constant -1.000000e+00 : f32
    %broadcast_in_dim3A_153 = vector.broadcast %jit3A_152 : f32 to vector<64x64x256xf32>
    %select_n3A_154 = arith.select %lt3A_151, %select_n3A_139, %broadcast_in_dim3A_153 : vector<64x64x256xi1>, vector<64x64x256xf32>
    %reduce_max3A_155 = arith.constant dense<0xFF800000> : vector<64x256xf32>
    %reduce_max3A_156 = vector.multi_reduction <maximumf>, %select_n3A_154, %reduce_max3A_155 [0] : vector<64x64x256xf32> to vector<64x256xf32>
    %broadcast_in_dim3A_157 = vector.shape_cast %reduce_max3A_156 : vector<64x256xf32> to vector<1x64x256xf32>
    %ge3A_158 = arith.constant 3.000000e+00 : f32
    %ge3A_159 = vector.broadcast %ge3A_158 : f32 to vector<1x64x256xf32>
    %ge3A_160 = arith.cmpf oge, %broadcast_in_dim3A_134, %ge3A_159 : vector<1x64x256xf32>
    %add3A_161 = arith.addf %broadcast_in_dim3A_134, %broadcast_in_dim3A_149 : vector<1x64x256xf32>
    %ge3A_162 = arith.constant 3.000000e+00 : f32
    %ge3A_163 = vector.broadcast %ge3A_162 : f32 to vector<1x64x256xf32>
    %ge3A_164 = arith.cmpf oge, %add3A_161, %ge3A_163 : vector<1x64x256xf32>
    %select_n3A_165 = arith.select %ge3A_164, %broadcast_in_dim3A_142, %broadcast_in_dim3A_157 : vector<1x64x256xi1>, vector<1x64x256xf32>
    %select_n3A_166 = arith.select %ge3A_160, %broadcast_in_dim3A_127, %select_n3A_165 : vector<1x64x256xi1>, vector<1x64x256xf32>
    %ge3A_167 = vector.broadcast %select_n3A_166 : vector<1x64x256xf32> to vector<64x64x256xf32>
    %ge3A_168 = arith.cmpf oge, %select_n3A_85, %ge3A_167 : vector<64x64x256xf32>
    %and3A = arith.andi %ge3A_124, %ge3A_168 : vector<64x64x256xi1>
    %gt3A_169 = arith.constant 5.000000e-02 : f32
    %gt3A_170 = vector.broadcast %gt3A_169 : f32 to vector<64x64x256xf32>
    %gt3A_171 = arith.cmpf ogt, %select_n3A_85, %gt3A_170 : vector<64x64x256xf32>
    %and3A_172 = arith.andi %and3A, %gt3A_171 : vector<64x64x256xi1>
    %and3A_173 = arith.andi %and3A_172, %gt3A_82 : vector<64x64x256xi1>
    %jit3A_174 = arith.constant 0.000000e+00 : f32
    %broadcast_in_dim3A_175 = vector.broadcast %jit3A_174 : f32 to vector<64x64x256xf32>
    %select_n3A_176 = arith.select %and3A_173, %select_n3A_85, %broadcast_in_dim3A_175 : vector<64x64x256xi1>, vector<64x64x256xf32>
    %slice3A_177 = vector.extract_strided_slice %select_n3A_176 {offsets = [0, 0, 0], sizes = [32, 64, 1], strides = [1, 1, 1]} : vector<64x64x256xf32> to vector<32x64x1xf32>
    %swap3A_178 = arith.constant 0 : index
    %swap3A_179 = arith.constant 0 : index
    %swap3A_180 = arith.constant 0 : index
    %swap3A_181 = vector.load %arg7[%swap3A_178, %swap3A_179, %swap3A_180] : memref<32x64x1xf32, #tpu.memory_space<vmem>>, vector<32x64x1xf32>
    tpu.vector_store %arg7[%swap3A_178, %swap3A_179, %swap3A_180], %slice3A_177 {strides = array<i32>} : memref<32x64x1xf32, #tpu.memory_space<vmem>>, vector<32x64x1xf32>,
    %iota3A = tpu.iota {dimensions = array<i32: 1>} : vector<64x64x256xi32>
    %iota3A_182 = tpu.iota {dimensions = array<i32: 0>} : vector<64x64x256xi32>
    %iota3A_183 = tpu.iota {dimensions = array<i32: 2>} : vector<64x64x256xi32>
    %mul3A_184 = arith.constant 64 : i32
    %mul3A_185 = vector.broadcast %mul3A_184 : i32 to vector<64x64x256xi32>
    %mul3A_186 = arith.muli %iota3A_183, %mul3A_185 : vector<64x64x256xi32>
    %add3A_187 = arith.addi %mul3A_186, %iota3A_182 : vector<64x64x256xi32>
    %mul3A_188 = arith.constant 64 : i32
    %mul3A_189 = vector.broadcast %mul3A_188 : i32 to vector<64x64x256xi32>
    %mul3A_190 = arith.muli %add3A_187, %mul3A_189 : vector<64x64x256xi32>
    %reduce_max3A_191 = arith.constant dense<0xFF800000> : vector<64x256xf32>
    %reduce_max3A_192 = vector.multi_reduction <maximumf>, %select_n3A_176, %reduce_max3A_191 [1] : vector<64x64x256xf32> to vector<64x256xf32>
    %broadcast_in_dim3A_193 = vector.shape_cast %reduce_max3A_192 : vector<64x256xf32> to vector<64x1x256xf32>
    %eq3A_194 = vector.broadcast %broadcast_in_dim3A_193 : vector<64x1x256xf32> to vector<64x64x256xf32>
    %eq3A_195 = arith.cmpf oeq, %select_n3A_176, %eq3A_194 : vector<64x64x256xf32>
    %jit3A_196 = arith.constant 64 : i32
    %broadcast_in_dim3A_197 = vector.broadcast %jit3A_196 : i32 to vector<64x64x256xi32>
    %select_n3A_198 = arith.select %eq3A_195, %iota3A, %broadcast_in_dim3A_197 : vector<64x64x256xi1>, vector<64x64x256xi32>
    %reduce_min3A = arith.constant dense<2147483647> : vector<64x256xi32>
    %reduce_min3A_199 = vector.multi_reduction <minsi>, %select_n3A_198, %reduce_min3A [1] : vector<64x64x256xi32> to vector<64x256xi32>
    %broadcast_in_dim3A_200 = vector.shape_cast %reduce_min3A_199 : vector<64x256xi32> to vector<64x1x256xi32>
    %gt3A_201 = arith.constant 0.000000e+00 : f32
    %gt3A_202 = vector.broadcast %gt3A_201 : f32 to vector<64x1x256xf32>
    %gt3A_203 = arith.cmpf ogt, %broadcast_in_dim3A_193, %gt3A_202 : vector<64x1x256xf32>
    %jit3A_204 = arith.constant -1.000000e+00 : f32
    %broadcast_in_dim3A_205 = vector.broadcast %jit3A_204 : f32 to vector<64x1x256xf32>
    %select_n3A_206 = arith.select %gt3A_203, %broadcast_in_dim3A_193, %broadcast_in_dim3A_205 : vector<64x1x256xi1>, vector<64x1x256xf32>
    %eq3A_207 = vector.broadcast %broadcast_in_dim3A_193 : vector<64x1x256xf32> to vector<64x64x256xf32>
    %eq3A_208 = arith.cmpf oeq, %select_n3A_176, %eq3A_207 : vector<64x64x256xf32>
    %add3A_209 = arith.addi %mul3A_190, %iota3A : vector<64x64x256xi32>
    %jit3A_210 = arith.constant 1073741824 : i32
    %broadcast_in_dim3A_211 = vector.broadcast %jit3A_210 : i32 to vector<64x64x256xi32>
    %select_n3A_212 = arith.select %eq3A_208, %add3A_209, %broadcast_in_dim3A_211 : vector<64x64x256xi1>, vector<64x64x256xi32>
    %reduce_min3A_213 = arith.constant dense<2147483647> : vector<64x256xi32>
    %reduce_min3A_214 = vector.multi_reduction <minsi>, %select_n3A_212, %reduce_min3A_213 [1] : vector<64x64x256xi32> to vector<64x256xi32>
    %broadcast_in_dim3A_215 = vector.shape_cast %reduce_min3A_214 : vector<64x256xi32> to vector<64x1x256xi32>
    %eq3A_216 = vector.broadcast %broadcast_in_dim3A_200 : vector<64x1x256xi32> to vector<64x64x256xi32>
    %eq3A_217 = arith.cmpi eq, %iota3A, %eq3A_216 : vector<64x64x256xi32>
    %jit3A_218 = arith.constant -1.000000e+00 : f32
    %broadcast_in_dim3A_219 = vector.broadcast %jit3A_218 : f32 to vector<64x64x256xf32>
    %select_n3A_220 = arith.select %eq3A_217, %broadcast_in_dim3A_219, %select_n3A_176 : vector<64x64x256xi1>, vector<64x64x256xf32>
    %reduce_max3A_221 = arith.constant dense<0xFF800000> : vector<64x256xf32>
    %reduce_max3A_222 = vector.multi_reduction <maximumf>, %select_n3A_220, %reduce_max3A_221 [1] : vector<64x64x256xf32> to vector<64x256xf32>
    %broadcast_in_dim3A_223 = vector.shape_cast %reduce_max3A_222 : vector<64x256xf32> to vector<64x1x256xf32>
    %eq3A_224 = vector.broadcast %broadcast_in_dim3A_223 : vector<64x1x256xf32> to vector<64x64x256xf32>
    %eq3A_225 = arith.cmpf oeq, %select_n3A_220, %eq3A_224 : vector<64x64x256xf32>
    %jit3A_226 = arith.constant 64 : i32
    %broadcast_in_dim3A_227 = vector.broadcast %jit3A_226 : i32 to vector<64x64x256xi32>
    %select_n3A_228 = arith.select %eq3A_225, %iota3A, %broadcast_in_dim3A_227 : vector<64x64x256xi1>, vector<64x64x256xi32>
    %reduce_min3A_229 = arith.constant dense<2147483647> : vector<64x256xi32>
    %reduce_min3A_230 = vector.multi_reduction <minsi>, %select_n3A_228, %reduce_min3A_229 [1] : vector<64x64x256xi32> to vector<64x256xi32>
    %broadcast_in_dim3A_231 = vector.shape_cast %reduce_min3A_230 : vector<64x256xi32> to vector<64x1x256xi32>
    %gt3A_232 = arith.constant 0.000000e+00 : f32
    %gt3A_233 = vector.broadcast %gt3A_232 : f32 to vector<64x1x256xf32>
    %gt3A_234 = arith.cmpf ogt, %broadcast_in_dim3A_223, %gt3A_233 : vector<64x1x256xf32>
    %jit3A_235 = arith.constant -1.000000e+00 : f32
    %broadcast_in_dim3A_236 = vector.broadcast %jit3A_235 : f32 to vector<64x1x256xf32>
    %select_n3A_237 = arith.select %gt3A_234, %broadcast_in_dim3A_223, %broadcast_in_dim3A_236 : vector<64x1x256xi1>, vector<64x1x256xf32>
    %eq3A_238 = vector.broadcast %broadcast_in_dim3A_223 : vector<64x1x256xf32> to vector<64x64x256xf32>
    %eq3A_239 = arith.cmpf oeq, %select_n3A_220, %eq3A_238 : vector<64x64x256xf32>
    %add3A_240 = arith.addi %mul3A_190, %iota3A : vector<64x64x256xi32>
    %jit3A_241 = arith.constant 1073741824 : i32
    %broadcast_in_dim3A_242 = vector.broadcast %jit3A_241 : i32 to vector<64x64x256xi32>
    %select_n3A_243 = arith.select %eq3A_239, %add3A_240, %broadcast_in_dim3A_242 : vector<64x64x256xi1>, vector<64x64x256xi32>
    %reduce_min3A_244 = arith.constant dense<2147483647> : vector<64x256xi32>
    %reduce_min3A_245 = vector.multi_reduction <minsi>, %select_n3A_243, %reduce_min3A_244 [1] : vector<64x64x256xi32> to vector<64x256xi32>
    %broadcast_in_dim3A_246 = vector.shape_cast %reduce_min3A_245 : vector<64x256xi32> to vector<64x1x256xi32>
    %eq3A_247 = vector.broadcast %broadcast_in_dim3A_231 : vector<64x1x256xi32> to vector<64x64x256xi32>
    %eq3A_248 = arith.cmpi eq, %iota3A, %eq3A_247 : vector<64x64x256xi32>
    %jit3A_249 = arith.constant -1.000000e+00 : f32
    %broadcast_in_dim3A_250 = vector.broadcast %jit3A_249 : f32 to vector<64x64x256xf32>
    %select_n3A_251 = arith.select %eq3A_248, %broadcast_in_dim3A_250, %select_n3A_220 : vector<64x64x256xi1>, vector<64x64x256xf32>
    %reduce_max3A_252 = arith.constant dense<0xFF800000> : vector<64x256xf32>
    %reduce_max3A_253 = vector.multi_reduction <maximumf>, %select_n3A_251, %reduce_max3A_252 [1] : vector<64x64x256xf32> to vector<64x256xf32>
    %broadcast_in_dim3A_254 = vector.shape_cast %reduce_max3A_253 : vector<64x256xf32> to vector<64x1x256xf32>
    %gt3A_255 = arith.constant 0.000000e+00 : f32
    %gt3A_256 = vector.broadcast %gt3A_255 : f32 to vector<64x1x256xf32>
    %gt3A_257 = arith.cmpf ogt, %broadcast_in_dim3A_254, %gt3A_256 : vector<64x1x256xf32>
    %jit3A_258 = arith.constant -1.000000e+00 : f32
    %broadcast_in_dim3A_259 = vector.broadcast %jit3A_258 : f32 to vector<64x1x256xf32>
    %select_n3A_260 = arith.select %gt3A_257, %broadcast_in_dim3A_254, %broadcast_in_dim3A_259 : vector<64x1x256xi1>, vector<64x1x256xf32>
    %eq3A_261 = vector.broadcast %broadcast_in_dim3A_254 : vector<64x1x256xf32> to vector<64x64x256xf32>
    %eq3A_262 = arith.cmpf oeq, %select_n3A_251, %eq3A_261 : vector<64x64x256xf32>
    %add3A_263 = arith.addi %mul3A_190, %iota3A : vector<64x64x256xi32>
    %jit3A_264 = arith.constant 1073741824 : i32
    %broadcast_in_dim3A_265 = vector.broadcast %jit3A_264 : i32 to vector<64x64x256xi32>
    %select_n3A_266 = arith.select %eq3A_262, %add3A_263, %broadcast_in_dim3A_265 : vector<64x64x256xi1>, vector<64x64x256xi32>
    %reduce_min3A_267 = arith.constant dense<2147483647> : vector<64x256xi32>
    %reduce_min3A_268 = vector.multi_reduction <minsi>, %select_n3A_266, %reduce_min3A_267 [1] : vector<64x64x256xi32> to vector<64x256xi32>
    %broadcast_in_dim3A_269 = vector.shape_cast %reduce_min3A_268 : vector<64x256xi32> to vector<64x1x256xi32>
    %concatenate3A_270 = tpu.concatenate %select_n3A_206, %select_n3A_237, %select_n3A_260 in 1 : vector<64x1x256xf32>, vector<64x1x256xf32>, vector<64x1x256xf32> -> vector<64x3x256xf32>
    %swap3A_271 = arith.constant 0 : index
    %swap3A_272 = arith.constant 0 : index
    %swap3A_273 = arith.constant 0 : index
    %swap3A_274 = vector.load %arg5[%swap3A_271, %swap3A_272, %swap3A_273] : memref<64x3x256xf32, #tpu.memory_space<vmem>>, vector<64x3x256xf32>
    tpu.vector_store %arg5[%swap3A_271, %swap3A_272, %swap3A_273], %concatenate3A_270 {strides = array<i32>} : memref<64x3x256xf32, #tpu.memory_space<vmem>>, vector<64x3x256xf32>,
    %concatenate3A_275 = tpu.concatenate %broadcast_in_dim3A_215, %broadcast_in_dim3A_246, %broadcast_in_dim3A_269 in 1 : vector<64x1x256xi32>, vector<64x1x256xi32>, vector<64x1x256xi32> -> vector<64x3x256xi32>
    %swap3A_276 = arith.constant 0 : index
    %swap3A_277 = arith.constant 0 : index
    %swap3A_278 = arith.constant 0 : index
    %swap3A_279 = vector.load %arg6[%swap3A_276, %swap3A_277, %swap3A_278] : memref<64x3x256xi32, #tpu.memory_space<vmem>>, vector<64x3x256xi32>
    tpu.vector_store %arg6[%swap3A_276, %swap3A_277, %swap3A_278], %concatenate3A_275 {strides = array<i32>} : memref<64x3x256xi32, #tpu.memory_space<vmem>>, vector<64x3x256xi32>,
    return
  }
}

</mosaic_0001>

<sc_bundles>
// kernel: gather_offload_async_start.1
scs
__scs_entry_jumppad:
0x0: {  	(pc) =	sbr.rel $0x88, $3  }
0x1: {  	(tag) =	ssettag $0x0;
	lr =	simm.s32 $0x1  }
0x2: {  	[smem:$0x3F91] =	sst lr;
	_ =	strace $0xD0000000  }
0x3: {  	_ = 	snop  }
0x4: {  	_ = 	snop  }
0x5: {  	_ = 	snop  }
0x6: {  	_ = 	snop  }
0x7: {  	_ = 	snop  }
__scs_overlays_trampoline_lowered:
0x8: {  	[smem:$0x3FA0] =	sst s0  }
0x9: {  	[smem:$0x3FA1] =	sst s1  }
0xa: {  	[smem:$0x3FA2] =	sst s2  }
0xb: {  	[smem:$0x3FA3] =	sst s3  }
0xc: {  	[smem:$0x3FA4] =	sst s4  }
0xd: {  	[smem:$0x3FA5] =	sst s5  }
0xe: {  	[smem:$0x3FA6] =	sst s6  }
0xf: {  	[smem:$0x3FA7] =	sst s7  }
0x10: {  	[smem:$0x3FA8] =	sst s8  }
0x11: {  	[smem:$0x3FA9] =	sst s9;
	s0 =	simm.s32 @!p0 $0x0  }
0x12: {  	s1 =	sld [smem:$0x3F8F];
	s0 =	simm.s32 @p0 $0x1  }
0x13: {  	[smem:$0x3FAA] =	sst s0;
	s0 =	simm.s32 @!p1 $0x0  }
0x14: {  	s2 =	sld [smem:$0x3F8E];
	s0 =	simm.s32 @p1 $0x1  }
0x15: {  	[smem:$0x3FAB] =	sst s0;
	s0 =	simm.s32 @!p2 $0x0  }
0x16: {  	s3 =	sld [smem:$0x3FDB];
	s0 =	simm.s32 @p2 $0x1  }
0x17: {  	s4 =	simm.s32 $0x1BF5;
	[smem:$0x3FAD] =	sst s0  }
0x18: {  	s0 =	sld [smem:$0x3F90];
	_ =	swait.ge [sflag:s4], $0x0  }
0x19: {  	s7 =	sld [smem:$0x3F91]  }
0x1a: {  	s8 =	sadd.s32 $0xFFFFE003, lr  }
0x1b: {  	s9 =	sadd.s32 $0xFFFFFEF7, lr;
	s5 =	simm.s32 $0xFFFFFFFF;
	p2 =	slt.u32 s8, $0xFFFFF086  }
0x1c: {  	p1 =	slt.u32 s9, $0xF7A;
	s5 =	simm.s32 @!p2 $0x0  }
0x1d: {  	s5 =	simm.s32 @p1 $0x1;
	p0 =	seq.s32 s7, s2  }
0x1e: {  	s7 =	smul.u32 @!p0 $0xF7A, s2;
	p2 =	seq.s32 @!p0 s5, $0x0  }
0x1f: {  	s9 =	smul.u32 $0xF7A, s1;
	s8 =	simm.s32 @!p0 $0x1BF5;
	p2 =	por !p2, p0  }
0x20: {  	[sflag:s8] =	ssyncset.s32 @!p0 $0xFFFFF086;
	s6 =	sadd.s32 @!p0 s3, s7;
	s7 =	simm.s32 @!p0 $0x108  }
0x21: {  	s3 =	sadd.s32 s3, s9;
	s6 =	sadd.s32 @!p0 $0x88, s6;
	s7 =	simm.s32 @p2 $0x1082  }
0x22: {  	[simem:s7], [sflag:s8] =	dma.local @!p0 [hbm:s6], $0xF7A  }
0x23: {  	s9 =	sor.u32 $0xD0000000, s2;
	s6 =	simm.s32 $0x108;
	_ =	swait.ge @!p0 [sflag:s8], $0x0  }
0x24: {  	s3 =	sadd.s32 $0x88, s3;
	s6 =	simm.s32 @!p1 $0x1082;
	[sflag:s4] =	ssyncset.s32 $0xFFFFF086  }
0x25: {  	[simem:s6], [sflag:s4] =	dma.local [hbm:s3], $0xF7A  }
0x26: {  	[smem:$0x3F91] =	sst s1;
	(tag) =	ssettag s2;
	_ =	strace s9  }
0x27: {  	s1 =	sld [smem:$0x3FA1]  }
0x28: {  	s2 =	sld [smem:$0x3FA2]  }
0x29: {  	s4 =	sld [smem:$0x3FA4]  }
0x2a: {  	p0 =	seq.s32 s5, $0x0;
	s5 =	sld [smem:$0x3FA5]  }
0x2b: {  	s6 =	sld [smem:$0x3FA6]  }
0x2c: {  	s7 =	sld [smem:$0x3FA7]  }
0x2d: {  	s3 =	simm.s32 $0x108;
	s8 =	sld [smem:$0x3FA8]  }
0x2e: {  	s3 =	simm.s32 @!p0 $0x1082;
	s9 =	sld [smem:$0x3FA9]  }
0x2f: {  	lr =	sadd.s32 s0, s3;
	s0 =	sld [smem:$0x3FA0]  }
0x30: {  	s3 =	sld [smem:$0x3FA3]  }
0x31: {  	[smem:$0x3FAC] =	sst s10  }
0x32: {  	s10 =	sld [smem:$0x3FAA];
	_ =	sdelay $0x3  }
0x33: {  	p0 =	seq.s32 s10, $0x1;
	s10 =	sld [smem:$0x3FAC];
	_ =	sdelay $0x3  }
0x34: {  	[smem:$0x3FAC] =	sst s10  }
0x35: {  	s10 =	sld [smem:$0x3FAB];
	_ =	sdelay $0x3  }
0x36: {  	p1 =	seq.s32 s10, $0x1;
	s10 =	sld [smem:$0x3FAC];
	_ =	sdelay $0x3  }
0x37: {  	[smem:$0x3FAC] =	sst s10  }
0x38: {  	s10 =	sld [smem:$0x3FAD]  }
0x39: {  	_ = 	snop;
	(pc) =	sbr.ind lr, $3  }
0x3a: {  	_ = 	snop  }
0x3b: {  	_ = 	snop  }
0x3c: {  	p2 =	seq.s32 s10, $0x1;
	s10 =	sld [smem:$0x3FAC]  }
0x3d: {  	_ =	shalt  }
0x3e: {  	_ =	shalt  }
0x3f: {  	_ =	shalt  }
0x40: {  	_ =	shalt  }
0x41: {  	_ =	shalt  }
0x42: {  	_ =	shalt  }
0x43: {  	_ =	shalt  }
0x44: {  	_ =	shalt  }
0x45: {  	_ =	shalt  }
0x46: {  	_ =	shalt  }
0x47: {  	_ =	shalt  }
0x48: {  	_ =	shalt  }
0x49: {  	_ =	shalt  }
0x4a: {  	_ =	shalt  }
0x4b: {  	_ =	shalt  }
0x4c: {  	_ =	shalt  }
0x4d: {  	_ =	shalt  }
0x4e: {  	_ =	shalt  }
0x4f: {  	_ =	shalt  }
0x50: {  	_ =	shalt  }
0x51: {  	_ =	shalt  }
0x52: {  	_ =	shalt  }
0x53: {  	_ =	shalt  }
0x54: {  	_ =	shalt  }
0x55: {  	_ =	shalt  }
0x56: {  	_ =	shalt  }
0x57: {  	_ =	shalt  }
0x58: {  	_ =	shalt  }
0x59: {  	_ =	shalt  }
0x5a: {  	_ =	shalt  }
0x5b: {  	_ =	shalt  }
0x5c: {  	_ =	shalt  }
0x5d: {  	_ =	shalt  }
0x5e: {  	_ =	shalt  }
0x5f: {  	_ =	shalt  }
0x60: {  	_ =	shalt  }
0x61: {  	_ =	shalt  }
0x62: {  	_ =	shalt  }
0x63: {  	_ =	shalt  }
0x64: {  	_ =	shalt  }
0x65: {  	_ =	shalt  }
0x66: {  	_ =	shalt  }
0x67: {  	_ =	shalt  }
0x68: {  	_ =	shalt  }
0x69: {  	_ =	shalt  }
0x6a: {  	_ =	shalt  }
0x6b: {  	_ =	shalt  }
0x6c: {  	_ =	shalt  }
0x6d: {  	_ =	shalt  }
0x6e: {  	_ =	shalt  }
0x6f: {  	_ =	shalt  }
0x70: {  	_ =	shalt  }
0x71: {  	_ =	shalt  }
0x72: {  	_ =	shalt  }
0x73: {  	_ =	shalt  }
0x74: {  	_ =	shalt  }
0x75: {  	_ =	shalt  }
0x76: {  	_ =	shalt  }
0x77: {  	_ =	shalt  }
0x78: {  	_ =	shalt  }
0x79: {  	_ =	shalt  }
0x7a: {  	_ =	shalt  }
0x7b: {  	_ =	shalt  }
0x7c: {  	_ =	shalt  }
0x7d: {  	_ =	shalt  }
0x7e: {  	_ =	shalt  }
0x7f: {  	_ =	shalt  }
0x80: {  	_ =	shalt  }
0x81: {  	_ =	shalt  }
0x82: {  	_ =	shalt  }
0x83: {  	_ =	shalt  }
0x84: {  	_ =	shalt  }
0x85: {  	_ =	shalt  }
0x86: {  	_ =	shalt  }
0x87: {  	_ =	shalt  }
.Lfunc_end0:
.L_simem_size_0:
called_computation.3_lowered:
.L_overlay_start_0:
0x88: {  	s2 =	sld [smem:$0x3FD9]  }
0x89: {  	s3 =	sld [smem:$0x3FFE];
	_ =	sdelay $0x1  }
0x8a: {  	s1 =	srdreg.scid  }
0x8b: {  	s0 =	sand.u32 $0x1, s1  }
0x8c: {  	s14 =	sshll.u32 s0, $0xA;
	s2 =	sadd.s32 s3, s2  }
0x8d: {  	s2 =	sadd.s32 s2, s14  }
0x8e: {  	[smem:$0x3FB8] =	sst s2  }
0x8f: {  	_ = 	snop  }
0x90: {  	s2 =	sld [smem:$0x3FD0];
	_ =	sdelay $0x2  }
0x91: {  	s15 =	simm.s32 $0xD;
	s4 =	simm.s32 $0x10  }
0x92: {  	[smem:s4], [sflag:s15] =	dma.local [hbm:s2], $0x1  }
0x93: {  	_ =	swait.eq [sflag:s15], $0x1  }
0x94: {  	[sflag:s15] =	ssyncset.done $0x0  }
0x95: {  	[sflag:s15] =	ssyncadd.s32 $0xFFFFFFFF  }
0x96: {  	s16 =	sld [smem:$0x10];
	(tm) =	ssettm $0x1  }
0x97: {  	s17 =	sld [smem:$0x3FFB];
	_ =	sdelay $0x3  }
0x98: {  	_ =	strace s17  }
0x99: {  	s3 =	sld [smem:$0x3FFC];
	_ =	sdelay $0x3  }
0x9a: {  	_ =	strace s3  }
0x9b: {  	s3 =	sld [smem:$0x3FFD];
	_ =	sdelay $0x3  }
0x9c: {  	_ =	strace s3  }
0x9d: {  	_ =	strace $0x8FFFFFFF  }
0x9e: {  	s18 =	sld [smem:$0x3FDB];
	_ =	sdelay $0x1  }
0x9f: {  	s19 =	simm.s32 $_scs_section_size  }
0xa0: {  	s5 =	simm.s32 $_size__tile_overlayer_lowered;
	s6 =	simm.s32 $_tile_overlayer_lowered  }
0xa1: {  	s22 =	simm.s32 $0x1BFF;
	s21 =	sshll.u32 s6, $0x1;
	s3 =	sadd.s32 s19, s18  }
0xa2: {  	s7 =	simm.s32 $0x0;
	s20 =	sshll.u32 s5, $0x1;
	s5 =	sadd.s32 s21, s3  }
0xa3: {  	[timem:s7], [sflag:s22] =	dma.local [hbm:s5], s20  }
0xa4: {  	_ =	swait.ge [sflag:s22], s20  }
0xa5: {  	s4 =	ssub.s32 $0x0, s20;
	[sflag:s22] =	ssyncset.done $0x0  }
0xa6: {  	[sflag:s22] =	ssyncadd.s32 s4;
	_ =	sdelay $0x1  }
0xa7: {  	s23 =	simm.s32 $0x1B8B  }
0xa8: {  	_ =	swait.ge [sflag:s23], $0x1  }
0xa9: {  	[sflag:s23] =	ssyncset.done $0x0  }
0xaa: {  	s25 =	simm.s32 $0x1B8E;
	s24 =	sld [smem:$0x3FFE];
	[sflag:s23] =	ssyncadd.s32 $0xFFFFFFFF  }
0xab: {  	s26 =	simm.s32 $execute0_lowered;
	[smem:$0x3FD2] =	sst s25  }
0xac: {  	s5 =	sshll.u32 s26, $0x1;
	_ =	strace $0x80000055;
	[dreg:$0x1] =	wrdreg $0xFFFFFFFF  }
0xad: {  	s28 =	simm.s32 $_size_execute0_lowered;
	s3 =	sadd.s32 s3, s5;
	[dreg:$0x0] =	wrdreg $0x0  }
0xae: {  	s5 =	sshll.u32 s28, $0x1;
	[dreg:$0x2] =	wrdreg s3  }
0xaf: {  	[dreg:$0x3] =	wrdreg s5  }
0xb0: {  	[dreg:$0x4] =	wrdreg $0xC0  }
0xb1: {  	_ =	task [dreg:s7], $0x5FFFF  }
0xb2: {  	[dreg:$0x1] =	wrdreg $0xFFFFFFFF  }
0xb3: {  	[dreg:$0x0] =	wrdreg $0x60  }
0xb4: {  	[dreg:$0x2] =	wrdreg s24  }
0xb5: {  	[dreg:$0x3] =	wrdreg s16  }
0xb6: {  	[dreg:$0x4] =	wrdreg $0xA  }
0xb7: {  	_ =	task.clear_ibuf [dreg:s7], $0x5FFFF;
	_ =	strace $0x90000055  }
0xb8: {  	s29 =	simm.s32 $0xA;
	_ =	strace $0x80000057  }
0xb9: {  	_ =	swait.ge [sflag:s29], $0x1  }
0xba: {  	[sflag:s29] =	ssyncadd.s32 $0xFFFFFFFF  }
0xbb: {  	_ =	strace $0x90000057  }
0xbc: {  	_ =	sfence  }
0xbd: {  	s30 =	sld [smem:$0x0];
	_ =	sdelay $0x2  }
0xbe: {  	s31 =	sshll.u32 s1, $0xD;
	s1 =	sshrl.u32 s1, $0x2  }
0xbf: {  	s3 =	sand.u32 $0x4000, s31;
	s1 =	sadd.s32 s1, s30  }
0xc0: {  	s0 =	sor.u32 s3, s0;
	s1 =	sshll.u32 s1, $0x11  }
0xc1: {  	s0 =	sor.u32 s1, s0  }
0xc2: {  	s0 =	sadd.s32 $0x8F2B, s0  }
0xc3: {  	[sflag:s0] =	ssyncadd.remote.s32 $0x1  }
0xc4: {  	_ =	sfence.sel $0xFFFF  }
0xc5: {  	[dreg:$0x0] =	wrdreg $0xFFFFFFFF;
	(pc) =	sbr.abs _section_cstart, $3  }
0xc6: {  	[dreg:$0x1] =	wrdreg $0xFFFFFFFF  }
0xc7: {  	_ =	task.clear_ibuf [dreg:s7], $0x2FFFF;
	_ =	strace $0x9FFFFFFF  }
0xc8: {  	(tm) =	ssettm $0x7FFFFFFF  }
0xc9: {  	_ =	shalt  }
tec
execute0_lowered:
.L_overlay_start_1:
0x0: {  	(tag) =	ssettag $0x1  }
0x1: {  	s1 =	srdreg.scid;
	s6 =	rddreg [dreg:$0x0]  }
0x2: {  	s0 =	stileid.u32;
	s2 =	rddreg [dreg:$0x1];
	s1 =	sshll.u32 s1, $0x5  }
0x3: {  	s7 =	simm.s32 $0x1;
	s3 =	sshll.u32 s0, $0x6;
	s1 =	sand.u32 $0x20, s1  }
0x4: {  	s30 =	simm.s32 $0x2;
	s31 =	simm.s32 $0x3;
	s3 =	sor.u32 s3, s1  }
0x5: {  	s11 =	simm.s32 $0x0;
	s9 =	simm.s32 $0x0;
	s5 =	ssub.s32 $0x4E40, s3  }
0x6: {  	s4 =	sadd.s32 $0x1E00, s6;
	s6 =	sadd.s32 $0x53C00, s6;
	s8 =	sand.u32 $0x3E0, s5  }
0x7: {  	s1 =	rddreg [dreg:$0x2];
	_ =	strace $0x80000056;
	p0 =	sne.s32 s8, $0x0  }
0x8: {  	[sflag:s7] =	ssyncpa.u1 $0x0;
	s5 =	sshrl.u32 s5, $0xA;
	s7 =	simm.s32 @!p0 $0x0  }
0x9: {  	s10 =	smov.u32 s3;
	[sflag:s30] =	ssyncpa.u1 $0x0;
	s5 =	sadd.s32 s7, s5  }
0xa: {  	[sflag:s31] =	ssyncpa.u1 $0x0;
	s8 =	simm.s32 $0x0;
	s7 =	sadd.s32 $0x1, s5  }
.LBB2_1:
0xb: {  	p0 =	sge.u32 s9, s5  }
0xc: {  	s31 =	sadd.s32 $0xFFFFFFFF, s9;
	s12 =	sxor.u32 @!p0 $0xFFFFFFFF, s8;
	s13 =	sshrl.u32 @!p0 s10, $0x3  }
0xd: {  	s14 =	sand.u32 @!p0 $0x7, s10;
	s12 =	sand.u32 @!p0 $0x20, s12;
	s13 =	sadd.s32 @!p0 s6, s13  }
0xe: {  	[tilespmem:s12], [sflag:$0x2] =	stream.linear.gather @!p0 [hbm4b:s13+s14], $0x20, $0x38;
	[tilespmem:$0x80] =	vst v63  }
0xf: {  	p0 =	sge.u32 s31, s5  }
0x10: {  	s12 =	simm.s32 @!p0 $0x2  }
0x11: {  	_ =	swait.ge @!p0 [sflag:s12], $0x20  }
0x12: {  	[sflag:s12] =	ssyncset.done @!p0 $0x0  }
0x13: {  	[sflag:s12] =	ssyncadd.s32 @!p0 $0xFFFFFFE0;
	s12 =	sand.u32 @!p0 $0x20, s8  }
0x14: {  	(ifvalue) =	ssetifvalue @!p0 $0x7FFFFFFF;
	v0 =	vld.msk @!p0 [tilespmem:s12+$0x0 ss:$0x1], $0xffff;
	_ =	sdelay $0x4  }
0x15: {  	vm0 =	vgt.s32 @!p0 v0, $0x0  }
0x16: {  	v0 =	vnsel @!p0 vm0, $0x0, v0  }
0x17: {  	v0 =	vmin.u32 @!p0 v0, $0x4E1F;
	_ =	sdelay $0x2  }
0x18: {  	s14 =	simm.s32 @!p0 $0x0  }
0x19: {  	s13 =	sor.u32 @!p0 $0x40, s12;
	(ifvalue) =	ssetifvalue @!p0 $0x7FFFFFFF;
	s15 =	sor.u32 @!p0 $0x10, s12;
	vm0 =	vmmov @!p0 $0xffff  }
0x1a: {  	[tilespmem:s13], [sflag:$0x1] =	stream.indirect_vreg.gather @!p0 [hbm4b:s4+s14], $0x1, v0, vm0, $0x4038;
	[tilespmem:$0x80] =	vst v63  }
0x1b: {  	v0 =	vld.msk @!p0 [tilespmem:s15+$0x0 ss:$0x1], $0xffff;
	_ =	sdelay $0x4  }
0x1c: {  	vm1 =	vgt.s32 @!p0 v0, $0x0  }
0x1d: {  	v0 =	vnsel @!p0 vm1, $0x0, v0  }
0x1e: {  	v0 =	vmin.u32 @!p0 v0, $0x4E1F;
	_ =	sdelay $0x3  }
0x1f: {  	s12 =	sor.u32 @!p0 $0x50, s12;
	(ifvalue) =	ssetifvalue @!p0 $0x7FFFFFFF  }
0x20: {  	[tilespmem:s12], [sflag:$0x1] =	stream.indirect_vreg.gather @!p0 [hbm4b:s4+s14], $0x1, v0, vm0, $0x4038;
	[tilespmem:$0x80] =	vst v63  }
0x21: {  	s12 =	simm.s32 @!p0 $0x1  }
0x22: {  	_ =	swait.ge @!p0 [sflag:s12], $0x20  }
0x23: {  	s14 =	sshrl.u32 @!p0 s11, $0x3;
	[sflag:s12] =	ssyncset.done @!p0 $0x0  }
0x24: {  	s11 =	sand.u32 @!p0 $0x7, s11;
	[sflag:s12] =	ssyncadd.s32 @!p0 $0xFFFFFFE0;
	s12 =	sadd.s32 @!p0 s2, s14  }
0x25: {  	[hbm4b:s12+s11] =	stream.linear.scatter @!p0 [tilespmem:s13], [sflag:$0x3], $0x20, $0x38;
	[tilespmem:$0x80] =	vst v63  }
0x26: {  	s13 =	sadd.s32 $0x400, s10  }
0x27: {  	p1 =	sgt.s32 s13, $0x4E3F  }
0x28: {  	s13 =	smov.u32 @p1 s3;
	p1 =	sne.s32 s9, s7  }
.Ltmp0:
0x29: {  	p0 =	slt.u32 s9, $0x2;
	(pc) =	sbr.rel @p1 .LBB2_1-.Ltmp0, $4  }
0x2a: {  	s12 =	simm.s32 @!p0 $0x3  }
0x2b: {  	_ =	swait.ge @!p0 [sflag:s12], $0x20  }
0x2c: {  	s8 =	sadd.s32 $0x20, s8;
	s11 =	smov.u32 s10;
	[sflag:s12] =	ssyncset.done @!p0 $0x0  }
0x2d: {  	s9 =	sadd.s32 $0x1, s9;
	s10 =	smov.u32 s13;
	[sflag:s12] =	ssyncadd.s32 @!p0 $0xFFFFFFE0  }
0x2e: {  	_ =	sfence.sel $0x180000  }
0x2f: {  	s2 =	simm.s32 $0x2;
	[bflag:$0x0] =	sbarrier.arrive $0xFFFF  }
0x30: {  	s30 =	simm.s32 $0x3;
	[sflag:s2] =	ssyncpa.u1 $0x1  }
0x31: {  	s31 =	simm.s32 $0x1;
	[sflag:s30] =	ssyncpa.u1 $0x1  }
0x32: {  	[sflag:s31] =	ssyncpa.u1 $0x1  }
0x33: {  	p0 =	sne.s32 s0, $0x0;
	_ =	strace $0x90000056  }
0x34: {  	s0 =	sadd.s32 @!p0 $0x100000, s1;
	[bflag:$0x2] =	sbarrier.arrive $0xFFFF  }
0x35: {  	[sflag:s0] =	ssyncadd.tile.s32 @!p0 $0x1;
	_ =	shalt  }
.Lfunc_end2:
_tile_overlayer_lowered:
.L_overlay_start_2:
0x36: {  	(tag) =	ssettag $0x2  }
0x37: {  	s0 =	rddreg [dreg:$0x0];
	s2 =	stileid.u32  }
0x38: {  	s1 =	rddreg [dreg:$0x1];
	p0 =	sne.s32 s2, $0x0  }
0x39: {  	s3 =	rddreg [dreg:$0x2];
	[bflag:$0x3] =	sbarrier.arrive $0xFFFF;
	s2 =	simm.s32 @!p0 $0x1C01  }
0x3a: {  	[timem:s3], [sflag:s2] =	dma.local @!p0 [hbm:s0], s1  }
0x3b: {  	s0 =	simm.s32 @!p0 $0x1  }
0x3c: {  	_ =	swait.ge @!p0 [sflag:s0], s1  }
0x3d: {  	s1 =	ssub.s32 @!p0 $0x0, s1;
	[sflag:s0] =	ssyncset.done @!p0 $0x0  }
0x3e: {  	[sflag:s0] =	ssyncadd.s32 @!p0 s1  }
0x3f: {  	[bflag:$0x3] =	sbarrier.arrive $0xFFFF  }
0x40: {  	_ =	shalt  }

// kernel: gather_offload_async_start
scs
__scs_entry_jumppad:
0x0: {  	(pc) =	sbr.rel $0x88, $3  }
0x1: {  	(tag) =	ssettag $0x0;
	lr =	simm.s32 $0x1  }
0x2: {  	[smem:$0x3F91] =	sst lr;
	_ =	strace $0xD0000000  }
0x3: {  	_ = 	snop  }
0x4: {  	_ = 	snop  }
0x5: {  	_ = 	snop  }
0x6: {  	_ = 	snop  }
0x7: {  	_ = 	snop  }
__scs_overlays_trampoline_lowered:
0x8: {  	[smem:$0x3FA0] =	sst s0  }
0x9: {  	[smem:$0x3FA1] =	sst s1  }
0xa: {  	[smem:$0x3FA2] =	sst s2  }
0xb: {  	[smem:$0x3FA3] =	sst s3  }
0xc: {  	[smem:$0x3FA4] =	sst s4  }
0xd: {  	[smem:$0x3FA5] =	sst s5  }
0xe: {  	[smem:$0x3FA6] =	sst s6  }
0xf: {  	[smem:$0x3FA7] =	sst s7  }
0x10: {  	[smem:$0x3FA8] =	sst s8  }
0x11: {  	[smem:$0x3FA9] =	sst s9;
	s0 =	simm.s32 @!p0 $0x0  }
0x12: {  	s1 =	sld [smem:$0x3F8F];
	s0 =	simm.s32 @p0 $0x1  }
0x13: {  	[smem:$0x3FAA] =	sst s0;
	s0 =	simm.s32 @!p1 $0x0  }
0x14: {  	s2 =	sld [smem:$0x3F8E];
	s0 =	simm.s32 @p1 $0x1  }
0x15: {  	[smem:$0x3FAB] =	sst s0;
	s0 =	simm.s32 @!p2 $0x0  }
0x16: {  	s3 =	sld [smem:$0x3FDB];
	s0 =	simm.s32 @p2 $0x1  }
0x17: {  	s4 =	simm.s32 $0x1BF5;
	[smem:$0x3FAD] =	sst s0  }
0x18: {  	s0 =	sld [smem:$0x3F90];
	_ =	swait.ge [sflag:s4], $0x0  }
0x19: {  	s7 =	sld [smem:$0x3F91]  }
0x1a: {  	s8 =	sadd.s32 $0xFFFFE003, lr  }
0x1b: {  	s9 =	sadd.s32 $0xFFFFFEF7, lr;
	s5 =	simm.s32 $0xFFFFFFFF;
	p2 =	slt.u32 s8, $0xFFFFF086  }
0x1c: {  	p1 =	slt.u32 s9, $0xF7A;
	s5 =	simm.s32 @!p2 $0x0  }
0x1d: {  	s5 =	simm.s32 @p1 $0x1;
	p0 =	seq.s32 s7, s2  }
0x1e: {  	s7 =	smul.u32 @!p0 $0xF7A, s2;
	p2 =	seq.s32 @!p0 s5, $0x0  }
0x1f: {  	s9 =	smul.u32 $0xF7A, s1;
	s8 =	simm.s32 @!p0 $0x1BF5;
	p2 =	por !p2, p0  }
0x20: {  	[sflag:s8] =	ssyncset.s32 @!p0 $0xFFFFF086;
	s6 =	sadd.s32 @!p0 s3, s7;
	s7 =	simm.s32 @!p0 $0x108  }
0x21: {  	s3 =	sadd.s32 s3, s9;
	s6 =	sadd.s32 @!p0 $0x88, s6;
	s7 =	simm.s32 @p2 $0x1082  }
0x22: {  	[simem:s7], [sflag:s8] =	dma.local @!p0 [hbm:s6], $0xF7A  }
0x23: {  	s9 =	sor.u32 $0xD0000000, s2;
	s6 =	simm.s32 $0x108;
	_ =	swait.ge @!p0 [sflag:s8], $0x0  }
0x24: {  	s3 =	sadd.s32 $0x88, s3;
	s6 =	simm.s32 @!p1 $0x1082;
	[sflag:s4] =	ssyncset.s32 $0xFFFFF086  }
0x25: {  	[simem:s6], [sflag:s4] =	dma.local [hbm:s3], $0xF7A  }
0x26: {  	[smem:$0x3F91] =	sst s1;
	(tag) =	ssettag s2;
	_ =	strace s9  }
0x27: {  	s1 =	sld [smem:$0x3FA1]  }
0x28: {  	s2 =	sld [smem:$0x3FA2]  }
0x29: {  	s4 =	sld [smem:$0x3FA4]  }
0x2a: {  	p0 =	seq.s32 s5, $0x0;
	s5 =	sld [smem:$0x3FA5]  }
0x2b: {  	s6 =	sld [smem:$0x3FA6]  }
0x2c: {  	s7 =	sld [smem:$0x3FA7]  }
0x2d: {  	s3 =	simm.s32 $0x108;
	s8 =	sld [smem:$0x3FA8]  }
0x2e: {  	s3 =	simm.s32 @!p0 $0x1082;
	s9 =	sld [smem:$0x3FA9]  }
0x2f: {  	lr =	sadd.s32 s0, s3;
	s0 =	sld [smem:$0x3FA0]  }
0x30: {  	s3 =	sld [smem:$0x3FA3]  }
0x31: {  	[smem:$0x3FAC] =	sst s10  }
0x32: {  	s10 =	sld [smem:$0x3FAA];
	_ =	sdelay $0x3  }
0x33: {  	p0 =	seq.s32 s10, $0x1;
	s10 =	sld [smem:$0x3FAC];
	_ =	sdelay $0x3  }
0x34: {  	[smem:$0x3FAC] =	sst s10  }
0x35: {  	s10 =	sld [smem:$0x3FAB];
	_ =	sdelay $0x3  }
0x36: {  	p1 =	seq.s32 s10, $0x1;
	s10 =	sld [smem:$0x3FAC];
	_ =	sdelay $0x3  }
0x37: {  	[smem:$0x3FAC] =	sst s10  }
0x38: {  	s10 =	sld [smem:$0x3FAD]  }
0x39: {  	_ = 	snop;
	(pc) =	sbr.ind lr, $3  }
0x3a: {  	_ = 	snop  }
0x3b: {  	_ = 	snop  }
0x3c: {  	p2 =	seq.s32 s10, $0x1;
	s10 =	sld [smem:$0x3FAC]  }
0x3d: {  	_ =	shalt  }
0x3e: {  	_ =	shalt  }
0x3f: {  	_ =	shalt  }
0x40: {  	_ =	shalt  }
0x41: {  	_ =	shalt  }
0x42: {  	_ =	shalt  }
0x43: {  	_ =	shalt  }
0x44: {  	_ =	shalt  }
0x45: {  	_ =	shalt  }
0x46: {  	_ =	shalt  }
0x47: {  	_ =	shalt  }
0x48: {  	_ =	shalt  }
0x49: {  	_ =	shalt  }
0x4a: {  	_ =	shalt  }
0x4b: {  	_ =	shalt  }
0x4c: {  	_ =	shalt  }
0x4d: {  	_ =	shalt  }
0x4e: {  	_ =	shalt  }
0x4f: {  	_ =	shalt  }
0x50: {  	_ =	shalt  }
0x51: {  	_ =	shalt  }
0x52: {  	_ =	shalt  }
0x53: {  	_ =	shalt  }
0x54: {  	_ =	shalt  }
0x55: {  	_ =	shalt  }
0x56: {  	_ =	shalt  }
0x57: {  	_ =	shalt  }
0x58: {  	_ =	shalt  }
0x59: {  	_ =	shalt  }
0x5a: {  	_ =	shalt  }
0x5b: {  	_ =	shalt  }
0x5c: {  	_ =	shalt  }
0x5d: {  	_ =	shalt  }
0x5e: {  	_ =	shalt  }
0x5f: {  	_ =	shalt  }
0x60: {  	_ =	shalt  }
0x61: {  	_ =	shalt  }
0x62: {  	_ =	shalt  }
0x63: {  	_ =	shalt  }
0x64: {  	_ =	shalt  }
0x65: {  	_ =	shalt  }
0x66: {  	_ =	shalt  }
0x67: {  	_ =	shalt  }
0x68: {  	_ =	shalt  }
0x69: {  	_ =	shalt  }
0x6a: {  	_ =	shalt  }
0x6b: {  	_ =	shalt  }
0x6c: {  	_ =	shalt  }
0x6d: {  	_ =	shalt  }
0x6e: {  	_ =	shalt  }
0x6f: {  	_ =	shalt  }
0x70: {  	_ =	shalt  }
0x71: {  	_ =	shalt  }
0x72: {  	_ =	shalt  }
0x73: {  	_ =	shalt  }
0x74: {  	_ =	shalt  }
0x75: {  	_ =	shalt  }
0x76: {  	_ =	shalt  }
0x77: {  	_ =	shalt  }
0x78: {  	_ =	shalt  }
0x79: {  	_ =	shalt  }
0x7a: {  	_ =	shalt  }
0x7b: {  	_ =	shalt  }
0x7c: {  	_ =	shalt  }
0x7d: {  	_ =	shalt  }
0x7e: {  	_ =	shalt  }
0x7f: {  	_ =	shalt  }
0x80: {  	_ =	shalt  }
0x81: {  	_ =	shalt  }
0x82: {  	_ =	shalt  }
0x83: {  	_ =	shalt  }
0x84: {  	_ =	shalt  }
0x85: {  	_ =	shalt  }
0x86: {  	_ =	shalt  }
0x87: {  	_ =	shalt  }
.Lfunc_end0:
.L_simem_size_0:
called_computation.2_lowered:
.L_overlay_start_0:
0x88: {  	s2 =	sld [smem:$0x3FD9]  }
0x89: {  	s3 =	sld [smem:$0x3FFE];
	_ =	sdelay $0x1  }
0x8a: {  	s1 =	srdreg.scid  }
0x8b: {  	s0 =	sand.u32 $0x1, s1  }
0x8c: {  	s16 =	sshll.u32 s0, $0xA;
	s2 =	sadd.s32 s3, s2  }
0x8d: {  	s2 =	sadd.s32 s2, s16  }
0x8e: {  	[smem:$0x3FB8] =	sst s2  }
0x8f: {  	_ = 	snop  }
0x90: {  	(tm) =	ssettm $0x1  }
0x91: {  	s17 =	sld [smem:$0x3FFB];
	_ =	sdelay $0x3  }
0x92: {  	_ =	strace s17  }
0x93: {  	s2 =	sld [smem:$0x3FFC];
	_ =	sdelay $0x3  }
0x94: {  	_ =	strace s2  }
0x95: {  	s2 =	sld [smem:$0x3FFD];
	_ =	sdelay $0x3  }
0x96: {  	_ =	strace s2  }
0x97: {  	_ =	strace $0x8FFFFFFF  }
0x98: {  	s18 =	sld [smem:$0x3FDB];
	_ =	sdelay $0x1  }
0x99: {  	s19 =	simm.s32 $_scs_section_size  }
0x9a: {  	s4 =	simm.s32 $_size__tile_overlayer_lowered;
	s5 =	simm.s32 $_tile_overlayer_lowered  }
0x9b: {  	s22 =	simm.s32 $0x1BFF;
	s21 =	sshll.u32 s5, $0x1;
	s2 =	sadd.s32 s19, s18  }
0x9c: {  	s6 =	simm.s32 $0x0;
	s20 =	sshll.u32 s4, $0x1;
	s4 =	sadd.s32 s21, s2  }
0x9d: {  	[timem:s6], [sflag:s22] =	dma.local [hbm:s4], s20  }
0x9e: {  	_ =	swait.ge [sflag:s22], s20  }
0x9f: {  	s3 =	ssub.s32 $0x0, s20;
	[sflag:s22] =	ssyncset.done $0x0  }
0xa0: {  	[sflag:s22] =	ssyncadd.s32 s3;
	_ =	sdelay $0x1  }
0xa1: {  	s23 =	simm.s32 $0x1B8B  }
0xa2: {  	_ =	swait.ge [sflag:s23], $0x1  }
0xa3: {  	[sflag:s23] =	ssyncset.done $0x0  }
0xa4: {  	s25 =	simm.s32 $0x1B8E;
	s24 =	sld [smem:$0x3FFE];
	[sflag:s23] =	ssyncadd.s32 $0xFFFFFFFF  }
0xa5: {  	s26 =	simm.s32 $execute0_lowered;
	[smem:$0x3FD2] =	sst s25  }
0xa6: {  	s4 =	sshll.u32 s26, $0x1;
	_ =	strace $0x80000046;
	[dreg:$0x1] =	wrdreg $0xFFFFFFFF  }
0xa7: {  	s28 =	simm.s32 $_size_execute0_lowered;
	s2 =	sadd.s32 s2, s4;
	[dreg:$0x0] =	wrdreg $0x0  }
0xa8: {  	s4 =	sshll.u32 s28, $0x1;
	[dreg:$0x2] =	wrdreg s2  }
0xa9: {  	[dreg:$0x3] =	wrdreg s4  }
0xaa: {  	[dreg:$0x4] =	wrdreg $0xC0  }
0xab: {  	_ =	task [dreg:s6], $0x5FFFF  }
0xac: {  	[dreg:$0x1] =	wrdreg $0xFFFFFFFF  }
0xad: {  	[dreg:$0x0] =	wrdreg $0x60  }
0xae: {  	[dreg:$0x2] =	wrdreg s24  }
0xaf: {  	[dreg:$0x3] =	wrdreg $0xB  }
0xb0: {  	_ =	task.clear_ibuf [dreg:s6], $0x4FFFF;
	_ =	strace $0x90000046  }
0xb1: {  	s29 =	simm.s32 $0xB;
	_ =	strace $0x80000048  }
0xb2: {  	_ =	swait.ge [sflag:s29], $0x1  }
0xb3: {  	[sflag:s29] =	ssyncadd.s32 $0xFFFFFFFF  }
0xb4: {  	_ =	strace $0x90000048  }
0xb5: {  	_ =	sfence  }
0xb6: {  	s30 =	sld [smem:$0x0];
	_ =	sdelay $0x2  }
0xb7: {  	s31 =	sshll.u32 s1, $0xD;
	s1 =	sshrl.u32 s1, $0x2  }
0xb8: {  	s3 =	sand.u32 $0x4000, s31;
	s1 =	sadd.s32 s1, s30  }
0xb9: {  	s0 =	sor.u32 s3, s0;
	s1 =	sshll.u32 s1, $0x11  }
0xba: {  	s0 =	sor.u32 s1, s0  }
0xbb: {  	s0 =	sadd.s32 $0x8F2B, s0  }
0xbc: {  	[sflag:s0] =	ssyncadd.remote.s32 $0x1  }
0xbd: {  	_ =	sfence.sel $0xFFFF  }
0xbe: {  	[dreg:$0x0] =	wrdreg $0xFFFFFFFF;
	(pc) =	sbr.abs _section_cstart, $3  }
0xbf: {  	[dreg:$0x1] =	wrdreg $0xFFFFFFFF  }
0xc0: {  	_ =	task.clear_ibuf [dreg:s6], $0x2FFFF;
	_ =	strace $0x9FFFFFFF  }
0xc1: {  	(tm) =	ssettm $0x7FFFFFFF  }
tec
execute0_lowered:
.L_overlay_start_1:
0x0: {  	(tag) =	ssettag $0x1  }
0x1: {  	s1 =	srdreg.scid  }
0x2: {  	s0 =	stileid.u32;
	s2 =	rddreg [dreg:$0x0];
	s1 =	sshll.u32 s1, $0x5  }
0x3: {  	s6 =	simm.s32 $0x1;
	s3 =	sshll.u32 s0, $0x6;
	s1 =	sand.u32 $0x20, s1  }
0x4: {  	s30 =	simm.s32 $0x2;
	s31 =	simm.s32 $0x3;
	s3 =	sor.u32 s3, s1  }
0x5: {  	s11 =	simm.s32 $0x0;
	s8 =	simm.s32 $0x0;
	s5 =	ssub.s32 $0x4E40, s3  }
0x6: {  	s9 =	simm.s32 $0x0;
	s4 =	sadd.s32 $0x53200, s2;
	s7 =	sand.u32 $0x3E0, s5  }
0x7: {  	s1 =	rddreg [dreg:$0x1];
	_ =	strace $0x80000047;
	p0 =	sne.s32 s7, $0x0  }
0x8: {  	[sflag:s6] =	ssyncpa.u1 $0x0;
	s5 =	sshrl.u32 s5, $0xA;
	s6 =	simm.s32 @!p0 $0x0  }
0x9: {  	s10 =	smov.u32 s3;
	[sflag:s30] =	ssyncpa.u1 $0x0;
	s5 =	sadd.s32 s6, s5  }
0xa: {  	[sflag:s31] =	ssyncpa.u1 $0x0;
	s6 =	sadd.s32 $0x54600, s2;
	s7 =	sadd.s32 $0x1, s5  }
.LBB2_1:
0xb: {  	p0 =	sge.u32 s9, s5  }
0xc: {  	s31 =	sadd.s32 $0xFFFFFFFF, s9;
	s12 =	sxor.u32 @!p0 $0xFFFFFFFF, s8;
	s13 =	sshrl.u32 @!p0 s10, $0x3  }
0xd: {  	s14 =	sand.u32 @!p0 $0x7, s10;
	s12 =	sand.u32 @!p0 $0x20, s12;
	s13 =	sadd.s32 @!p0 s4, s13  }
0xe: {  	[tilespmem:s12], [sflag:$0x2] =	stream.linear.gather @!p0 [hbm4b:s13+s14], $0x20, $0x38;
	[tilespmem:$0x80] =	vst v63  }
0xf: {  	p0 =	sge.u32 s31, s5  }
0x10: {  	s12 =	simm.s32 @!p0 $0x2  }
0x11: {  	_ =	swait.ge @!p0 [sflag:s12], $0x20  }
0x12: {  	[sflag:s12] =	ssyncset.done @!p0 $0x0  }
0x13: {  	[sflag:s12] =	ssyncadd.s32 @!p0 $0xFFFFFFE0;
	s12 =	sand.u32 @!p0 $0x20, s8  }
0x14: {  	(ifvalue) =	ssetifvalue @!p0 $0x7FFFFFFF;
	v0 =	vld.msk @!p0 [tilespmem:s12+$0x0 ss:$0x1], $0xffff;
	_ =	sdelay $0x4  }
0x15: {  	vm0 =	vgt.s32 @!p0 v0, $0x0  }
0x16: {  	v0 =	vnsel @!p0 vm0, $0x0, v0  }
0x17: {  	v0 =	vmin.u32 @!p0 v0, $0x4E1F;
	_ =	sdelay $0x2  }
0x18: {  	s14 =	simm.s32 @!p0 $0x0  }
0x19: {  	s13 =	sor.u32 @!p0 $0x40, s12;
	(ifvalue) =	ssetifvalue @!p0 $0x7FFFFFFF;
	s15 =	sor.u32 @!p0 $0x10, s12;
	vm0 =	vmmov @!p0 $0xffff  }
0x1a: {  	[tilespmem:s13], [sflag:$0x1] =	stream.indirect_vreg.gather @!p0 [hbm4b:s2+s14], $0x1, v0, vm0, $0x4038;
	[tilespmem:$0x80] =	vst v63  }
0x1b: {  	v0 =	vld.msk @!p0 [tilespmem:s15+$0x0 ss:$0x1], $0xffff;
	_ =	sdelay $0x4  }
0x1c: {  	vm1 =	vgt.s32 @!p0 v0, $0x0  }
0x1d: {  	v0 =	vnsel @!p0 vm1, $0x0, v0  }
0x1e: {  	v0 =	vmin.u32 @!p0 v0, $0x4E1F;
	_ =	sdelay $0x3  }
0x1f: {  	s12 =	sor.u32 @!p0 $0x50, s12;
	(ifvalue) =	ssetifvalue @!p0 $0x7FFFFFFF  }
0x20: {  	[tilespmem:s12], [sflag:$0x1] =	stream.indirect_vreg.gather @!p0 [hbm4b:s2+s14], $0x1, v0, vm0, $0x4038;
	[tilespmem:$0x80] =	vst v63  }
0x21: {  	s12 =	simm.s32 @!p0 $0x1  }
0x22: {  	_ =	swait.ge @!p0 [sflag:s12], $0x20  }
0x23: {  	s14 =	sshrl.u32 @!p0 s11, $0x3;
	[sflag:s12] =	ssyncset.done @!p0 $0x0  }
0x24: {  	s11 =	sand.u32 @!p0 $0x7, s11;
	[sflag:s12] =	ssyncadd.s32 @!p0 $0xFFFFFFE0;
	s12 =	sadd.s32 @!p0 s6, s14  }
0x25: {  	[hbm4b:s12+s11] =	stream.linear.scatter @!p0 [tilespmem:s13], [sflag:$0x3], $0x20, $0x38;
	[tilespmem:$0x80] =	vst v63  }
0x26: {  	s13 =	sadd.s32 $0x400, s10  }
0x27: {  	p1 =	sgt.s32 s13, $0x4E3F  }
0x28: {  	s13 =	smov.u32 @p1 s3;
	p1 =	sne.s32 s9, s7  }
.Ltmp0:
0x29: {  	p0 =	slt.u32 s9, $0x2;
	(pc) =	sbr.rel @p1 .LBB2_1-.Ltmp0, $4  }
0x2a: {  	s12 =	simm.s32 @!p0 $0x3  }
0x2b: {  	_ =	swait.ge @!p0 [sflag:s12], $0x20  }
0x2c: {  	s8 =	sadd.s32 $0x20, s8;
	s11 =	smov.u32 s10;
	[sflag:s12] =	ssyncset.done @!p0 $0x0  }
0x2d: {  	s9 =	sadd.s32 $0x1, s9;
	s10 =	smov.u32 s13;
	[sflag:s12] =	ssyncadd.s32 @!p0 $0xFFFFFFE0  }
0x2e: {  	_ =	sfence.sel $0x180000  }
0x2f: {  	s2 =	simm.s32 $0x2;
	[bflag:$0x0] =	sbarrier.arrive $0xFFFF  }
0x30: {  	s30 =	simm.s32 $0x3;
	[sflag:s2] =	ssyncpa.u1 $0x1  }
0x31: {  	s31 =	simm.s32 $0x1;
	[sflag:s30] =	ssyncpa.u1 $0x1  }
0x32: {  	[sflag:s31] =	ssyncpa.u1 $0x1  }
0x33: {  	p0 =	sne.s32 s0, $0x0;
	_ =	strace $0x90000047  }
0x34: {  	s0 =	sadd.s32 @!p0 $0x100000, s1;
	[bflag:$0x2] =	sbarrier.arrive $0xFFFF  }
0x35: {  	[sflag:s0] =	ssyncadd.tile.s32 @!p0 $0x1;
	_ =	shalt  }
.Lfunc_end2:
_tile_overlayer_lowered:
.L_overlay_start_2:
0x36: {  	(tag) =	ssettag $0x2  }
0x37: {  	s0 =	rddreg [dreg:$0x0];
	s2 =	stileid.u32  }
0x38: {  	s1 =	rddreg [dreg:$0x1];
	p0 =	sne.s32 s2, $0x0  }
0x39: {  	s3 =	rddreg [dreg:$0x2];
	[bflag:$0x3] =	sbarrier.arrive $0xFFFF;
	s2 =	simm.s32 @!p0 $0x1C01  }
0x3a: {  	[timem:s3], [sflag:s2] =	dma.local @!p0 [hbm:s0], s1  }
0x3b: {  	s0 =	simm.s32 @!p0 $0x1  }
0x3c: {  	_ =	swait.ge @!p0 [sflag:s0], s1  }
0x3d: {  	s1 =	ssub.s32 @!p0 $0x0, s1;
	[sflag:s0] =	ssyncset.done @!p0 $0x0  }
0x3e: {  	[sflag:s0] =	ssyncadd.s32 @!p0 s1  }
0x3f: {  	[bflag:$0x3] =	sbarrier.arrive $0xFFFF  }
0x40: {  	_ =	shalt  }

// kernel: kernel.10.cloned.1.call-start
scs
__scs_entry_jumppad:
0x0: {  	(pc) =	sbr.rel $0x88, $3  }
0x1: {  	(tag) =	ssettag $0x0;
	lr =	simm.s32 $0x1  }
0x2: {  	[smem:$0x3F91] =	sst lr;
	_ =	strace $0xD0000000  }
0x3: {  	_ = 	snop  }
0x4: {  	_ = 	snop  }
0x5: {  	_ = 	snop  }
0x6: {  	_ = 	snop  }
0x7: {  	_ = 	snop  }
__scs_overlays_trampoline_lowered:
0x8: {  	[smem:$0x3FA0] =	sst s0  }
0x9: {  	[smem:$0x3FA1] =	sst s1  }
0xa: {  	[smem:$0x3FA2] =	sst s2  }
0xb: {  	[smem:$0x3FA3] =	sst s3  }
0xc: {  	[smem:$0x3FA4] =	sst s4  }
0xd: {  	[smem:$0x3FA5] =	sst s5  }
0xe: {  	[smem:$0x3FA6] =	sst s6  }
0xf: {  	[smem:$0x3FA7] =	sst s7  }
0x10: {  	[smem:$0x3FA8] =	sst s8  }
0x11: {  	[smem:$0x3FA9] =	sst s9;
	s0 =	simm.s32 @!p0 $0x0  }
0x12: {  	s1 =	sld [smem:$0x3F8F];
	s0 =	simm.s32 @p0 $0x1  }
0x13: {  	[smem:$0x3FAA] =	sst s0;
	s0 =	simm.s32 @!p1 $0x0  }
0x14: {  	s2 =	sld [smem:$0x3F8E];
	s0 =	simm.s32 @p1 $0x1  }
0x15: {  	[smem:$0x3FAB] =	sst s0;
	s0 =	simm.s32 @!p2 $0x0  }
0x16: {  	s3 =	sld [smem:$0x3FDB];
	s0 =	simm.s32 @p2 $0x1  }
0x17: {  	s4 =	simm.s32 $0x1BF5;
	[smem:$0x3FAD] =	sst s0  }
0x18: {  	s0 =	sld [smem:$0x3F90];
	_ =	swait.ge [sflag:s4], $0x0  }
0x19: {  	s7 =	sld [smem:$0x3F91]  }
0x1a: {  	s8 =	sadd.s32 $0xFFFFE003, lr  }
0x1b: {  	s9 =	sadd.s32 $0xFFFFFEF7, lr;
	s5 =	simm.s32 $0xFFFFFFFF;
	p2 =	slt.u32 s8, $0xFFFFF086  }
0x1c: {  	p1 =	slt.u32 s9, $0xF7A;
	s5 =	simm.s32 @!p2 $0x0  }
0x1d: {  	s5 =	simm.s32 @p1 $0x1;
	p0 =	seq.s32 s7, s2  }
0x1e: {  	s7 =	smul.u32 @!p0 $0xF7A, s2;
	p2 =	seq.s32 @!p0 s5, $0x0  }
0x1f: {  	s9 =	smul.u32 $0xF7A, s1;
	s8 =	simm.s32 @!p0 $0x1BF5;
	p2 =	por !p2, p0  }
0x20: {  	[sflag:s8] =	ssyncset.s32 @!p0 $0xFFFFF086;
	s6 =	sadd.s32 @!p0 s3, s7;
	s7 =	simm.s32 @!p0 $0x108  }
0x21: {  	s3 =	sadd.s32 s3, s9;
	s6 =	sadd.s32 @!p0 $0x88, s6;
	s7 =	simm.s32 @p2 $0x1082  }
0x22: {  	[simem:s7], [sflag:s8] =	dma.local @!p0 [hbm:s6], $0xF7A  }
0x23: {  	s9 =	sor.u32 $0xD0000000, s2;
	s6 =	simm.s32 $0x108;
	_ =	swait.ge @!p0 [sflag:s8], $0x0  }
0x24: {  	s3 =	sadd.s32 $0x88, s3;
	s6 =	simm.s32 @!p1 $0x1082;
	[sflag:s4] =	ssyncset.s32 $0xFFFFF086  }
0x25: {  	[simem:s6], [sflag:s4] =	dma.local [hbm:s3], $0xF7A  }
0x26: {  	[smem:$0x3F91] =	sst s1;
	(tag) =	ssettag s2;
	_ =	strace s9  }
0x27: {  	s1 =	sld [smem:$0x3FA1]  }
0x28: {  	s2 =	sld [smem:$0x3FA2]  }
0x29: {  	s4 =	sld [smem:$0x3FA4]  }
0x2a: {  	p0 =	seq.s32 s5, $0x0;
	s5 =	sld [smem:$0x3FA5]  }
0x2b: {  	s6 =	sld [smem:$0x3FA6]  }
0x2c: {  	s7 =	sld [smem:$0x3FA7]  }
0x2d: {  	s3 =	simm.s32 $0x108;
	s8 =	sld [smem:$0x3FA8]  }
0x2e: {  	s3 =	simm.s32 @!p0 $0x1082;
	s9 =	sld [smem:$0x3FA9]  }
0x2f: {  	lr =	sadd.s32 s0, s3;
	s0 =	sld [smem:$0x3FA0]  }
0x30: {  	s3 =	sld [smem:$0x3FA3]  }
0x31: {  	[smem:$0x3FAC] =	sst s10  }
0x32: {  	s10 =	sld [smem:$0x3FAA];
	_ =	sdelay $0x3  }
0x33: {  	p0 =	seq.s32 s10, $0x1;
	s10 =	sld [smem:$0x3FAC];
	_ =	sdelay $0x3  }
0x34: {  	[smem:$0x3FAC] =	sst s10  }
0x35: {  	s10 =	sld [smem:$0x3FAB];
	_ =	sdelay $0x3  }
0x36: {  	p1 =	seq.s32 s10, $0x1;
	s10 =	sld [smem:$0x3FAC];
	_ =	sdelay $0x3  }
0x37: {  	[smem:$0x3FAC] =	sst s10  }
0x38: {  	s10 =	sld [smem:$0x3FAD]  }
0x39: {  	_ = 	snop;
	(pc) =	sbr.ind lr, $3  }
0x3a: {  	_ = 	snop  }
0x3b: {  	_ = 	snop  }
0x3c: {  	p2 =	seq.s32 s10, $0x1;
	s10 =	sld [smem:$0x3FAC]  }
0x3d: {  	_ =	shalt  }
0x3e: {  	_ =	shalt  }
0x3f: {  	_ =	shalt  }
0x40: {  	_ =	shalt  }
0x41: {  	_ =	shalt  }
0x42: {  	_ =	shalt  }
0x43: {  	_ =	shalt  }
0x44: {  	_ =	shalt  }
0x45: {  	_ =	shalt  }
0x46: {  	_ =	shalt  }
0x47: {  	_ =	shalt  }
0x48: {  	_ =	shalt  }
0x49: {  	_ =	shalt  }
0x4a: {  	_ =	shalt  }
0x4b: {  	_ =	shalt  }
0x4c: {  	_ =	shalt  }
0x4d: {  	_ =	shalt  }
0x4e: {  	_ =	shalt  }
0x4f: {  	_ =	shalt  }
0x50: {  	_ =	shalt  }
0x51: {  	_ =	shalt  }
0x52: {  	_ =	shalt  }
0x53: {  	_ =	shalt  }
0x54: {  	_ =	shalt  }
0x55: {  	_ =	shalt  }
0x56: {  	_ =	shalt  }
0x57: {  	_ =	shalt  }
0x58: {  	_ =	shalt  }
0x59: {  	_ =	shalt  }
0x5a: {  	_ =	shalt  }
0x5b: {  	_ =	shalt  }
0x5c: {  	_ =	shalt  }
0x5d: {  	_ =	shalt  }
0x5e: {  	_ =	shalt  }
0x5f: {  	_ =	shalt  }
0x60: {  	_ =	shalt  }
0x61: {  	_ =	shalt  }
0x62: {  	_ =	shalt  }
0x63: {  	_ =	shalt  }
0x64: {  	_ =	shalt  }
0x65: {  	_ =	shalt  }
0x66: {  	_ =	shalt  }
0x67: {  	_ =	shalt  }
0x68: {  	_ =	shalt  }
0x69: {  	_ =	shalt  }
0x6a: {  	_ =	shalt  }
0x6b: {  	_ =	shalt  }
0x6c: {  	_ =	shalt  }
0x6d: {  	_ =	shalt  }
0x6e: {  	_ =	shalt  }
0x6f: {  	_ =	shalt  }
0x70: {  	_ =	shalt  }
0x71: {  	_ =	shalt  }
0x72: {  	_ =	shalt  }
0x73: {  	_ =	shalt  }
0x74: {  	_ =	shalt  }
0x75: {  	_ =	shalt  }
0x76: {  	_ =	shalt  }
0x77: {  	_ =	shalt  }
0x78: {  	_ =	shalt  }
0x79: {  	_ =	shalt  }
0x7a: {  	_ =	shalt  }
0x7b: {  	_ =	shalt  }
0x7c: {  	_ =	shalt  }
0x7d: {  	_ =	shalt  }
0x7e: {  	_ =	shalt  }
0x7f: {  	_ =	shalt  }
0x80: {  	_ =	shalt  }
0x81: {  	_ =	shalt  }
0x82: {  	_ =	shalt  }
0x83: {  	_ =	shalt  }
0x84: {  	_ =	shalt  }
0x85: {  	_ =	shalt  }
0x86: {  	_ =	shalt  }
0x87: {  	_ =	shalt  }
.Lfunc_end0:
.L_simem_size_0:
called_computation.4_lowered:
.L_overlay_start_0:
0x88: {  	s2 =	sld [smem:$0x3FD9]  }
0x89: {  	s3 =	sld [smem:$0x3FFE];
	_ =	sdelay $0x1  }
0x8a: {  	s1 =	srdreg.scid  }
0x8b: {  	s0 =	sand.u32 $0x1, s1  }
0x8c: {  	s17 =	sshll.u32 s0, $0xA;
	s2 =	sadd.s32 s3, s2  }
0x8d: {  	s2 =	sadd.s32 s2, s17  }
0x8e: {  	[smem:$0x3FB8] =	sst s2  }
0x8f: {  	_ = 	snop  }
0x90: {  	(tm) =	ssettm $0x1  }
0x91: {  	s18 =	sld [smem:$0x3FFB];
	_ =	sdelay $0x3  }
0x92: {  	_ =	strace s18  }
0x93: {  	s2 =	sld [smem:$0x3FFC];
	_ =	sdelay $0x3  }
0x94: {  	_ =	strace s2  }
0x95: {  	s2 =	sld [smem:$0x3FFD];
	_ =	sdelay $0x3  }
0x96: {  	_ =	strace s2  }
0x97: {  	_ =	strace $0x8FFFFFFF  }
0x98: {  	s19 =	sld [smem:$0x3FDB];
	_ =	sdelay $0x1  }
0x99: {  	s20 =	simm.s32 $_scs_section_size  }
0x9a: {  	s4 =	simm.s32 $_size__tile_overlayer_lowered;
	s5 =	simm.s32 $_tile_overlayer_lowered  }
0x9b: {  	s6 =	simm.s32 $0x1BFF;
	s21 =	sshll.u32 s5, $0x1;
	s3 =	sadd.s32 s20, s19  }
0x9c: {  	s22 =	simm.s32 $0x0;
	s4 =	sshll.u32 s4, $0x1;
	s5 =	sadd.s32 s21, s3  }
0x9d: {  	[timem:s22], [sflag:s6] =	dma.local [hbm:s5], s4  }
0x9e: {  	_ =	swait.ge [sflag:s6], s4  }
0x9f: {  	s4 =	ssub.s32 $0x0, s4;
	[sflag:s6] =	ssyncset.done $0x0  }
0xa0: {  	[sflag:s6] =	ssyncadd.s32 s4;
	_ =	sdelay $0x1  }
0xa1: {  	s23 =	simm.s32 $0x1B8B  }
0xa2: {  	_ =	swait.ge [sflag:s23], $0x1  }
0xa3: {  	[sflag:s23] =	ssyncset.done $0x0  }
0xa4: {  	[sflag:s23] =	ssyncadd.s32 $0xFFFFFFFF  }
0xa5: {  	s4 =	sld [smem:$0x0]  }
0xa6: {  	s5 =	sand.u32 $0xFFFFFFFE, s1  }
0xa7: {  	p0 =	sne.s32 s1, s5  }
0xa8: {  	s5 =	sshll.u32 @p0 s5, $0xE  }
0xa9: {  	s5 =	sadd.s32 @p0 $0x11B8D, s5;
	s6 =	sshll.u32 @p0 s4, $0x11  }
0xaa: {  	s5 =	sor.u32 @p0 s6, s5  }
0xab: {  	[sflag:s5] =	ssyncadd.remote.s32 @p0 $0x1;
	_ =	sdelay $0x1  }
0xac: {  	s5 =	simm.s32 @p0 $0x1B8D  }
0xad: {  	_ =	swait.eq @p0 [sflag:s5], $0x1  }
0xae: {  	[sflag:s5] =	ssyncadd.s32 @p0 $0xFFFFFFFF  }
0xaf: {  	s6 =	sshll.u32 @!p0 s1, $0xE  }
0xb0: {  	s6 =	sor.u32 @!p0 $0x4000, s6;
	s5 =	simm.s32 @!p0 $0x1B8D  }
0xb1: {  	s4 =	sshll.u32 @!p0 s4, $0x11;
	s6 =	sadd.s32 @!p0 $0x11B8D, s6;
	_ =	swait.eq @!p0 [sflag:s5], $0x1  }
0xb2: {  	s4 =	sor.u32 @!p0 s4, s6;
	[sflag:s5] =	ssyncadd.s32 @!p0 $0xFFFFFFFF  }
0xb3: {  	s25 =	simm.s32 $0x1B8E;
	s24 =	sld [smem:$0x3FFE];
	[sflag:s4] =	ssyncadd.remote.s32 @!p0 $0x1  }
0xb4: {  	s26 =	simm.s32 $execute0_lowered;
	[smem:$0x3FD2] =	sst s25  }
0xb5: {  	s5 =	sshll.u32 s26, $0x1;
	_ =	strace $0x80000058;
	[dreg:$0x1] =	wrdreg $0xFFFFFFFF  }
0xb6: {  	s28 =	simm.s32 $_size_execute0_lowered;
	s3 =	sadd.s32 s3, s5;
	[dreg:$0x0] =	wrdreg $0x0  }
0xb7: {  	s5 =	sshll.u32 s28, $0x1;
	[dreg:$0x2] =	wrdreg s3  }
0xb8: {  	[dreg:$0x3] =	wrdreg s5  }
0xb9: {  	[dreg:$0x4] =	wrdreg $0xC0  }
0xba: {  	_ =	task [dreg:s22], $0x5FFFF  }
0xbb: {  	[dreg:$0x1] =	wrdreg $0xFFFFFFFF  }
0xbc: {  	[dreg:$0x0] =	wrdreg $0x60  }
0xbd: {  	[dreg:$0x2] =	wrdreg s24  }
0xbe: {  	[dreg:$0x3] =	wrdreg $0x9  }
0xbf: {  	_ =	task.clear_ibuf [dreg:s22], $0x4FFFF;
	_ =	strace $0x90000058  }
0xc0: {  	s29 =	simm.s32 $0x9;
	_ =	strace $0x8000005A  }
0xc1: {  	_ =	swait.ge [sflag:s29], $0x1  }
0xc2: {  	[sflag:s29] =	ssyncadd.s32 $0xFFFFFFFF  }
0xc3: {  	_ =	strace $0x9000005A  }
0xc4: {  	_ =	sfence  }
0xc5: {  	s30 =	sld [smem:$0x0];
	_ =	sdelay $0x2  }
0xc6: {  	s31 =	sshll.u32 s1, $0xD;
	s1 =	sshrl.u32 s1, $0x2  }
0xc7: {  	s4 =	sand.u32 $0x4000, s31;
	s1 =	sadd.s32 s1, s30  }
0xc8: {  	s0 =	sor.u32 s4, s0;
	s1 =	sshll.u32 s1, $0x11  }
0xc9: {  	s0 =	sor.u32 s1, s0  }
0xca: {  	s0 =	sadd.s32 $0x8F2B, s0  }
0xcb: {  	[sflag:s0] =	ssyncadd.remote.s32 $0x1  }
0xcc: {  	_ =	sfence.sel $0xFFFF  }
0xcd: {  	[dreg:$0x0] =	wrdreg $0xFFFFFFFF;
	(pc) =	sbr.abs _section_cstart, $3  }
0xce: {  	[dreg:$0x1] =	wrdreg $0xFFFFFFFF  }
0xcf: {  	_ =	task.clear_ibuf [dreg:s22], $0x2FFFF;
	_ =	strace $0x9FFFFFFF  }
0xd0: {  	(tm) =	ssettm $0x7FFFFFFF  }
0xd1: {  	_ =	shalt  }
tec
execute0_lowered:
.L_overlay_start_1:
0x0: {  	(tag) =	ssettag $0x1  }
0x1: {  	s0 =	rddreg [dreg:$0x0];
	s2 =	simm.s32 $0x0  }
0x2: {  	s1 =	srdreg.scid;
	s4 =	stileid.u32;
	s12 =	simm.s32 $0x1  }
0x3: {  	s14 =	simm.s32 $0x900;
	s15 =	simm.s32 $0x1100;
	s16 =	simm.s32 $0x1900  }
0x4: {  	s17 =	simm.s32 $0x2100;
	s18 =	simm.s32 $0x2900;
	s19 =	simm.s32 $0x3100  }
0x5: {  	s20 =	simm.s32 $0x3900;
	s21 =	simm.s32 $0x4100;
	s22 =	simm.s32 $0x4900  }
0x6: {  	s23 =	simm.s32 $0x5100;
	s28 =	simm.s32 $0x7100;
	s29 =	simm.s32 $0x7900  }
0x7: {  	s30 =	simm.s32 $0x8100;
	s31 =	simm.s32 $0x8900;
	s9 =	simm.s32 $0xB100  }
0x8: {  	s10 =	simm.s32 $0xB900;
	s11 =	simm.s32 $0xC100;
	[smem:$0x7FF] =	sst s2  }
0x9: {  	s1 =	sand.u32 $0x1, s1;
	s3 =	sadd.s32 $0xF0A00, s0;
	s4 =	sshll.u32 s4, $0xA  }
0xa: {  	s6 =	sadd.s32 $0x3C00, s0;
	s0 =	sadd.s32 $0x54600, s0;
	s5 =	sshll.u32 s1, $0x9  }
0xb: {  	_ =	strace $0x80000059;
	s1 =	ssub.s32 $0x2, s1;
	s4 =	sor.u32 s5, s4  }
0xc: {  	s24 =	sshrl.u32 s1, $0x1;
	s5 =	simm.s32 $0x2;
	s7 =	sshrl.u32 s4, $0x3  }
0xd: {  	s8 =	sshll.u32 s4, $0x5;
	s4 =	sor.u32 $0x100, s4;
	s1 =	ssub.s32 s1, s24  }
0xe: {  	s24 =	simm.s32 $0x5900;
	s7 =	sadd.s32 s6, s7;
	s25 =	sadd.s32 s0, s8  }
0xf: {  	s26 =	sshrl.u32 s4, $0x3;
	s4 =	sshll.u32 s4, $0x5;
	[dreg:$0x2] =	wrdreg s7  }
0x10: {  	s8 =	simm.s32 $0xA900;
	[dreg:$0x3] =	wrdreg s25;
	s6 =	sadd.s32 s6, s26  }
0x11: {  	v2 =	vlaneseq.u32;
	s0 =	sadd.s32 s0, s4;
	s4 =	smax.u32 s1, $0x1;
	s25 =	simm.s32 $0x6100  }
0x12: {  	vm0 =	vmmov $0xffff;
	v1 =	vshrl.u32 v2, $0x3;
	s26 =	simm.s32 $0x6900;
	s1 =	simm.s32 $0x9900;
	[dreg:$0x4] =	wrdreg s6  }
0x13: {  	v0 =	vand.u32 $0x7, v2;
	v2 =	vor.u32 $0x8, v2;
	v1 =	vmul.u32 $0x8, v1;
	s7 =	simm.s32 $0xA100;
	[dreg:$0x5] =	wrdreg s0;
	s6 =	simm.s32 $0xC900  }
.LBB2_1:
0x14: {  	s13 =	rddreg [dreg:$0x2]  }
0x15: {  	[tilespmem:s2], [sflag:$0x2] =	stream.linear.gather [hbm4b:s13+s2], $0x100, $0x38;
	[tilespmem:$0x10100] =	vst v63  }
0x16: {  	_ =	swait.ge [sflag:s5], $0x100  }
0x17: {  	[sflag:s5] =	ssyncset.done $0x0  }
0x18: {  	[sflag:s5] =	ssyncadd.s32 $0xFFFFFF00  }
0x19: {  	v3 =	vld [tilespmem:$0x0];
	_ =	sdelay $0x4  }
0x1a: {  	v4 =	vshll.u32 v3, $0x1  }
0x1b: {  	v3 =	vand.u32 $0x7, v3;
	v4 =	vand.u32 $0xFFFFFFF0, v4  }
0x1c: {  	v3 =	vor.u32 v3, v4  }
0x1d: {  	v4 =	vperm.xlane v3, v0;
	_ =	sdelay $0x1  }
0x1e: {  	v3 =	vperm.xlane v3, v2;
	v4 =	vadd.s32 v1, v4;
	_ =	sdelay $0x1  }
0x1f: {  	v3 =	vadd.s32 v1, v3;
	_ =	sdelay $0x1  }
0x20: {  	s0 =	simm.s32 $0x100  }
0x21: {  	[tilespmem:s0], [sflag:$0x1] =	stream.indirect_vreg.gather [hbm4b:s3+s2], $0x80, v4, vm0, $0xb8;
	[tilespmem:$0x10100] =	vst v63  }
0x22: {  	_ = 	snop  }
0x23: {  	[tilespmem:s14], [sflag:$0x1] =	stream.indirect_vreg.gather [hbm4b:s3+s2], $0x80, v3, vm0, $0xb8;
	[tilespmem:$0x10100] =	vst v63  }
0x24: {  	v3 =	vld [tilespmem:$0x10];
	_ =	sdelay $0x4  }
0x25: {  	v33 =	vshll.u32 v3, $0x1  }
0x26: {  	v3 =	vand.u32 $0x7, v3;
	v4 =	vand.u32 $0xFFFFFFF0, v33  }
0x27: {  	v3 =	vor.u32 v3, v4  }
0x28: {  	v4 =	vperm.xlane v3, v0;
	_ =	sdelay $0x1  }
0x29: {  	v3 =	vperm.xlane v3, v2;
	v4 =	vadd.s32 v1, v4;
	_ =	sdelay $0x1  }
0x2a: {  	v3 =	vadd.s32 v1, v3;
	_ =	sdelay $0x2  }
0x2b: {  	[tilespmem:s15], [sflag:$0x1] =	stream.indirect_vreg.gather [hbm4b:s3+s2], $0x80, v4, vm0, $0xb8;
	[tilespmem:$0x10100] =	vst v63  }
0x2c: {  	_ = 	snop  }
0x2d: {  	[tilespmem:s16], [sflag:$0x1] =	stream.indirect_vreg.gather [hbm4b:s3+s2], $0x80, v3, vm0, $0xb8;
	[tilespmem:$0x10100] =	vst v63  }
0x2e: {  	v3 =	vld [tilespmem:$0x20];
	_ =	sdelay $0x4  }
0x2f: {  	v34 =	vshll.u32 v3, $0x1  }
0x30: {  	v3 =	vand.u32 $0x7, v3;
	v4 =	vand.u32 $0xFFFFFFF0, v34  }
0x31: {  	v3 =	vor.u32 v3, v4  }
0x32: {  	v4 =	vperm.xlane v3, v0;
	_ =	sdelay $0x1  }
0x33: {  	v3 =	vperm.xlane v3, v2;
	v4 =	vadd.s32 v1, v4;
	_ =	sdelay $0x1  }
0x34: {  	v3 =	vadd.s32 v1, v3;
	_ =	sdelay $0x2  }
0x35: {  	[tilespmem:s17], [sflag:$0x1] =	stream.indirect_vreg.gather [hbm4b:s3+s2], $0x80, v4, vm0, $0xb8;
	[tilespmem:$0x10100] =	vst v63  }
0x36: {  	_ = 	snop  }
0x37: {  	[tilespmem:s18], [sflag:$0x1] =	stream.indirect_vreg.gather [hbm4b:s3+s2], $0x80, v3, vm0, $0xb8;
	[tilespmem:$0x10100] =	vst v63  }
0x38: {  	v3 =	vld [tilespmem:$0x30];
	_ =	sdelay $0x4  }
0x39: {  	v35 =	vshll.u32 v3, $0x1  }
0x3a: {  	v3 =	vand.u32 $0x7, v3;
	v4 =	vand.u32 $0xFFFFFFF0, v35  }
0x3b: {  	v3 =	vor.u32 v3, v4  }
0x3c: {  	v4 =	vperm.xlane v3, v0;
	_ =	sdelay $0x1  }
0x3d: {  	v3 =	vperm.xlane v3, v2;
	v4 =	vadd.s32 v1, v4;
	_ =	sdelay $0x1  }
0x3e: {  	v3 =	vadd.s32 v1, v3;
	_ =	sdelay $0x2  }
0x3f: {  	[tilespmem:s19], [sflag:$0x1] =	stream.indirect_vreg.gather [hbm4b:s3+s2], $0x80, v4, vm0, $0xb8;
	[tilespmem:$0x10100] =	vst v63  }
0x40: {  	_ = 	snop  }
0x41: {  	[tilespmem:s20], [sflag:$0x1] =	stream.indirect_vreg.gather [hbm4b:s3+s2], $0x80, v3, vm0, $0xb8;
	[tilespmem:$0x10100] =	vst v63  }
0x42: {  	v3 =	vld [tilespmem:$0x40];
	_ =	sdelay $0x4  }
0x43: {  	v36 =	vshll.u32 v3, $0x1  }
0x44: {  	v3 =	vand.u32 $0x7, v3;
	v4 =	vand.u32 $0xFFFFFFF0, v36  }
0x45: {  	v3 =	vor.u32 v3, v4  }
0x46: {  	v4 =	vperm.xlane v3, v0;
	_ =	sdelay $0x1  }
0x47: {  	v3 =	vperm.xlane v3, v2;
	v4 =	vadd.s32 v1, v4;
	_ =	sdelay $0x1  }
0x48: {  	v3 =	vadd.s32 v1, v3;
	_ =	sdelay $0x2  }
0x49: {  	[tilespmem:s21], [sflag:$0x1] =	stream.indirect_vreg.gather [hbm4b:s3+s2], $0x80, v4, vm0, $0xb8;
	[tilespmem:$0x10100] =	vst v63  }
0x4a: {  	_ = 	snop  }
0x4b: {  	[tilespmem:s22], [sflag:$0x1] =	stream.indirect_vreg.gather [hbm4b:s3+s2], $0x80, v3, vm0, $0xb8;
	[tilespmem:$0x10100] =	vst v63  }
0x4c: {  	v3 =	vld [tilespmem:$0x50];
	_ =	sdelay $0x4  }
0x4d: {  	v37 =	vshll.u32 v3, $0x1  }
0x4e: {  	v3 =	vand.u32 $0x7, v3;
	v4 =	vand.u32 $0xFFFFFFF0, v37  }
0x4f: {  	v3 =	vor.u32 v3, v4  }
0x50: {  	v4 =	vperm.xlane v3, v0;
	_ =	sdelay $0x1  }
0x51: {  	v3 =	vperm.xlane v3, v2;
	v4 =	vadd.s32 v1, v4;
	_ =	sdelay $0x1  }
0x52: {  	v3 =	vadd.s32 v1, v3;
	_ =	sdelay $0x2  }
0x53: {  	[tilespmem:s23], [sflag:$0x1] =	stream.indirect_vreg.gather [hbm4b:s3+s2], $0x80, v4, vm0, $0xb8;
	[tilespmem:$0x10100] =	vst v63  }
0x54: {  	_ = 	snop  }
0x55: {  	[tilespmem:s24], [sflag:$0x1] =	stream.indirect_vreg.gather [hbm4b:s3+s2], $0x80, v3, vm0, $0xb8;
	[tilespmem:$0x10100] =	vst v63  }
0x56: {  	v3 =	vld [tilespmem:$0x60];
	_ =	sdelay $0x4  }
0x57: {  	v38 =	vshll.u32 v3, $0x1  }
0x58: {  	v3 =	vand.u32 $0x7, v3;
	v4 =	vand.u32 $0xFFFFFFF0, v38  }
0x59: {  	v3 =	vor.u32 v3, v4  }
0x5a: {  	v4 =	vperm.xlane v3, v0;
	_ =	sdelay $0x1  }
0x5b: {  	v3 =	vperm.xlane v3, v2;
	v4 =	vadd.s32 v1, v4;
	_ =	sdelay $0x1  }
0x5c: {  	v3 =	vadd.s32 v1, v3;
	_ =	sdelay $0x2  }
0x5d: {  	[tilespmem:s25], [sflag:$0x1] =	stream.indirect_vreg.gather [hbm4b:s3+s2], $0x80, v4, vm0, $0xb8;
	[tilespmem:$0x10100] =	vst v63  }
0x5e: {  	_ = 	snop  }
0x5f: {  	[tilespmem:s26], [sflag:$0x1] =	stream.indirect_vreg.gather [hbm4b:s3+s2], $0x80, v3, vm0, $0xb8;
	[tilespmem:$0x10100] =	vst v63  }
0x60: {  	v3 =	vld [tilespmem:$0x70];
	_ =	sdelay $0x4  }
0x61: {  	v39 =	vshll.u32 v3, $0x1  }
0x62: {  	v3 =	vand.u32 $0x7, v3;
	v4 =	vand.u32 $0xFFFFFFF0, v39  }
0x63: {  	v3 =	vor.u32 v3, v4  }
0x64: {  	v4 =	vperm.xlane v3, v0;
	_ =	sdelay $0x1  }
0x65: {  	v3 =	vperm.xlane v3, v2;
	v4 =	vadd.s32 v1, v4;
	_ =	sdelay $0x1  }
0x66: {  	v3 =	vadd.s32 v1, v3;
	_ =	sdelay $0x2  }
0x67: {  	[tilespmem:s28], [sflag:$0x1] =	stream.indirect_vreg.gather [hbm4b:s3+s2], $0x80, v4, vm0, $0xb8;
	[tilespmem:$0x10100] =	vst v63  }
0x68: {  	_ = 	snop  }
0x69: {  	[tilespmem:s29], [sflag:$0x1] =	stream.indirect_vreg.gather [hbm4b:s3+s2], $0x80, v3, vm0, $0xb8;
	[tilespmem:$0x10100] =	vst v63  }
0x6a: {  	v3 =	vld [tilespmem:$0x80];
	_ =	sdelay $0x4  }
0x6b: {  	v40 =	vshll.u32 v3, $0x1  }
0x6c: {  	v3 =	vand.u32 $0x7, v3;
	v4 =	vand.u32 $0xFFFFFFF0, v40  }
0x6d: {  	v3 =	vor.u32 v3, v4  }
0x6e: {  	v4 =	vperm.xlane v3, v0;
	_ =	sdelay $0x1  }
0x6f: {  	v3 =	vperm.xlane v3, v2;
	v4 =	vadd.s32 v1, v4;
	_ =	sdelay $0x1  }
0x70: {  	v3 =	vadd.s32 v1, v3;
	_ =	sdelay $0x2  }
0x71: {  	[tilespmem:s30], [sflag:$0x1] =	stream.indirect_vreg.gather [hbm4b:s3+s2], $0x80, v4, vm0, $0xb8;
	[tilespmem:$0x10100] =	vst v63  }
0x72: {  	_ = 	snop  }
0x73: {  	[tilespmem:s31], [sflag:$0x1] =	stream.indirect_vreg.gather [hbm4b:s3+s2], $0x80, v3, vm0, $0xb8;
	[tilespmem:$0x10100] =	vst v63  }
0x74: {  	v3 =	vld [tilespmem:$0x90];
	_ =	sdelay $0x4  }
0x75: {  	v41 =	vshll.u32 v3, $0x1  }
0x76: {  	v3 =	vand.u32 $0x7, v3;
	v4 =	vand.u32 $0xFFFFFFF0, v41  }
0x77: {  	v3 =	vor.u32 v3, v4  }
0x78: {  	v4 =	vperm.xlane v3, v0;
	_ =	sdelay $0x1  }
0x79: {  	v3 =	vperm.xlane v3, v2;
	v4 =	vadd.s32 v1, v4;
	_ =	sdelay $0x1  }
0x7a: {  	v3 =	vadd.s32 v1, v3;
	_ =	sdelay $0x1  }
0x7b: {  	s13 =	simm.s32 $0x9100  }
0x7c: {  	[tilespmem:s13], [sflag:$0x1] =	stream.indirect_vreg.gather [hbm4b:s3+s2], $0x80, v4, vm0, $0xb8;
	[tilespmem:$0x10100] =	vst v63  }
0x7d: {  	_ = 	snop  }
0x7e: {  	[tilespmem:s1], [sflag:$0x1] =	stream.indirect_vreg.gather [hbm4b:s3+s2], $0x80, v3, vm0, $0xb8;
	[tilespmem:$0x10100] =	vst v63  }
0x7f: {  	v3 =	vld [tilespmem:$0xA0];
	_ =	sdelay $0x4  }
0x80: {  	v42 =	vshll.u32 v3, $0x1  }
0x81: {  	v3 =	vand.u32 $0x7, v3;
	v4 =	vand.u32 $0xFFFFFFF0, v42  }
0x82: {  	v3 =	vor.u32 v3, v4  }
0x83: {  	v4 =	vperm.xlane v3, v0;
	_ =	sdelay $0x1  }
0x84: {  	v3 =	vperm.xlane v3, v2;
	v4 =	vadd.s32 v1, v4;
	_ =	sdelay $0x1  }
0x85: {  	v3 =	vadd.s32 v1, v3;
	_ =	sdelay $0x2  }
0x86: {  	[tilespmem:s7], [sflag:$0x1] =	stream.indirect_vreg.gather [hbm4b:s3+s2], $0x80, v4, vm0, $0xb8;
	[tilespmem:$0x10100] =	vst v63  }
0x87: {  	_ = 	snop  }
0x88: {  	[tilespmem:s8], [sflag:$0x1] =	stream.indirect_vreg.gather [hbm4b:s3+s2], $0x80, v3, vm0, $0xb8;
	[tilespmem:$0x10100] =	vst v63  }
0x89: {  	v3 =	vld [tilespmem:$0xB0];
	_ =	sdelay $0x4  }
0x8a: {  	v43 =	vshll.u32 v3, $0x1  }
0x8b: {  	v3 =	vand.u32 $0x7, v3;
	v4 =	vand.u32 $0xFFFFFFF0, v43  }
0x8c: {  	v3 =	vor.u32 v3, v4  }
0x8d: {  	v4 =	vperm.xlane v3, v0;
	_ =	sdelay $0x1  }
0x8e: {  	v3 =	vperm.xlane v3, v2;
	v4 =	vadd.s32 v1, v4;
	_ =	sdelay $0x1  }
0x8f: {  	v3 =	vadd.s32 v1, v3;
	_ =	sdelay $0x2  }
0x90: {  	[tilespmem:s9], [sflag:$0x1] =	stream.indirect_vreg.gather [hbm4b:s3+s2], $0x80, v4, vm0, $0xb8;
	[tilespmem:$0x10100] =	vst v63  }
0x91: {  	_ = 	snop  }
0x92: {  	[tilespmem:s10], [sflag:$0x1] =	stream.indirect_vreg.gather [hbm4b:s3+s2], $0x80, v3, vm0, $0xb8;
	[tilespmem:$0x10100] =	vst v63  }
0x93: {  	v3 =	vld [tilespmem:$0xC0];
	_ =	sdelay $0x4  }
0x94: {  	v44 =	vshll.u32 v3, $0x1  }
0x95: {  	v3 =	vand.u32 $0x7, v3;
	v4 =	vand.u32 $0xFFFFFFF0, v44  }
0x96: {  	v3 =	vor.u32 v3, v4  }
0x97: {  	v4 =	vperm.xlane v3, v0;
	_ =	sdelay $0x1  }
0x98: {  	v3 =	vperm.xlane v3, v2;
	v4 =	vadd.s32 v1, v4;
	_ =	sdelay $0x1  }
0x99: {  	v3 =	vadd.s32 v1, v3;
	_ =	sdelay $0x2  }
0x9a: {  	[tilespmem:s11], [sflag:$0x1] =	stream.indirect_vreg.gather [hbm4b:s3+s2], $0x80, v4, vm0, $0xb8;
	[tilespmem:$0x10100] =	vst v63  }
0x9b: {  	_ = 	snop  }
0x9c: {  	[tilespmem:s6], [sflag:$0x1] =	stream.indirect_vreg.gather [hbm4b:s3+s2], $0x80, v3, vm0, $0xb8;
	[tilespmem:$0x10100] =	vst v63  }
0x9d: {  	v3 =	vld [tilespmem:$0xD0];
	_ =	sdelay $0x4  }
0x9e: {  	v45 =	vshll.u32 v3, $0x1  }
0x9f: {  	v3 =	vand.u32 $0x7, v3;
	v4 =	vand.u32 $0xFFFFFFF0, v45  }
0xa0: {  	v3 =	vor.u32 v3, v4  }
0xa1: {  	v4 =	vperm.xlane v3, v0;
	_ =	sdelay $0x1  }
0xa2: {  	v3 =	vperm.xlane v3, v2;
	v4 =	vadd.s32 v1, v4;
	_ =	sdelay $0x1  }
0xa3: {  	v3 =	vadd.s32 v1, v3;
	_ =	sdelay $0x1  }
0xa4: {  	s13 =	simm.s32 $0xD100  }
0xa5: {  	[tilespmem:s13], [sflag:$0x1] =	stream.indirect_vreg.gather [hbm4b:s3+s2], $0x80, v4, vm0, $0xb8;
	[tilespmem:$0x10100] =	vst v63  }
0xa6: {  	s13 =	simm.s32 $0xD900  }
0xa7: {  	[tilespmem:s13], [sflag:$0x1] =	stream.indirect_vreg.gather [hbm4b:s3+s2], $0x80, v3, vm0, $0xb8;
	[tilespmem:$0x10100] =	vst v63  }
0xa8: {  	v3 =	vld [tilespmem:$0xE0];
	_ =	sdelay $0x4  }
0xa9: {  	v46 =	vshll.u32 v3, $0x1  }
0xaa: {  	v3 =	vand.u32 $0x7, v3;
	v4 =	vand.u32 $0xFFFFFFF0, v46  }
0xab: {  	v3 =	vor.u32 v3, v4  }
0xac: {  	v4 =	vperm.xlane v3, v0;
	_ =	sdelay $0x1  }
0xad: {  	v3 =	vperm.xlane v3, v2;
	v4 =	vadd.s32 v1, v4;
	_ =	sdelay $0x1  }
0xae: {  	v3 =	vadd.s32 v1, v3;
	_ =	sdelay $0x1  }
0xaf: {  	s13 =	simm.s32 $0xE100  }
0xb0: {  	[tilespmem:s13], [sflag:$0x1] =	stream.indirect_vreg.gather [hbm4b:s3+s2], $0x80, v4, vm0, $0xb8;
	[tilespmem:$0x10100] =	vst v63  }
0xb1: {  	s13 =	simm.s32 $0xE900  }
0xb2: {  	[tilespmem:s13], [sflag:$0x1] =	stream.indirect_vreg.gather [hbm4b:s3+s2], $0x80, v3, vm0, $0xb8;
	[tilespmem:$0x10100] =	vst v63  }
0xb3: {  	v3 =	vld [tilespmem:$0xF0];
	_ =	sdelay $0x4  }
0xb4: {  	v47 =	vshll.u32 v3, $0x1  }
0xb5: {  	v3 =	vand.u32 $0x7, v3;
	v4 =	vand.u32 $0xFFFFFFF0, v47  }
0xb6: {  	v3 =	vor.u32 v3, v4  }
0xb7: {  	v4 =	vperm.xlane v3, v0;
	_ =	sdelay $0x1  }
0xb8: {  	v3 =	vperm.xlane v3, v2;
	v4 =	vadd.s32 v1, v4;
	_ =	sdelay $0x1  }
0xb9: {  	v3 =	vadd.s32 v1, v3;
	_ =	sdelay $0x1  }
0xba: {  	s13 =	simm.s32 $0xF100  }
0xbb: {  	[tilespmem:s13], [sflag:$0x1] =	stream.indirect_vreg.gather [hbm4b:s3+s2], $0x80, v4, vm0, $0xb8;
	[tilespmem:$0x10100] =	vst v63  }
0xbc: {  	s13 =	simm.s32 $0xF900  }
0xbd: {  	[tilespmem:s13], [sflag:$0x1] =	stream.indirect_vreg.gather [hbm4b:s3+s2], $0x80, v3, vm0, $0xb8;
	[tilespmem:$0x10100] =	vst v63  }
0xbe: {  	_ =	swait.ge [sflag:s12], $0x10000  }
0xbf: {  	[sflag:s12] =	ssyncset.done $0x0  }
0xc0: {  	s0 =	simm.s32 $0x100;
	s13 =	rddreg [dreg:$0x3];
	[sflag:s12] =	ssyncadd.s32 $0xFFFF0000  }
0xc1: {  	[hbm4b:s13+s2] =	stream.linear.scatter [tilespmem:s0], [sflag:$0x2], $0x10000, $0x38;
	[tilespmem:$0x10100] =	vst v63  }
0xc2: {  	_ =	swait.ge [sflag:s5], $0x10000  }
0xc3: {  	[sflag:s5] =	ssyncset.done $0x0  }
0xc4: {  	s13 =	rddreg [dreg:$0x4];
	[sflag:s5] =	ssyncadd.s32 $0xFFFF0000  }
0xc5: {  	[tilespmem:s2], [sflag:$0x2] =	stream.linear.gather [hbm4b:s13+s2], $0x100, $0x38;
	[tilespmem:$0x10100] =	vst v63  }
0xc6: {  	_ =	swait.ge [sflag:s5], $0x100  }
0xc7: {  	[sflag:s5] =	ssyncset.done $0x0  }
0xc8: {  	[sflag:s5] =	ssyncadd.s32 $0xFFFFFF00  }
0xc9: {  	v3 =	vld [tilespmem:$0x0];
	_ =	sdelay $0x4  }
0xca: {  	v48 =	vshll.u32 v3, $0x1  }
0xcb: {  	v3 =	vand.u32 $0x7, v3;
	v4 =	vand.u32 $0xFFFFFFF0, v48  }
0xcc: {  	v3 =	vor.u32 v3, v4  }
0xcd: {  	v4 =	vperm.xlane v3, v0;
	_ =	sdelay $0x1  }
0xce: {  	v3 =	vperm.xlane v3, v2;
	v4 =	vadd.s32 v1, v4;
	_ =	sdelay $0x1  }
0xcf: {  	v3 =	vadd.s32 v1, v3;
	_ =	sdelay $0x2  }
0xd0: {  	[tilespmem:s0], [sflag:$0x1] =	stream.indirect_vreg.gather [hbm4b:s3+s2], $0x80, v4, vm0, $0xb8;
	[tilespmem:$0x10100] =	vst v63  }
0xd1: {  	_ = 	snop  }
0xd2: {  	[tilespmem:s14], [sflag:$0x1] =	stream.indirect_vreg.gather [hbm4b:s3+s2], $0x80, v3, vm0, $0xb8;
	[tilespmem:$0x10100] =	vst v63  }
0xd3: {  	v3 =	vld [tilespmem:$0x10];
	_ =	sdelay $0x4  }
0xd4: {  	v49 =	vshll.u32 v3, $0x1  }
0xd5: {  	v3 =	vand.u32 $0x7, v3;
	v4 =	vand.u32 $0xFFFFFFF0, v49  }
0xd6: {  	v3 =	vor.u32 v3, v4  }
0xd7: {  	v4 =	vperm.xlane v3, v0;
	_ =	sdelay $0x1  }
0xd8: {  	v3 =	vperm.xlane v3, v2;
	v4 =	vadd.s32 v1, v4;
	_ =	sdelay $0x1  }
0xd9: {  	v3 =	vadd.s32 v1, v3;
	_ =	sdelay $0x2  }
0xda: {  	[tilespmem:s15], [sflag:$0x1] =	stream.indirect_vreg.gather [hbm4b:s3+s2], $0x80, v4, vm0, $0xb8;
	[tilespmem:$0x10100] =	vst v63  }
0xdb: {  	_ = 	snop  }
0xdc: {  	[tilespmem:s16], [sflag:$0x1] =	stream.indirect_vreg.gather [hbm4b:s3+s2], $0x80, v3, vm0, $0xb8;
	[tilespmem:$0x10100] =	vst v63  }
0xdd: {  	v3 =	vld [tilespmem:$0x20];
	_ =	sdelay $0x4  }
0xde: {  	v50 =	vshll.u32 v3, $0x1  }
0xdf: {  	v3 =	vand.u32 $0x7, v3;
	v4 =	vand.u32 $0xFFFFFFF0, v50  }
0xe0: {  	v3 =	vor.u32 v3, v4  }
0xe1: {  	v4 =	vperm.xlane v3, v0;
	_ =	sdelay $0x1  }
0xe2: {  	v3 =	vperm.xlane v3, v2;
	v4 =	vadd.s32 v1, v4;
	_ =	sdelay $0x1  }
0xe3: {  	v3 =	vadd.s32 v1, v3;
	_ =	sdelay $0x2  }
0xe4: {  	[tilespmem:s17], [sflag:$0x1] =	stream.indirect_vreg.gather [hbm4b:s3+s2], $0x80, v4, vm0, $0xb8;
	[tilespmem:$0x10100] =	vst v63  }
0xe5: {  	_ = 	snop  }
0xe6: {  	[tilespmem:s18], [sflag:$0x1] =	stream.indirect_vreg.gather [hbm4b:s3+s2], $0x80, v3, vm0, $0xb8;
	[tilespmem:$0x10100] =	vst v63  }
0xe7: {  	v3 =	vld [tilespmem:$0x30];
	_ =	sdelay $0x4  }
0xe8: {  	v51 =	vshll.u32 v3, $0x1  }
0xe9: {  	v3 =	vand.u32 $0x7, v3;
	v4 =	vand.u32 $0xFFFFFFF0, v51  }
0xea: {  	v3 =	vor.u32 v3, v4  }
0xeb: {  	v4 =	vperm.xlane v3, v0;
	_ =	sdelay $0x1  }
0xec: {  	v3 =	vperm.xlane v3, v2;
	v4 =	vadd.s32 v1, v4;
	_ =	sdelay $0x1  }
0xed: {  	v3 =	vadd.s32 v1, v3;
	_ =	sdelay $0x2  }
0xee: {  	[tilespmem:s19], [sflag:$0x1] =	stream.indirect_vreg.gather [hbm4b:s3+s2], $0x80, v4, vm0, $0xb8;
	[tilespmem:$0x10100] =	vst v63  }
0xef: {  	_ = 	snop  }
0xf0: {  	[tilespmem:s20], [sflag:$0x1] =	stream.indirect_vreg.gather [hbm4b:s3+s2], $0x80, v3, vm0, $0xb8;
	[tilespmem:$0x10100] =	vst v63  }
0xf1: {  	v3 =	vld [tilespmem:$0x40];
	_ =	sdelay $0x4  }
0xf2: {  	v52 =	vshll.u32 v3, $0x1  }
0xf3: {  	v3 =	vand.u32 $0x7, v3;
	v4 =	vand.u32 $0xFFFFFFF0, v52  }
0xf4: {  	v3 =	vor.u32 v3, v4  }
0xf5: {  	v4 =	vperm.xlane v3, v0;
	_ =	sdelay $0x1  }
0xf6: {  	v3 =	vperm.xlane v3, v2;
	v4 =	vadd.s32 v1, v4;
	_ =	sdelay $0x1  }
0xf7: {  	v3 =	vadd.s32 v1, v3;
	_ =	sdelay $0x2  }
0xf8: {  	[tilespmem:s21], [sflag:$0x1] =	stream.indirect_vreg.gather [hbm4b:s3+s2], $0x80, v4, vm0, $0xb8;
	[tilespmem:$0x10100] =	vst v63  }
0xf9: {  	_ = 	snop  }
0xfa: {  	[tilespmem:s22], [sflag:$0x1] =	stream.indirect_vreg.gather [hbm4b:s3+s2], $0x80, v3, vm0, $0xb8;
	[tilespmem:$0x10100] =	vst v63  }
0xfb: {  	v3 =	vld [tilespmem:$0x50];
	_ =	sdelay $0x4  }
0xfc: {  	v53 =	vshll.u32 v3, $0x1  }
0xfd: {  	v3 =	vand.u32 $0x7, v3;
	v4 =	vand.u32 $0xFFFFFFF0, v53  }
0xfe: {  	v3 =	vor.u32 v3, v4  }
0xff: {  	v4 =	vperm.xlane v3, v0;
	_ =	sdelay $0x1  }
0x100: {  	v3 =	vperm.xlane v3, v2;
	v4 =	vadd.s32 v1, v4;
	_ =	sdelay $0x1  }
0x101: {  	v3 =	vadd.s32 v1, v3;
	_ =	sdelay $0x2  }
0x102: {  	[tilespmem:s23], [sflag:$0x1] =	stream.indirect_vreg.gather [hbm4b:s3+s2], $0x80, v4, vm0, $0xb8;
	[tilespmem:$0x10100] =	vst v63  }
0x103: {  	_ = 	snop  }
0x104: {  	[tilespmem:s24], [sflag:$0x1] =	stream.indirect_vreg.gather [hbm4b:s3+s2], $0x80, v3, vm0, $0xb8;
	[tilespmem:$0x10100] =	vst v63  }
0x105: {  	v3 =	vld [tilespmem:$0x60];
	_ =	sdelay $0x4  }
0x106: {  	v54 =	vshll.u32 v3, $0x1  }
0x107: {  	v3 =	vand.u32 $0x7, v3;
	v4 =	vand.u32 $0xFFFFFFF0, v54  }
0x108: {  	v3 =	vor.u32 v3, v4  }
0x109: {  	v4 =	vperm.xlane v3, v0;
	_ =	sdelay $0x1  }
0x10a: {  	v3 =	vperm.xlane v3, v2;
	v4 =	vadd.s32 v1, v4;
	_ =	sdelay $0x1  }
0x10b: {  	v3 =	vadd.s32 v1, v3;
	_ =	sdelay $0x2  }
0x10c: {  	[tilespmem:s25], [sflag:$0x1] =	stream.indirect_vreg.gather [hbm4b:s3+s2], $0x80, v4, vm0, $0xb8;
	[tilespmem:$0x10100] =	vst v63  }
0x10d: {  	_ = 	snop  }
0x10e: {  	[tilespmem:s26], [sflag:$0x1] =	stream.indirect_vreg.gather [hbm4b:s3+s2], $0x80, v3, vm0, $0xb8;
	[tilespmem:$0x10100] =	vst v63  }
0x10f: {  	v3 =	vld [tilespmem:$0x70];
	_ =	sdelay $0x4  }
0x110: {  	v55 =	vshll.u32 v3, $0x1  }
0x111: {  	v3 =	vand.u32 $0x7, v3;
	v4 =	vand.u32 $0xFFFFFFF0, v55  }
0x112: {  	v3 =	vor.u32 v3, v4  }
0x113: {  	v4 =	vperm.xlane v3, v0;
	_ =	sdelay $0x1  }
0x114: {  	v3 =	vperm.xlane v3, v2;
	v4 =	vadd.s32 v1, v4;
	_ =	sdelay $0x1  }
0x115: {  	v3 =	vadd.s32 v1, v3;
	_ =	sdelay $0x2  }
0x116: {  	[tilespmem:s28], [sflag:$0x1] =	stream.indirect_vreg.gather [hbm4b:s3+s2], $0x80, v4, vm0, $0xb8;
	[tilespmem:$0x10100] =	vst v63  }
0x117: {  	_ = 	snop  }
0x118: {  	[tilespmem:s29], [sflag:$0x1] =	stream.indirect_vreg.gather [hbm4b:s3+s2], $0x80, v3, vm0, $0xb8;
	[tilespmem:$0x10100] =	vst v63  }
0x119: {  	v3 =	vld [tilespmem:$0x80];
	_ =	sdelay $0x4  }
0x11a: {  	v56 =	vshll.u32 v3, $0x1  }
0x11b: {  	v3 =	vand.u32 $0x7, v3;
	v4 =	vand.u32 $0xFFFFFFF0, v56  }
0x11c: {  	v3 =	vor.u32 v3, v4  }
0x11d: {  	v4 =	vperm.xlane v3, v0;
	_ =	sdelay $0x1  }
0x11e: {  	v3 =	vperm.xlane v3, v2;
	v4 =	vadd.s32 v1, v4;
	_ =	sdelay $0x1  }
0x11f: {  	v3 =	vadd.s32 v1, v3;
	_ =	sdelay $0x2  }
0x120: {  	[tilespmem:s30], [sflag:$0x1] =	stream.indirect_vreg.gather [hbm4b:s3+s2], $0x80, v4, vm0, $0xb8;
	[tilespmem:$0x10100] =	vst v63  }
0x121: {  	_ = 	snop  }
0x122: {  	[tilespmem:s31], [sflag:$0x1] =	stream.indirect_vreg.gather [hbm4b:s3+s2], $0x80, v3, vm0, $0xb8;
	[tilespmem:$0x10100] =	vst v63  }
0x123: {  	v3 =	vld [tilespmem:$0x90];
	_ =	sdelay $0x4  }
0x124: {  	v57 =	vshll.u32 v3, $0x1  }
0x125: {  	v3 =	vand.u32 $0x7, v3;
	v4 =	vand.u32 $0xFFFFFFF0, v57  }
0x126: {  	v3 =	vor.u32 v3, v4  }
0x127: {  	v4 =	vperm.xlane v3, v0;
	_ =	sdelay $0x1  }
0x128: {  	v3 =	vperm.xlane v3, v2;
	v4 =	vadd.s32 v1, v4;
	_ =	sdelay $0x1  }
0x129: {  	v3 =	vadd.s32 v1, v3;
	_ =	sdelay $0x1  }
0x12a: {  	s13 =	simm.s32 $0x9100  }
0x12b: {  	[tilespmem:s13], [sflag:$0x1] =	stream.indirect_vreg.gather [hbm4b:s3+s2], $0x80, v4, vm0, $0xb8;
	[tilespmem:$0x10100] =	vst v63  }
0x12c: {  	_ = 	snop  }
0x12d: {  	[tilespmem:s1], [sflag:$0x1] =	stream.indirect_vreg.gather [hbm4b:s3+s2], $0x80, v3, vm0, $0xb8;
	[tilespmem:$0x10100] =	vst v63  }
0x12e: {  	v3 =	vld [tilespmem:$0xA0];
	_ =	sdelay $0x4  }
0x12f: {  	v58 =	vshll.u32 v3, $0x1  }
0x130: {  	v3 =	vand.u32 $0x7, v3;
	v4 =	vand.u32 $0xFFFFFFF0, v58  }
0x131: {  	v3 =	vor.u32 v3, v4  }
0x132: {  	v4 =	vperm.xlane v3, v0;
	_ =	sdelay $0x1  }
0x133: {  	v3 =	vperm.xlane v3, v2;
	v4 =	vadd.s32 v1, v4;
	_ =	sdelay $0x1  }
0x134: {  	v3 =	vadd.s32 v1, v3;
	_ =	sdelay $0x2  }
0x135: {  	[tilespmem:s7], [sflag:$0x1] =	stream.indirect_vreg.gather [hbm4b:s3+s2], $0x80, v4, vm0, $0xb8;
	[tilespmem:$0x10100] =	vst v63  }
0x136: {  	_ = 	snop  }
0x137: {  	[tilespmem:s8], [sflag:$0x1] =	stream.indirect_vreg.gather [hbm4b:s3+s2], $0x80, v3, vm0, $0xb8;
	[tilespmem:$0x10100] =	vst v63  }
0x138: {  	v3 =	vld [tilespmem:$0xB0];
	_ =	sdelay $0x4  }
0x139: {  	v59 =	vshll.u32 v3, $0x1  }
0x13a: {  	v3 =	vand.u32 $0x7, v3;
	v4 =	vand.u32 $0xFFFFFFF0, v59  }
0x13b: {  	v3 =	vor.u32 v3, v4  }
0x13c: {  	v4 =	vperm.xlane v3, v0;
	_ =	sdelay $0x1  }
0x13d: {  	v3 =	vperm.xlane v3, v2;
	v4 =	vadd.s32 v1, v4;
	_ =	sdelay $0x1  }
0x13e: {  	v3 =	vadd.s32 v1, v3;
	_ =	sdelay $0x2  }
0x13f: {  	[tilespmem:s9], [sflag:$0x1] =	stream.indirect_vreg.gather [hbm4b:s3+s2], $0x80, v4, vm0, $0xb8;
	[tilespmem:$0x10100] =	vst v63  }
0x140: {  	_ = 	snop  }
0x141: {  	[tilespmem:s10], [sflag:$0x1] =	stream.indirect_vreg.gather [hbm4b:s3+s2], $0x80, v3, vm0, $0xb8;
	[tilespmem:$0x10100] =	vst v63  }
0x142: {  	v3 =	vld [tilespmem:$0xC0];
	_ =	sdelay $0x4  }
0x143: {  	v60 =	vshll.u32 v3, $0x1  }
0x144: {  	v3 =	vand.u32 $0x7, v3;
	v4 =	vand.u32 $0xFFFFFFF0, v60  }
0x145: {  	v3 =	vor.u32 v3, v4  }
0x146: {  	v4 =	vperm.xlane v3, v0;
	_ =	sdelay $0x1  }
0x147: {  	v3 =	vperm.xlane v3, v2;
	v4 =	vadd.s32 v1, v4;
	_ =	sdelay $0x1  }
0x148: {  	v3 =	vadd.s32 v1, v3;
	_ =	sdelay $0x2  }
0x149: {  	[tilespmem:s11], [sflag:$0x1] =	stream.indirect_vreg.gather [hbm4b:s3+s2], $0x80, v4, vm0, $0xb8;
	[tilespmem:$0x10100] =	vst v63  }
0x14a: {  	_ = 	snop  }
0x14b: {  	[tilespmem:s6], [sflag:$0x1] =	stream.indirect_vreg.gather [hbm4b:s3+s2], $0x80, v3, vm0, $0xb8;
	[tilespmem:$0x10100] =	vst v63  }
0x14c: {  	v3 =	vld [tilespmem:$0xD0];
	_ =	sdelay $0x4  }
0x14d: {  	v61 =	vshll.u32 v3, $0x1  }
0x14e: {  	v3 =	vand.u32 $0x7, v3;
	v4 =	vand.u32 $0xFFFFFFF0, v61  }
0x14f: {  	v3 =	vor.u32 v3, v4  }
0x150: {  	v4 =	vperm.xlane v3, v0;
	_ =	sdelay $0x1  }
0x151: {  	v3 =	vperm.xlane v3, v2;
	v4 =	vadd.s32 v1, v4;
	_ =	sdelay $0x1  }
0x152: {  	v3 =	vadd.s32 v1, v3;
	_ =	sdelay $0x1  }
0x153: {  	s13 =	simm.s32 $0xD100  }
0x154: {  	[tilespmem:s13], [sflag:$0x1] =	stream.indirect_vreg.gather [hbm4b:s3+s2], $0x80, v4, vm0, $0xb8;
	[tilespmem:$0x10100] =	vst v63  }
0x155: {  	s13 =	simm.s32 $0xD900  }
0x156: {  	[tilespmem:s13], [sflag:$0x1] =	stream.indirect_vreg.gather [hbm4b:s3+s2], $0x80, v3, vm0, $0xb8;
	[tilespmem:$0x10100] =	vst v63  }
0x157: {  	v3 =	vld [tilespmem:$0xE0];
	_ =	sdelay $0x4  }
0x158: {  	v62 =	vshll.u32 v3, $0x1  }
0x159: {  	v3 =	vand.u32 $0x7, v3;
	v4 =	vand.u32 $0xFFFFFFF0, v62  }
0x15a: {  	v3 =	vor.u32 v3, v4  }
0x15b: {  	v4 =	vperm.xlane v3, v0;
	_ =	sdelay $0x1  }
0x15c: {  	v3 =	vperm.xlane v3, v2;
	v4 =	vadd.s32 v1, v4;
	_ =	sdelay $0x1  }
0x15d: {  	v3 =	vadd.s32 v1, v3;
	_ =	sdelay $0x1  }
0x15e: {  	s13 =	simm.s32 $0xE100  }
0x15f: {  	[tilespmem:s13], [sflag:$0x1] =	stream.indirect_vreg.gather [hbm4b:s3+s2], $0x80, v4, vm0, $0xb8;
	[tilespmem:$0x10100] =	vst v63  }
0x160: {  	s13 =	simm.s32 $0xE900  }
0x161: {  	[tilespmem:s13], [sflag:$0x1] =	stream.indirect_vreg.gather [hbm4b:s3+s2], $0x80, v3, vm0, $0xb8;
	[tilespmem:$0x10100] =	vst v63  }
0x162: {  	v3 =	vld [tilespmem:$0xF0];
	_ =	sdelay $0x4  }
0x163: {  	v63 =	vshll.u32 v3, $0x1  }
0x164: {  	v3 =	vand.u32 $0x7, v3;
	v4 =	vand.u32 $0xFFFFFFF0, v63  }
0x165: {  	v3 =	vor.u32 v3, v4  }
0x166: {  	v4 =	vperm.xlane v3, v0;
	_ =	sdelay $0x1  }
0x167: {  	v3 =	vperm.xlane v3, v2;
	v4 =	vadd.s32 v1, v4;
	_ =	sdelay $0x1  }
0x168: {  	v3 =	vadd.s32 v1, v3;
	_ =	sdelay $0x1  }
0x169: {  	s13 =	simm.s32 $0xF100  }
0x16a: {  	[tilespmem:s13], [sflag:$0x1] =	stream.indirect_vreg.gather [hbm4b:s3+s2], $0x80, v4, vm0, $0xb8;
	[tilespmem:$0x10100] =	vst v63  }
0x16b: {  	s13 =	simm.s32 $0xF900  }
0x16c: {  	[tilespmem:s13], [sflag:$0x1] =	stream.indirect_vreg.gather [hbm4b:s3+s2], $0x80, v3, vm0, $0xb8;
	[tilespmem:$0x10100] =	vst v63  }
0x16d: {  	_ =	swait.ge [sflag:s12], $0x10000  }
0x16e: {  	p0 =	sne.s32 s4, $0x1;
	s0 =	simm.s32 $0x100;
	[sflag:s12] =	ssyncset.done $0x0  }
.Ltmp0:
0x16f: {  	s13 =	rddreg [dreg:$0x5];
	[sflag:s12] =	ssyncadd.s32 $0xFFFF0000;
	(pc) =	sbr.rel @p0 .LBB2_1-.Ltmp0, $4  }
0x170: {  	[hbm4b:s13+s2] =	stream.linear.scatter [tilespmem:s0], [sflag:$0x2], $0x10000, $0x38;
	[tilespmem:$0x10100] =	vst v63  }
0x171: {  	_ =	swait.ge [sflag:s5], $0x10000  }
0x172: {  	[sflag:s5] =	ssyncset.done $0x0  }
0x173: {  	s4 =	sadd.s32 $0xFFFFFFFF, s4;
	[sflag:s5] =	ssyncadd.s32 $0xFFFF0000  }
0x174: {  	_ =	sfence.sel $0x180000  }
0x175: {  	[bflag:$0x0] =	sbarrier.arrive $0xFFFF  }
0x176: {  	_ =	strace $0x90000059  }
0x177: {  	s0 =	stileid.u32;
	[bflag:$0x2] =	sbarrier.arrive $0xFFFF  }
0x178: {  	p0 =	sne.s32 s0, $0x0;
	s0 =	rddreg [dreg:$0x1]  }
0x179: {  	s0 =	sadd.s32 @!p0 $0x100000, s0  }
0x17a: {  	[sflag:s0] =	ssyncadd.tile.s32 @!p0 $0x1;
	_ =	shalt  }
.Lfunc_end2:
_tile_overlayer_lowered:
.L_overlay_start_2:
0x17b: {  	(tag) =	ssettag $0x2  }
0x17c: {  	s0 =	rddreg [dreg:$0x0];
	s2 =	stileid.u32  }
0x17d: {  	s1 =	rddreg [dreg:$0x1];
	p0 =	sne.s32 s2, $0x0  }
0x17e: {  	s3 =	rddreg [dreg:$0x2];
	[bflag:$0x3] =	sbarrier.arrive $0xFFFF;
	s2 =	simm.s32 @!p0 $0x1C02  }
0x17f: {  	[timem:s3], [sflag:s2] =	dma.local @!p0 [hbm:s0], s1  }
0x180: {  	s0 =	simm.s32 @!p0 $0x2  }
0x181: {  	_ =	swait.ge @!p0 [sflag:s0], s1  }
0x182: {  	s1 =	ssub.s32 @!p0 $0x0, s1;
	[sflag:s0] =	ssyncset.done @!p0 $0x0  }
0x183: {  	[sflag:s0] =	ssyncadd.s32 @!p0 s1  }
0x184: {  	[bflag:$0x3] =	sbarrier.arrive $0xFFFF  }
0x185: {  	_ =	shalt  }

// kernel: kernel.13.cloned.1.call-start
scs
__scs_entry_jumppad:
0x0: {  	(pc) =	sbr.rel $0x88, $3  }
0x1: {  	(tag) =	ssettag $0x0;
	lr =	simm.s32 $0x1  }
0x2: {  	[smem:$0x3F91] =	sst lr;
	_ =	strace $0xD0000000  }
0x3: {  	_ = 	snop  }
0x4: {  	_ = 	snop  }
0x5: {  	_ = 	snop  }
0x6: {  	_ = 	snop  }
0x7: {  	_ = 	snop  }
__scs_overlays_trampoline_lowered:
0x8: {  	[smem:$0x3FA0] =	sst s0  }
0x9: {  	[smem:$0x3FA1] =	sst s1  }
0xa: {  	[smem:$0x3FA2] =	sst s2  }
0xb: {  	[smem:$0x3FA3] =	sst s3  }
0xc: {  	[smem:$0x3FA4] =	sst s4  }
0xd: {  	[smem:$0x3FA5] =	sst s5  }
0xe: {  	[smem:$0x3FA6] =	sst s6  }
0xf: {  	[smem:$0x3FA7] =	sst s7  }
0x10: {  	[smem:$0x3FA8] =	sst s8  }
0x11: {  	[smem:$0x3FA9] =	sst s9;
	s0 =	simm.s32 @!p0 $0x0  }
0x12: {  	s1 =	sld [smem:$0x3F8F];
	s0 =	simm.s32 @p0 $0x1  }
0x13: {  	[smem:$0x3FAA] =	sst s0;
	s0 =	simm.s32 @!p1 $0x0  }
0x14: {  	s2 =	sld [smem:$0x3F8E];
	s0 =	simm.s32 @p1 $0x1  }
0x15: {  	[smem:$0x3FAB] =	sst s0;
	s0 =	simm.s32 @!p2 $0x0  }
0x16: {  	s3 =	sld [smem:$0x3FDB];
	s0 =	simm.s32 @p2 $0x1  }
0x17: {  	s4 =	simm.s32 $0x1BF5;
	[smem:$0x3FAD] =	sst s0  }
0x18: {  	s0 =	sld [smem:$0x3F90];
	_ =	swait.ge [sflag:s4], $0x0  }
0x19: {  	s7 =	sld [smem:$0x3F91]  }
0x1a: {  	s8 =	sadd.s32 $0xFFFFE003, lr  }
0x1b: {  	s9 =	sadd.s32 $0xFFFFFEF7, lr;
	s5 =	simm.s32 $0xFFFFFFFF;
	p2 =	slt.u32 s8, $0xFFFFF086  }
0x1c: {  	p1 =	slt.u32 s9, $0xF7A;
	s5 =	simm.s32 @!p2 $0x0  }
0x1d: {  	s5 =	simm.s32 @p1 $0x1;
	p0 =	seq.s32 s7, s2  }
0x1e: {  	s7 =	smul.u32 @!p0 $0xF7A, s2;
	p2 =	seq.s32 @!p0 s5, $0x0  }
0x1f: {  	s9 =	smul.u32 $0xF7A, s1;
	s8 =	simm.s32 @!p0 $0x1BF5;
	p2 =	por !p2, p0  }
0x20: {  	[sflag:s8] =	ssyncset.s32 @!p0 $0xFFFFF086;
	s6 =	sadd.s32 @!p0 s3, s7;
	s7 =	simm.s32 @!p0 $0x108  }
0x21: {  	s3 =	sadd.s32 s3, s9;
	s6 =	sadd.s32 @!p0 $0x88, s6;
	s7 =	simm.s32 @p2 $0x1082  }
0x22: {  	[simem:s7], [sflag:s8] =	dma.local @!p0 [hbm:s6], $0xF7A  }
0x23: {  	s9 =	sor.u32 $0xD0000000, s2;
	s6 =	simm.s32 $0x108;
	_ =	swait.ge @!p0 [sflag:s8], $0x0  }
0x24: {  	s3 =	sadd.s32 $0x88, s3;
	s6 =	simm.s32 @!p1 $0x1082;
	[sflag:s4] =	ssyncset.s32 $0xFFFFF086  }
0x25: {  	[simem:s6], [sflag:s4] =	dma.local [hbm:s3], $0xF7A  }
0x26: {  	[smem:$0x3F91] =	sst s1;
	(tag) =	ssettag s2;
	_ =	strace s9  }
0x27: {  	s1 =	sld [smem:$0x3FA1]  }
0x28: {  	s2 =	sld [smem:$0x3FA2]  }
0x29: {  	s4 =	sld [smem:$0x3FA4]  }
0x2a: {  	p0 =	seq.s32 s5, $0x0;
	s5 =	sld [smem:$0x3FA5]  }
0x2b: {  	s6 =	sld [smem:$0x3FA6]  }
0x2c: {  	s7 =	sld [smem:$0x3FA7]  }
0x2d: {  	s3 =	simm.s32 $0x108;
	s8 =	sld [smem:$0x3FA8]  }
0x2e: {  	s3 =	simm.s32 @!p0 $0x1082;
	s9 =	sld [smem:$0x3FA9]  }
0x2f: {  	lr =	sadd.s32 s0, s3;
	s0 =	sld [smem:$0x3FA0]  }
0x30: {  	s3 =	sld [smem:$0x3FA3]  }
0x31: {  	[smem:$0x3FAC] =	sst s10  }
0x32: {  	s10 =	sld [smem:$0x3FAA];
	_ =	sdelay $0x3  }
0x33: {  	p0 =	seq.s32 s10, $0x1;
	s10 =	sld [smem:$0x3FAC];
	_ =	sdelay $0x3  }
0x34: {  	[smem:$0x3FAC] =	sst s10  }
0x35: {  	s10 =	sld [smem:$0x3FAB];
	_ =	sdelay $0x3  }
0x36: {  	p1 =	seq.s32 s10, $0x1;
	s10 =	sld [smem:$0x3FAC];
	_ =	sdelay $0x3  }
0x37: {  	[smem:$0x3FAC] =	sst s10  }
0x38: {  	s10 =	sld [smem:$0x3FAD]  }
0x39: {  	_ = 	snop;
	(pc) =	sbr.ind lr, $3  }
0x3a: {  	_ = 	snop  }
0x3b: {  	_ = 	snop  }
0x3c: {  	p2 =	seq.s32 s10, $0x1;
	s10 =	sld [smem:$0x3FAC]  }
0x3d: {  	_ =	shalt  }
0x3e: {  	_ =	shalt  }
0x3f: {  	_ =	shalt  }
0x40: {  	_ =	shalt  }
0x41: {  	_ =	shalt  }
0x42: {  	_ =	shalt  }
0x43: {  	_ =	shalt  }
0x44: {  	_ =	shalt  }
0x45: {  	_ =	shalt  }
0x46: {  	_ =	shalt  }
0x47: {  	_ =	shalt  }
0x48: {  	_ =	shalt  }
0x49: {  	_ =	shalt  }
0x4a: {  	_ =	shalt  }
0x4b: {  	_ =	shalt  }
0x4c: {  	_ =	shalt  }
0x4d: {  	_ =	shalt  }
0x4e: {  	_ =	shalt  }
0x4f: {  	_ =	shalt  }
0x50: {  	_ =	shalt  }
0x51: {  	_ =	shalt  }
0x52: {  	_ =	shalt  }
0x53: {  	_ =	shalt  }
0x54: {  	_ =	shalt  }
0x55: {  	_ =	shalt  }
0x56: {  	_ =	shalt  }
0x57: {  	_ =	shalt  }
0x58: {  	_ =	shalt  }
0x59: {  	_ =	shalt  }
0x5a: {  	_ =	shalt  }
0x5b: {  	_ =	shalt  }
0x5c: {  	_ =	shalt  }
0x5d: {  	_ =	shalt  }
0x5e: {  	_ =	shalt  }
0x5f: {  	_ =	shalt  }
0x60: {  	_ =	shalt  }
0x61: {  	_ =	shalt  }
0x62: {  	_ =	shalt  }
0x63: {  	_ =	shalt  }
0x64: {  	_ =	shalt  }
0x65: {  	_ =	shalt  }
0x66: {  	_ =	shalt  }
0x67: {  	_ =	shalt  }
0x68: {  	_ =	shalt  }
0x69: {  	_ =	shalt  }
0x6a: {  	_ =	shalt  }
0x6b: {  	_ =	shalt  }
0x6c: {  	_ =	shalt  }
0x6d: {  	_ =	shalt  }
0x6e: {  	_ =	shalt  }
0x6f: {  	_ =	shalt  }
0x70: {  	_ =	shalt  }
0x71: {  	_ =	shalt  }
0x72: {  	_ =	shalt  }
0x73: {  	_ =	shalt  }
0x74: {  	_ =	shalt  }
0x75: {  	_ =	shalt  }
0x76: {  	_ =	shalt  }
0x77: {  	_ =	shalt  }
0x78: {  	_ =	shalt  }
0x79: {  	_ =	shalt  }
0x7a: {  	_ =	shalt  }
0x7b: {  	_ =	shalt  }
0x7c: {  	_ =	shalt  }
0x7d: {  	_ =	shalt  }
0x7e: {  	_ =	shalt  }
0x7f: {  	_ =	shalt  }
0x80: {  	_ =	shalt  }
0x81: {  	_ =	shalt  }
0x82: {  	_ =	shalt  }
0x83: {  	_ =	shalt  }
0x84: {  	_ =	shalt  }
0x85: {  	_ =	shalt  }
0x86: {  	_ =	shalt  }
0x87: {  	_ =	shalt  }
.Lfunc_end0:
.L_simem_size_0:
called_computation.5_lowered:
.L_overlay_start_0:
0x88: {  	s2 =	sld [smem:$0x3FD9]  }
0x89: {  	s3 =	sld [smem:$0x3FFE];
	_ =	sdelay $0x1  }
0x8a: {  	s1 =	srdreg.scid  }
0x8b: {  	s0 =	sand.u32 $0x1, s1  }
0x8c: {  	s15 =	sshll.u32 s0, $0xA;
	s2 =	sadd.s32 s3, s2  }
0x8d: {  	s2 =	sadd.s32 s2, s15  }
0x8e: {  	[smem:$0x3FB8] =	sst s2  }
0x8f: {  	_ = 	snop  }
0x90: {  	s2 =	sld [smem:$0x3FD0];
	_ =	sdelay $0x2  }
0x91: {  	s16 =	simm.s32 $0xD;
	s4 =	simm.s32 $0x10  }
0x92: {  	[smem:s4], [sflag:s16] =	dma.local [hbm:s2], $0x1  }
0x93: {  	_ =	swait.eq [sflag:s16], $0x1  }
0x94: {  	[sflag:s16] =	ssyncset.done $0x0  }
0x95: {  	[sflag:s16] =	ssyncadd.s32 $0xFFFFFFFF  }
0x96: {  	s17 =	sld [smem:$0x10];
	(tm) =	ssettm $0x1  }
0x97: {  	s18 =	sld [smem:$0x3FFB];
	_ =	sdelay $0x3  }
0x98: {  	_ =	strace s18  }
0x99: {  	s2 =	sld [smem:$0x3FFC];
	_ =	sdelay $0x3  }
0x9a: {  	_ =	strace s2  }
0x9b: {  	s2 =	sld [smem:$0x3FFD];
	_ =	sdelay $0x3  }
0x9c: {  	_ =	strace s2  }
0x9d: {  	_ =	strace $0x8FFFFFFF  }
0x9e: {  	s19 =	sld [smem:$0x3FDB];
	_ =	sdelay $0x1  }
0x9f: {  	s20 =	simm.s32 $_scs_section_size  }
0xa0: {  	s5 =	simm.s32 $_size__tile_overlayer_lowered;
	s6 =	simm.s32 $_tile_overlayer_lowered  }
0xa1: {  	s7 =	simm.s32 $0x1BFF;
	s21 =	sshll.u32 s6, $0x1;
	s4 =	sadd.s32 s20, s19  }
0xa2: {  	s22 =	simm.s32 $0x0;
	s5 =	sshll.u32 s5, $0x1;
	s6 =	sadd.s32 s21, s4  }
0xa3: {  	[timem:s22], [sflag:s7] =	dma.local [hbm:s6], s5  }
0xa4: {  	_ =	swait.ge [sflag:s7], s5  }
0xa5: {  	s5 =	ssub.s32 $0x0, s5;
	[sflag:s7] =	ssyncset.done $0x0  }
0xa6: {  	[sflag:s7] =	ssyncadd.s32 s5;
	_ =	sdelay $0x1  }
0xa7: {  	s23 =	simm.s32 $0x1B8B  }
0xa8: {  	_ =	swait.ge [sflag:s23], $0x1  }
0xa9: {  	[sflag:s23] =	ssyncset.done $0x0  }
0xaa: {  	[sflag:s23] =	ssyncadd.s32 $0xFFFFFFFF  }
0xab: {  	s5 =	sld [smem:$0x0]  }
0xac: {  	s6 =	sand.u32 $0xFFFFFFFE, s1  }
0xad: {  	p0 =	sne.s32 s1, s6  }
0xae: {  	s6 =	sshll.u32 @p0 s6, $0xE  }
0xaf: {  	s6 =	sadd.s32 @p0 $0x11B8D, s6;
	s7 =	sshll.u32 @p0 s5, $0x11  }
0xb0: {  	s6 =	sor.u32 @p0 s7, s6  }
0xb1: {  	[sflag:s6] =	ssyncadd.remote.s32 @p0 $0x1;
	_ =	sdelay $0x1  }
0xb2: {  	s6 =	simm.s32 @p0 $0x1B8D  }
0xb3: {  	_ =	swait.eq @p0 [sflag:s6], $0x1  }
0xb4: {  	[sflag:s6] =	ssyncadd.s32 @p0 $0xFFFFFFFF  }
0xb5: {  	s7 =	sshll.u32 @!p0 s1, $0xE  }
0xb6: {  	s7 =	sor.u32 @!p0 $0x4000, s7;
	s6 =	simm.s32 @!p0 $0x1B8D  }
0xb7: {  	s5 =	sshll.u32 @!p0 s5, $0x11;
	s7 =	sadd.s32 @!p0 $0x11B8D, s7;
	_ =	swait.eq @!p0 [sflag:s6], $0x1  }
0xb8: {  	s5 =	sor.u32 @!p0 s5, s7;
	[sflag:s6] =	ssyncadd.s32 @!p0 $0xFFFFFFFF  }
0xb9: {  	s25 =	simm.s32 $0x1B8E;
	s24 =	sld [smem:$0x3FFE];
	[sflag:s5] =	ssyncadd.remote.s32 @!p0 $0x1  }
0xba: {  	s26 =	simm.s32 $execute0_lowered;
	[smem:$0x3FD2] =	sst s25  }
0xbb: {  	s6 =	sshll.u32 s26, $0x1;
	_ =	strace $0x8000005B;
	[dreg:$0x1] =	wrdreg $0xFFFFFFFF  }
0xbc: {  	s28 =	simm.s32 $_size_execute0_lowered;
	s4 =	sadd.s32 s4, s6;
	[dreg:$0x0] =	wrdreg $0x0  }
0xbd: {  	s6 =	sshll.u32 s28, $0x1;
	[dreg:$0x2] =	wrdreg s4  }
0xbe: {  	[dreg:$0x3] =	wrdreg s6  }
0xbf: {  	[dreg:$0x4] =	wrdreg $0xC0  }
0xc0: {  	_ =	task [dreg:s22], $0x5FFFF  }
0xc1: {  	[dreg:$0x1] =	wrdreg $0xFFFFFFFF  }
0xc2: {  	[dreg:$0x0] =	wrdreg $0x60  }
0xc3: {  	[dreg:$0x2] =	wrdreg s24  }
0xc4: {  	[dreg:$0x3] =	wrdreg s17  }
0xc5: {  	[dreg:$0x4] =	wrdreg $0xA  }
0xc6: {  	_ =	task.clear_ibuf [dreg:s22], $0x5FFFF;
	_ =	strace $0x9000005B  }
0xc7: {  	s29 =	simm.s32 $0xA;
	_ =	strace $0x8000005D  }
0xc8: {  	_ =	swait.ge [sflag:s29], $0x1  }
0xc9: {  	[sflag:s29] =	ssyncadd.s32 $0xFFFFFFFF  }
0xca: {  	_ =	strace $0x9000005D  }
0xcb: {  	_ =	sfence  }
0xcc: {  	s30 =	sld [smem:$0x0];
	_ =	sdelay $0x2  }
0xcd: {  	s31 =	sshll.u32 s1, $0xD;
	s1 =	sshrl.u32 s1, $0x2  }
0xce: {  	s4 =	sand.u32 $0x4000, s31;
	s1 =	sadd.s32 s1, s30  }
0xcf: {  	s0 =	sor.u32 s4, s0;
	s1 =	sshll.u32 s1, $0x11  }
0xd0: {  	s0 =	sor.u32 s1, s0  }
0xd1: {  	s0 =	sadd.s32 $0x8F2B, s0  }
0xd2: {  	[sflag:s0] =	ssyncadd.remote.s32 $0x1  }
0xd3: {  	_ =	sfence.sel $0xFFFF  }
0xd4: {  	[dreg:$0x0] =	wrdreg $0xFFFFFFFF;
	(pc) =	sbr.abs _section_cstart, $3  }
0xd5: {  	[dreg:$0x1] =	wrdreg $0xFFFFFFFF  }
0xd6: {  	_ =	task.clear_ibuf [dreg:s22], $0x2FFFF;
	_ =	strace $0x9FFFFFFF  }
0xd7: {  	(tm) =	ssettm $0x7FFFFFFF  }
tec
execute0_lowered:
.L_overlay_start_1:
0x0: {  	(tag) =	ssettag $0x1  }
0x1: {  	s0 =	rddreg [dreg:$0x0]  }
0x2: {  	s1 =	rddreg [dreg:$0x1]  }
0x3: {  	s2 =	simm.s32 $0x0;
	s3 =	srdreg.scid;
	s5 =	stileid.u32  }
0x4: {  	s12 =	simm.s32 $0x1;
	s14 =	simm.s32 $0x900;
	s15 =	simm.s32 $0x1100  }
0x5: {  	s16 =	simm.s32 $0x1900;
	s17 =	simm.s32 $0x2100;
	s18 =	simm.s32 $0x2900  }
0x6: {  	s19 =	simm.s32 $0x3100;
	s20 =	simm.s32 $0x3900;
	s21 =	simm.s32 $0x4100  }
0x7: {  	s22 =	simm.s32 $0x4900;
	s23 =	simm.s32 $0x5100;
	s28 =	simm.s32 $0x7100  }
0x8: {  	s29 =	simm.s32 $0x7900;
	s30 =	simm.s32 $0x8100;
	s31 =	simm.s32 $0x8900  }
0x9: {  	s9 =	simm.s32 $0xB100;
	s10 =	simm.s32 $0xB900;
	s11 =	simm.s32 $0xC100  }
0xa: {  	[smem:$0x7FF] =	sst s2;
	s4 =	sand.u32 $0x1, s3;
	s5 =	sshll.u32 s5, $0xA  }
0xb: {  	s3 =	sadd.s32 $0x229400, s0;
	s0 =	sadd.s32 $0x18D000, s0;
	s6 =	sshll.u32 s4, $0x9  }
0xc: {  	_ =	strace $0x8000005C;
	s4 =	ssub.s32 $0x2, s4;
	s5 =	sor.u32 s6, s5  }
0xd: {  	s24 =	sshrl.u32 s4, $0x1;
	s6 =	simm.s32 $0xC900;
	s7 =	sshrl.u32 s5, $0x3  }
0xe: {  	s8 =	sshll.u32 s5, $0x5;
	s5 =	sor.u32 $0x100, s5;
	s4 =	ssub.s32 s4, s24  }
0xf: {  	s24 =	simm.s32 $0x5900;
	s7 =	sadd.s32 s1, s7;
	s25 =	sadd.s32 s0, s8  }
0x10: {  	s26 =	sshrl.u32 s5, $0x3;
	s5 =	sshll.u32 s5, $0x5;
	[dreg:$0x3] =	wrdreg s7  }
0x11: {  	s4 =	smax.u32 s4, $0x1;
	s8 =	simm.s32 $0xA900;
	[dreg:$0x4] =	wrdreg s25  }
0x12: {  	v2 =	vlaneseq.u32;
	s1 =	sadd.s32 s1, s26;
	s0 =	sadd.s32 s0, s5;
	s5 =	simm.s32 $0x2  }
0x13: {  	vm0 =	vmmov $0xffff;
	v1 =	vshrl.u32 v2, $0x3;
	s25 =	simm.s32 $0x6100;
	s26 =	simm.s32 $0x6900;
	[dreg:$0x5] =	wrdreg s1  }
0x14: {  	v0 =	vand.u32 $0x7, v2;
	v2 =	vor.u32 $0x8, v2;
	v1 =	vmul.u32 $0x8, v1;
	s7 =	simm.s32 $0xA100;
	[dreg:$0x6] =	wrdreg s0;
	s1 =	simm.s32 $0x9900  }
.LBB2_1:
0x15: {  	s13 =	rddreg [dreg:$0x3]  }
0x16: {  	[tilespmem:s2], [sflag:$0x2] =	stream.linear.gather [hbm4b:s13+s2], $0x100, $0x38;
	[tilespmem:$0x10100] =	vst v63  }
0x17: {  	_ =	swait.ge [sflag:s5], $0x100  }
0x18: {  	[sflag:s5] =	ssyncset.done $0x0  }
0x19: {  	[sflag:s5] =	ssyncadd.s32 $0xFFFFFF00  }
0x1a: {  	v3 =	vld [tilespmem:$0x0];
	_ =	sdelay $0x4  }
0x1b: {  	v4 =	vshll.u32 v3, $0x1  }
0x1c: {  	v3 =	vand.u32 $0x7, v3;
	v4 =	vand.u32 $0xFFFFFFF0, v4  }
0x1d: {  	v3 =	vor.u32 v3, v4  }
0x1e: {  	v4 =	vperm.xlane v3, v0;
	_ =	sdelay $0x1  }
0x1f: {  	v3 =	vperm.xlane v3, v2;
	v4 =	vadd.s32 v1, v4;
	_ =	sdelay $0x1  }
0x20: {  	v3 =	vadd.s32 v1, v3;
	_ =	sdelay $0x1  }
0x21: {  	s0 =	simm.s32 $0x100  }
0x22: {  	[tilespmem:s0], [sflag:$0x1] =	stream.indirect_vreg.gather [hbm4b:s3+s2], $0x80, v4, vm0, $0xb8;
	[tilespmem:$0x10100] =	vst v63  }
0x23: {  	_ = 	snop  }
0x24: {  	[tilespmem:s14], [sflag:$0x1] =	stream.indirect_vreg.gather [hbm4b:s3+s2], $0x80, v3, vm0, $0xb8;
	[tilespmem:$0x10100] =	vst v63  }
0x25: {  	v3 =	vld [tilespmem:$0x10];
	_ =	sdelay $0x4  }
0x26: {  	v33 =	vshll.u32 v3, $0x1  }
0x27: {  	v3 =	vand.u32 $0x7, v3;
	v4 =	vand.u32 $0xFFFFFFF0, v33  }
0x28: {  	v3 =	vor.u32 v3, v4  }
0x29: {  	v4 =	vperm.xlane v3, v0;
	_ =	sdelay $0x1  }
0x2a: {  	v3 =	vperm.xlane v3, v2;
	v4 =	vadd.s32 v1, v4;
	_ =	sdelay $0x1  }
0x2b: {  	v3 =	vadd.s32 v1, v3;
	_ =	sdelay $0x2  }
0x2c: {  	[tilespmem:s15], [sflag:$0x1] =	stream.indirect_vreg.gather [hbm4b:s3+s2], $0x80, v4, vm0, $0xb8;
	[tilespmem:$0x10100] =	vst v63  }
0x2d: {  	_ = 	snop  }
0x2e: {  	[tilespmem:s16], [sflag:$0x1] =	stream.indirect_vreg.gather [hbm4b:s3+s2], $0x80, v3, vm0, $0xb8;
	[tilespmem:$0x10100] =	vst v63  }
0x2f: {  	v3 =	vld [tilespmem:$0x20];
	_ =	sdelay $0x4  }
0x30: {  	v34 =	vshll.u32 v3, $0x1  }
0x31: {  	v3 =	vand.u32 $0x7, v3;
	v4 =	vand.u32 $0xFFFFFFF0, v34  }
0x32: {  	v3 =	vor.u32 v3, v4  }
0x33: {  	v4 =	vperm.xlane v3, v0;
	_ =	sdelay $0x1  }
0x34: {  	v3 =	vperm.xlane v3, v2;
	v4 =	vadd.s32 v1, v4;
	_ =	sdelay $0x1  }
0x35: {  	v3 =	vadd.s32 v1, v3;
	_ =	sdelay $0x2  }
0x36: {  	[tilespmem:s17], [sflag:$0x1] =	stream.indirect_vreg.gather [hbm4b:s3+s2], $0x80, v4, vm0, $0xb8;
	[tilespmem:$0x10100] =	vst v63  }
0x37: {  	_ = 	snop  }
0x38: {  	[tilespmem:s18], [sflag:$0x1] =	stream.indirect_vreg.gather [hbm4b:s3+s2], $0x80, v3, vm0, $0xb8;
	[tilespmem:$0x10100] =	vst v63  }
0x39: {  	v3 =	vld [tilespmem:$0x30];
	_ =	sdelay $0x4  }
0x3a: {  	v35 =	vshll.u32 v3, $0x1  }
0x3b: {  	v3 =	vand.u32 $0x7, v3;
	v4 =	vand.u32 $0xFFFFFFF0, v35  }
0x3c: {  	v3 =	vor.u32 v3, v4  }
0x3d: {  	v4 =	vperm.xlane v3, v0;
	_ =	sdelay $0x1  }
0x3e: {  	v3 =	vperm.xlane v3, v2;
	v4 =	vadd.s32 v1, v4;
	_ =	sdelay $0x1  }
0x3f: {  	v3 =	vadd.s32 v1, v3;
	_ =	sdelay $0x2  }
0x40: {  	[tilespmem:s19], [sflag:$0x1] =	stream.indirect_vreg.gather [hbm4b:s3+s2], $0x80, v4, vm0, $0xb8;
	[tilespmem:$0x10100] =	vst v63  }
0x41: {  	_ = 	snop  }
0x42: {  	[tilespmem:s20], [sflag:$0x1] =	stream.indirect_vreg.gather [hbm4b:s3+s2], $0x80, v3, vm0, $0xb8;
	[tilespmem:$0x10100] =	vst v63  }
0x43: {  	v3 =	vld [tilespmem:$0x40];
	_ =	sdelay $0x4  }
0x44: {  	v36 =	vshll.u32 v3, $0x1  }
0x45: {  	v3 =	vand.u32 $0x7, v3;
	v4 =	vand.u32 $0xFFFFFFF0, v36  }
0x46: {  	v3 =	vor.u32 v3, v4  }
0x47: {  	v4 =	vperm.xlane v3, v0;
	_ =	sdelay $0x1  }
0x48: {  	v3 =	vperm.xlane v3, v2;
	v4 =	vadd.s32 v1, v4;
	_ =	sdelay $0x1  }
0x49: {  	v3 =	vadd.s32 v1, v3;
	_ =	sdelay $0x2  }
0x4a: {  	[tilespmem:s21], [sflag:$0x1] =	stream.indirect_vreg.gather [hbm4b:s3+s2], $0x80, v4, vm0, $0xb8;
	[tilespmem:$0x10100] =	vst v63  }
0x4b: {  	_ = 	snop  }
0x4c: {  	[tilespmem:s22], [sflag:$0x1] =	stream.indirect_vreg.gather [hbm4b:s3+s2], $0x80, v3, vm0, $0xb8;
	[tilespmem:$0x10100] =	vst v63  }
0x4d: {  	v3 =	vld [tilespmem:$0x50];
	_ =	sdelay $0x4  }
0x4e: {  	v37 =	vshll.u32 v3, $0x1  }
0x4f: {  	v3 =	vand.u32 $0x7, v3;
	v4 =	vand.u32 $0xFFFFFFF0, v37  }
0x50: {  	v3 =	vor.u32 v3, v4  }
0x51: {  	v4 =	vperm.xlane v3, v0;
	_ =	sdelay $0x1  }
0x52: {  	v3 =	vperm.xlane v3, v2;
	v4 =	vadd.s32 v1, v4;
	_ =	sdelay $0x1  }
0x53: {  	v3 =	vadd.s32 v1, v3;
	_ =	sdelay $0x2  }
0x54: {  	[tilespmem:s23], [sflag:$0x1] =	stream.indirect_vreg.gather [hbm4b:s3+s2], $0x80, v4, vm0, $0xb8;
	[tilespmem:$0x10100] =	vst v63  }
0x55: {  	_ = 	snop  }
0x56: {  	[tilespmem:s24], [sflag:$0x1] =	stream.indirect_vreg.gather [hbm4b:s3+s2], $0x80, v3, vm0, $0xb8;
	[tilespmem:$0x10100] =	vst v63  }
0x57: {  	v3 =	vld [tilespmem:$0x60];
	_ =	sdelay $0x4  }
0x58: {  	v38 =	vshll.u32 v3, $0x1  }
0x59: {  	v3 =	vand.u32 $0x7, v3;
	v4 =	vand.u32 $0xFFFFFFF0, v38  }
0x5a: {  	v3 =	vor.u32 v3, v4  }
0x5b: {  	v4 =	vperm.xlane v3, v0;
	_ =	sdelay $0x1  }
0x5c: {  	v3 =	vperm.xlane v3, v2;
	v4 =	vadd.s32 v1, v4;
	_ =	sdelay $0x1  }
0x5d: {  	v3 =	vadd.s32 v1, v3;
	_ =	sdelay $0x2  }
0x5e: {  	[tilespmem:s25], [sflag:$0x1] =	stream.indirect_vreg.gather [hbm4b:s3+s2], $0x80, v4, vm0, $0xb8;
	[tilespmem:$0x10100] =	vst v63  }
0x5f: {  	_ = 	snop  }
0x60: {  	[tilespmem:s26], [sflag:$0x1] =	stream.indirect_vreg.gather [hbm4b:s3+s2], $0x80, v3, vm0, $0xb8;
	[tilespmem:$0x10100] =	vst v63  }
0x61: {  	v3 =	vld [tilespmem:$0x70];
	_ =	sdelay $0x4  }
0x62: {  	v39 =	vshll.u32 v3, $0x1  }
0x63: {  	v3 =	vand.u32 $0x7, v3;
	v4 =	vand.u32 $0xFFFFFFF0, v39  }
0x64: {  	v3 =	vor.u32 v3, v4  }
0x65: {  	v4 =	vperm.xlane v3, v0;
	_ =	sdelay $0x1  }
0x66: {  	v3 =	vperm.xlane v3, v2;
	v4 =	vadd.s32 v1, v4;
	_ =	sdelay $0x1  }
0x67: {  	v3 =	vadd.s32 v1, v3;
	_ =	sdelay $0x2  }
0x68: {  	[tilespmem:s28], [sflag:$0x1] =	stream.indirect_vreg.gather [hbm4b:s3+s2], $0x80, v4, vm0, $0xb8;
	[tilespmem:$0x10100] =	vst v63  }
0x69: {  	_ = 	snop  }
0x6a: {  	[tilespmem:s29], [sflag:$0x1] =	stream.indirect_vreg.gather [hbm4b:s3+s2], $0x80, v3, vm0, $0xb8;
	[tilespmem:$0x10100] =	vst v63  }
0x6b: {  	v3 =	vld [tilespmem:$0x80];
	_ =	sdelay $0x4  }
0x6c: {  	v40 =	vshll.u32 v3, $0x1  }
0x6d: {  	v3 =	vand.u32 $0x7, v3;
	v4 =	vand.u32 $0xFFFFFFF0, v40  }
0x6e: {  	v3 =	vor.u32 v3, v4  }
0x6f: {  	v4 =	vperm.xlane v3, v0;
	_ =	sdelay $0x1  }
0x70: {  	v3 =	vperm.xlane v3, v2;
	v4 =	vadd.s32 v1, v4;
	_ =	sdelay $0x1  }
0x71: {  	v3 =	vadd.s32 v1, v3;
	_ =	sdelay $0x2  }
0x72: {  	[tilespmem:s30], [sflag:$0x1] =	stream.indirect_vreg.gather [hbm4b:s3+s2], $0x80, v4, vm0, $0xb8;
	[tilespmem:$0x10100] =	vst v63  }
0x73: {  	_ = 	snop  }
0x74: {  	[tilespmem:s31], [sflag:$0x1] =	stream.indirect_vreg.gather [hbm4b:s3+s2], $0x80, v3, vm0, $0xb8;
	[tilespmem:$0x10100] =	vst v63  }
0x75: {  	v3 =	vld [tilespmem:$0x90];
	_ =	sdelay $0x4  }
0x76: {  	v41 =	vshll.u32 v3, $0x1  }
0x77: {  	v3 =	vand.u32 $0x7, v3;
	v4 =	vand.u32 $0xFFFFFFF0, v41  }
0x78: {  	v3 =	vor.u32 v3, v4  }
0x79: {  	v4 =	vperm.xlane v3, v0;
	_ =	sdelay $0x1  }
0x7a: {  	v3 =	vperm.xlane v3, v2;
	v4 =	vadd.s32 v1, v4;
	_ =	sdelay $0x1  }
0x7b: {  	v3 =	vadd.s32 v1, v3;
	_ =	sdelay $0x1  }
0x7c: {  	s13 =	simm.s32 $0x9100  }
0x7d: {  	[tilespmem:s13], [sflag:$0x1] =	stream.indirect_vreg.gather [hbm4b:s3+s2], $0x80, v4, vm0, $0xb8;
	[tilespmem:$0x10100] =	vst v63  }
0x7e: {  	_ = 	snop  }
0x7f: {  	[tilespmem:s1], [sflag:$0x1] =	stream.indirect_vreg.gather [hbm4b:s3+s2], $0x80, v3, vm0, $0xb8;
	[tilespmem:$0x10100] =	vst v63  }
0x80: {  	v3 =	vld [tilespmem:$0xA0];
	_ =	sdelay $0x4  }
0x81: {  	v42 =	vshll.u32 v3, $0x1  }
0x82: {  	v3 =	vand.u32 $0x7, v3;
	v4 =	vand.u32 $0xFFFFFFF0, v42  }
0x83: {  	v3 =	vor.u32 v3, v4  }
0x84: {  	v4 =	vperm.xlane v3, v0;
	_ =	sdelay $0x1  }
0x85: {  	v3 =	vperm.xlane v3, v2;
	v4 =	vadd.s32 v1, v4;
	_ =	sdelay $0x1  }
0x86: {  	v3 =	vadd.s32 v1, v3;
	_ =	sdelay $0x2  }
0x87: {  	[tilespmem:s7], [sflag:$0x1] =	stream.indirect_vreg.gather [hbm4b:s3+s2], $0x80, v4, vm0, $0xb8;
	[tilespmem:$0x10100] =	vst v63  }
0x88: {  	_ = 	snop  }
0x89: {  	[tilespmem:s8], [sflag:$0x1] =	stream.indirect_vreg.gather [hbm4b:s3+s2], $0x80, v3, vm0, $0xb8;
	[tilespmem:$0x10100] =	vst v63  }
0x8a: {  	v3 =	vld [tilespmem:$0xB0];
	_ =	sdelay $0x4  }
0x8b: {  	v43 =	vshll.u32 v3, $0x1  }
0x8c: {  	v3 =	vand.u32 $0x7, v3;
	v4 =	vand.u32 $0xFFFFFFF0, v43  }
0x8d: {  	v3 =	vor.u32 v3, v4  }
0x8e: {  	v4 =	vperm.xlane v3, v0;
	_ =	sdelay $0x1  }
0x8f: {  	v3 =	vperm.xlane v3, v2;
	v4 =	vadd.s32 v1, v4;
	_ =	sdelay $0x1  }
0x90: {  	v3 =	vadd.s32 v1, v3;
	_ =	sdelay $0x2  }
0x91: {  	[tilespmem:s9], [sflag:$0x1] =	stream.indirect_vreg.gather [hbm4b:s3+s2], $0x80, v4, vm0, $0xb8;
	[tilespmem:$0x10100] =	vst v63  }
0x92: {  	_ = 	snop  }
0x93: {  	[tilespmem:s10], [sflag:$0x1] =	stream.indirect_vreg.gather [hbm4b:s3+s2], $0x80, v3, vm0, $0xb8;
	[tilespmem:$0x10100] =	vst v63  }
0x94: {  	v3 =	vld [tilespmem:$0xC0];
	_ =	sdelay $0x4  }
0x95: {  	v44 =	vshll.u32 v3, $0x1  }
0x96: {  	v3 =	vand.u32 $0x7, v3;
	v4 =	vand.u32 $0xFFFFFFF0, v44  }
0x97: {  	v3 =	vor.u32 v3, v4  }
0x98: {  	v4 =	vperm.xlane v3, v0;
	_ =	sdelay $0x1  }
0x99: {  	v3 =	vperm.xlane v3, v2;
	v4 =	vadd.s32 v1, v4;
	_ =	sdelay $0x1  }
0x9a: {  	v3 =	vadd.s32 v1, v3;
	_ =	sdelay $0x2  }
0x9b: {  	[tilespmem:s11], [sflag:$0x1] =	stream.indirect_vreg.gather [hbm4b:s3+s2], $0x80, v4, vm0, $0xb8;
	[tilespmem:$0x10100] =	vst v63  }
0x9c: {  	_ = 	snop  }
0x9d: {  	[tilespmem:s6], [sflag:$0x1] =	stream.indirect_vreg.gather [hbm4b:s3+s2], $0x80, v3, vm0, $0xb8;
	[tilespmem:$0x10100] =	vst v63  }
0x9e: {  	v3 =	vld [tilespmem:$0xD0];
	_ =	sdelay $0x4  }
0x9f: {  	v45 =	vshll.u32 v3, $0x1  }
0xa0: {  	v3 =	vand.u32 $0x7, v3;
	v4 =	vand.u32 $0xFFFFFFF0, v45  }
0xa1: {  	v3 =	vor.u32 v3, v4  }
0xa2: {  	v4 =	vperm.xlane v3, v0;
	_ =	sdelay $0x1  }
0xa3: {  	v3 =	vperm.xlane v3, v2;
	v4 =	vadd.s32 v1, v4;
	_ =	sdelay $0x1  }
0xa4: {  	v3 =	vadd.s32 v1, v3;
	_ =	sdelay $0x1  }
0xa5: {  	s13 =	simm.s32 $0xD100  }
0xa6: {  	[tilespmem:s13], [sflag:$0x1] =	stream.indirect_vreg.gather [hbm4b:s3+s2], $0x80, v4, vm0, $0xb8;
	[tilespmem:$0x10100] =	vst v63  }
0xa7: {  	s13 =	simm.s32 $0xD900  }
0xa8: {  	[tilespmem:s13], [sflag:$0x1] =	stream.indirect_vreg.gather [hbm4b:s3+s2], $0x80, v3, vm0, $0xb8;
	[tilespmem:$0x10100] =	vst v63  }
0xa9: {  	v3 =	vld [tilespmem:$0xE0];
	_ =	sdelay $0x4  }
0xaa: {  	v46 =	vshll.u32 v3, $0x1  }
0xab: {  	v3 =	vand.u32 $0x7, v3;
	v4 =	vand.u32 $0xFFFFFFF0, v46  }
0xac: {  	v3 =	vor.u32 v3, v4  }
0xad: {  	v4 =	vperm.xlane v3, v0;
	_ =	sdelay $0x1  }
0xae: {  	v3 =	vperm.xlane v3, v2;
	v4 =	vadd.s32 v1, v4;
	_ =	sdelay $0x1  }
0xaf: {  	v3 =	vadd.s32 v1, v3;
	_ =	sdelay $0x1  }
0xb0: {  	s13 =	simm.s32 $0xE100  }
0xb1: {  	[tilespmem:s13], [sflag:$0x1] =	stream.indirect_vreg.gather [hbm4b:s3+s2], $0x80, v4, vm0, $0xb8;
	[tilespmem:$0x10100] =	vst v63  }
0xb2: {  	s13 =	simm.s32 $0xE900  }
0xb3: {  	[tilespmem:s13], [sflag:$0x1] =	stream.indirect_vreg.gather [hbm4b:s3+s2], $0x80, v3, vm0, $0xb8;
	[tilespmem:$0x10100] =	vst v63  }
0xb4: {  	v3 =	vld [tilespmem:$0xF0];
	_ =	sdelay $0x4  }
0xb5: {  	v47 =	vshll.u32 v3, $0x1  }
0xb6: {  	v3 =	vand.u32 $0x7, v3;
	v4 =	vand.u32 $0xFFFFFFF0, v47  }
0xb7: {  	v3 =	vor.u32 v3, v4  }
0xb8: {  	v4 =	vperm.xlane v3, v0;
	_ =	sdelay $0x1  }
0xb9: {  	v3 =	vperm.xlane v3, v2;
	v4 =	vadd.s32 v1, v4;
	_ =	sdelay $0x1  }
0xba: {  	v3 =	vadd.s32 v1, v3;
	_ =	sdelay $0x1  }
0xbb: {  	s13 =	simm.s32 $0xF100  }
0xbc: {  	[tilespmem:s13], [sflag:$0x1] =	stream.indirect_vreg.gather [hbm4b:s3+s2], $0x80, v4, vm0, $0xb8;
	[tilespmem:$0x10100] =	vst v63  }
0xbd: {  	s13 =	simm.s32 $0xF900  }
0xbe: {  	[tilespmem:s13], [sflag:$0x1] =	stream.indirect_vreg.gather [hbm4b:s3+s2], $0x80, v3, vm0, $0xb8;
	[tilespmem:$0x10100] =	vst v63  }
0xbf: {  	_ =	swait.ge [sflag:s12], $0x10000  }
0xc0: {  	[sflag:s12] =	ssyncset.done $0x0  }
0xc1: {  	s0 =	simm.s32 $0x100;
	s13 =	rddreg [dreg:$0x4];
	[sflag:s12] =	ssyncadd.s32 $0xFFFF0000  }
0xc2: {  	[hbm4b:s13+s2] =	stream.linear.scatter [tilespmem:s0], [sflag:$0x2], $0x10000, $0x38;
	[tilespmem:$0x10100] =	vst v63  }
0xc3: {  	_ =	swait.ge [sflag:s5], $0x10000  }
0xc4: {  	[sflag:s5] =	ssyncset.done $0x0  }
0xc5: {  	s13 =	rddreg [dreg:$0x5];
	[sflag:s5] =	ssyncadd.s32 $0xFFFF0000  }
0xc6: {  	[tilespmem:s2], [sflag:$0x2] =	stream.linear.gather [hbm4b:s13+s2], $0x100, $0x38;
	[tilespmem:$0x10100] =	vst v63  }
0xc7: {  	_ =	swait.ge [sflag:s5], $0x100  }
0xc8: {  	[sflag:s5] =	ssyncset.done $0x0  }
0xc9: {  	[sflag:s5] =	ssyncadd.s32 $0xFFFFFF00  }
0xca: {  	v3 =	vld [tilespmem:$0x0];
	_ =	sdelay $0x4  }
0xcb: {  	v48 =	vshll.u32 v3, $0x1  }
0xcc: {  	v3 =	vand.u32 $0x7, v3;
	v4 =	vand.u32 $0xFFFFFFF0, v48  }
0xcd: {  	v3 =	vor.u32 v3, v4  }
0xce: {  	v4 =	vperm.xlane v3, v0;
	_ =	sdelay $0x1  }
0xcf: {  	v3 =	vperm.xlane v3, v2;
	v4 =	vadd.s32 v1, v4;
	_ =	sdelay $0x1  }
0xd0: {  	v3 =	vadd.s32 v1, v3;
	_ =	sdelay $0x2  }
0xd1: {  	[tilespmem:s0], [sflag:$0x1] =	stream.indirect_vreg.gather [hbm4b:s3+s2], $0x80, v4, vm0, $0xb8;
	[tilespmem:$0x10100] =	vst v63  }
0xd2: {  	_ = 	snop  }
0xd3: {  	[tilespmem:s14], [sflag:$0x1] =	stream.indirect_vreg.gather [hbm4b:s3+s2], $0x80, v3, vm0, $0xb8;
	[tilespmem:$0x10100] =	vst v63  }
0xd4: {  	v3 =	vld [tilespmem:$0x10];
	_ =	sdelay $0x4  }
0xd5: {  	v49 =	vshll.u32 v3, $0x1  }
0xd6: {  	v3 =	vand.u32 $0x7, v3;
	v4 =	vand.u32 $0xFFFFFFF0, v49  }
0xd7: {  	v3 =	vor.u32 v3, v4  }
0xd8: {  	v4 =	vperm.xlane v3, v0;
	_ =	sdelay $0x1  }
0xd9: {  	v3 =	vperm.xlane v3, v2;
	v4 =	vadd.s32 v1, v4;
	_ =	sdelay $0x1  }
0xda: {  	v3 =	vadd.s32 v1, v3;
	_ =	sdelay $0x2  }
0xdb: {  	[tilespmem:s15], [sflag:$0x1] =	stream.indirect_vreg.gather [hbm4b:s3+s2], $0x80, v4, vm0, $0xb8;
	[tilespmem:$0x10100] =	vst v63  }
0xdc: {  	_ = 	snop  }
0xdd: {  	[tilespmem:s16], [sflag:$0x1] =	stream.indirect_vreg.gather [hbm4b:s3+s2], $0x80, v3, vm0, $0xb8;
	[tilespmem:$0x10100] =	vst v63  }
0xde: {  	v3 =	vld [tilespmem:$0x20];
	_ =	sdelay $0x4  }
0xdf: {  	v50 =	vshll.u32 v3, $0x1  }
0xe0: {  	v3 =	vand.u32 $0x7, v3;
	v4 =	vand.u32 $0xFFFFFFF0, v50  }
0xe1: {  	v3 =	vor.u32 v3, v4  }
0xe2: {  	v4 =	vperm.xlane v3, v0;
	_ =	sdelay $0x1  }
0xe3: {  	v3 =	vperm.xlane v3, v2;
	v4 =	vadd.s32 v1, v4;
	_ =	sdelay $0x1  }
0xe4: {  	v3 =	vadd.s32 v1, v3;
	_ =	sdelay $0x2  }
0xe5: {  	[tilespmem:s17], [sflag:$0x1] =	stream.indirect_vreg.gather [hbm4b:s3+s2], $0x80, v4, vm0, $0xb8;
	[tilespmem:$0x10100] =	vst v63  }
0xe6: {  	_ = 	snop  }
0xe7: {  	[tilespmem:s18], [sflag:$0x1] =	stream.indirect_vreg.gather [hbm4b:s3+s2], $0x80, v3, vm0, $0xb8;
	[tilespmem:$0x10100] =	vst v63  }
0xe8: {  	v3 =	vld [tilespmem:$0x30];
	_ =	sdelay $0x4  }
0xe9: {  	v51 =	vshll.u32 v3, $0x1  }
0xea: {  	v3 =	vand.u32 $0x7, v3;
	v4 =	vand.u32 $0xFFFFFFF0, v51  }
0xeb: {  	v3 =	vor.u32 v3, v4  }
0xec: {  	v4 =	vperm.xlane v3, v0;
	_ =	sdelay $0x1  }
0xed: {  	v3 =	vperm.xlane v3, v2;
	v4 =	vadd.s32 v1, v4;
	_ =	sdelay $0x1  }
0xee: {  	v3 =	vadd.s32 v1, v3;
	_ =	sdelay $0x2  }
0xef: {  	[tilespmem:s19], [sflag:$0x1] =	stream.indirect_vreg.gather [hbm4b:s3+s2], $0x80, v4, vm0, $0xb8;
	[tilespmem:$0x10100] =	vst v63  }
0xf0: {  	_ = 	snop  }
0xf1: {  	[tilespmem:s20], [sflag:$0x1] =	stream.indirect_vreg.gather [hbm4b:s3+s2], $0x80, v3, vm0, $0xb8;
	[tilespmem:$0x10100] =	vst v63  }
0xf2: {  	v3 =	vld [tilespmem:$0x40];
	_ =	sdelay $0x4  }
0xf3: {  	v52 =	vshll.u32 v3, $0x1  }
0xf4: {  	v3 =	vand.u32 $0x7, v3;
	v4 =	vand.u32 $0xFFFFFFF0, v52  }
0xf5: {  	v3 =	vor.u32 v3, v4  }
0xf6: {  	v4 =	vperm.xlane v3, v0;
	_ =	sdelay $0x1  }
0xf7: {  	v3 =	vperm.xlane v3, v2;
	v4 =	vadd.s32 v1, v4;
	_ =	sdelay $0x1  }
0xf8: {  	v3 =	vadd.s32 v1, v3;
	_ =	sdelay $0x2  }
0xf9: {  	[tilespmem:s21], [sflag:$0x1] =	stream.indirect_vreg.gather [hbm4b:s3+s2], $0x80, v4, vm0, $0xb8;
	[tilespmem:$0x10100] =	vst v63  }
0xfa: {  	_ = 	snop  }
0xfb: {  	[tilespmem:s22], [sflag:$0x1] =	stream.indirect_vreg.gather [hbm4b:s3+s2], $0x80, v3, vm0, $0xb8;
	[tilespmem:$0x10100] =	vst v63  }
0xfc: {  	v3 =	vld [tilespmem:$0x50];
	_ =	sdelay $0x4  }
0xfd: {  	v53 =	vshll.u32 v3, $0x1  }
0xfe: {  	v3 =	vand.u32 $0x7, v3;
	v4 =	vand.u32 $0xFFFFFFF0, v53  }
0xff: {  	v3 =	vor.u32 v3, v4  }
0x100: {  	v4 =	vperm.xlane v3, v0;
	_ =	sdelay $0x1  }
0x101: {  	v3 =	vperm.xlane v3, v2;
	v4 =	vadd.s32 v1, v4;
	_ =	sdelay $0x1  }
0x102: {  	v3 =	vadd.s32 v1, v3;
	_ =	sdelay $0x2  }
0x103: {  	[tilespmem:s23], [sflag:$0x1] =	stream.indirect_vreg.gather [hbm4b:s3+s2], $0x80, v4, vm0, $0xb8;
	[tilespmem:$0x10100] =	vst v63  }
0x104: {  	_ = 	snop  }
0x105: {  	[tilespmem:s24], [sflag:$0x1] =	stream.indirect_vreg.gather [hbm4b:s3+s2], $0x80, v3, vm0, $0xb8;
	[tilespmem:$0x10100] =	vst v63  }
0x106: {  	v3 =	vld [tilespmem:$0x60];
	_ =	sdelay $0x4  }
0x107: {  	v54 =	vshll.u32 v3, $0x1  }
0x108: {  	v3 =	vand.u32 $0x7, v3;
	v4 =	vand.u32 $0xFFFFFFF0, v54  }
0x109: {  	v3 =	vor.u32 v3, v4  }
0x10a: {  	v4 =	vperm.xlane v3, v0;
	_ =	sdelay $0x1  }
0x10b: {  	v3 =	vperm.xlane v3, v2;
	v4 =	vadd.s32 v1, v4;
	_ =	sdelay $0x1  }
0x10c: {  	v3 =	vadd.s32 v1, v3;
	_ =	sdelay $0x2  }
0x10d: {  	[tilespmem:s25], [sflag:$0x1] =	stream.indirect_vreg.gather [hbm4b:s3+s2], $0x80, v4, vm0, $0xb8;
	[tilespmem:$0x10100] =	vst v63  }
0x10e: {  	_ = 	snop  }
0x10f: {  	[tilespmem:s26], [sflag:$0x1] =	stream.indirect_vreg.gather [hbm4b:s3+s2], $0x80, v3, vm0, $0xb8;
	[tilespmem:$0x10100] =	vst v63  }
0x110: {  	v3 =	vld [tilespmem:$0x70];
	_ =	sdelay $0x4  }
0x111: {  	v55 =	vshll.u32 v3, $0x1  }
0x112: {  	v3 =	vand.u32 $0x7, v3;
	v4 =	vand.u32 $0xFFFFFFF0, v55  }
0x113: {  	v3 =	vor.u32 v3, v4  }
0x114: {  	v4 =	vperm.xlane v3, v0;
	_ =	sdelay $0x1  }
0x115: {  	v3 =	vperm.xlane v3, v2;
	v4 =	vadd.s32 v1, v4;
	_ =	sdelay $0x1  }
0x116: {  	v3 =	vadd.s32 v1, v3;
	_ =	sdelay $0x2  }
0x117: {  	[tilespmem:s28], [sflag:$0x1] =	stream.indirect_vreg.gather [hbm4b:s3+s2], $0x80, v4, vm0, $0xb8;
	[tilespmem:$0x10100] =	vst v63  }
0x118: {  	_ = 	snop  }
0x119: {  	[tilespmem:s29], [sflag:$0x1] =	stream.indirect_vreg.gather [hbm4b:s3+s2], $0x80, v3, vm0, $0xb8;
	[tilespmem:$0x10100] =	vst v63  }
0x11a: {  	v3 =	vld [tilespmem:$0x80];
	_ =	sdelay $0x4  }
0x11b: {  	v56 =	vshll.u32 v3, $0x1  }
0x11c: {  	v3 =	vand.u32 $0x7, v3;
	v4 =	vand.u32 $0xFFFFFFF0, v56  }
0x11d: {  	v3 =	vor.u32 v3, v4  }
0x11e: {  	v4 =	vperm.xlane v3, v0;
	_ =	sdelay $0x1  }
0x11f: {  	v3 =	vperm.xlane v3, v2;
	v4 =	vadd.s32 v1, v4;
	_ =	sdelay $0x1  }
0x120: {  	v3 =	vadd.s32 v1, v3;
	_ =	sdelay $0x2  }
0x121: {  	[tilespmem:s30], [sflag:$0x1] =	stream.indirect_vreg.gather [hbm4b:s3+s2], $0x80, v4, vm0, $0xb8;
	[tilespmem:$0x10100] =	vst v63  }
0x122: {  	_ = 	snop  }
0x123: {  	[tilespmem:s31], [sflag:$0x1] =	stream.indirect_vreg.gather [hbm4b:s3+s2], $0x80, v3, vm0, $0xb8;
	[tilespmem:$0x10100] =	vst v63  }
0x124: {  	v3 =	vld [tilespmem:$0x90];
	_ =	sdelay $0x4  }
0x125: {  	v57 =	vshll.u32 v3, $0x1  }
0x126: {  	v3 =	vand.u32 $0x7, v3;
	v4 =	vand.u32 $0xFFFFFFF0, v57  }
0x127: {  	v3 =	vor.u32 v3, v4  }
0x128: {  	v4 =	vperm.xlane v3, v0;
	_ =	sdelay $0x1  }
0x129: {  	v3 =	vperm.xlane v3, v2;
	v4 =	vadd.s32 v1, v4;
	_ =	sdelay $0x1  }
0x12a: {  	v3 =	vadd.s32 v1, v3;
	_ =	sdelay $0x1  }
0x12b: {  	s13 =	simm.s32 $0x9100  }
0x12c: {  	[tilespmem:s13], [sflag:$0x1] =	stream.indirect_vreg.gather [hbm4b:s3+s2], $0x80, v4, vm0, $0xb8;
	[tilespmem:$0x10100] =	vst v63  }
0x12d: {  	_ = 	snop  }
0x12e: {  	[tilespmem:s1], [sflag:$0x1] =	stream.indirect_vreg.gather [hbm4b:s3+s2], $0x80, v3, vm0, $0xb8;
	[tilespmem:$0x10100] =	vst v63  }
0x12f: {  	v3 =	vld [tilespmem:$0xA0];
	_ =	sdelay $0x4  }
0x130: {  	v58 =	vshll.u32 v3, $0x1  }
0x131: {  	v3 =	vand.u32 $0x7, v3;
	v4 =	vand.u32 $0xFFFFFFF0, v58  }
0x132: {  	v3 =	vor.u32 v3, v4  }
0x133: {  	v4 =	vperm.xlane v3, v0;
	_ =	sdelay $0x1  }
0x134: {  	v3 =	vperm.xlane v3, v2;
	v4 =	vadd.s32 v1, v4;
	_ =	sdelay $0x1  }
0x135: {  	v3 =	vadd.s32 v1, v3;
	_ =	sdelay $0x2  }
0x136: {  	[tilespmem:s7], [sflag:$0x1] =	stream.indirect_vreg.gather [hbm4b:s3+s2], $0x80, v4, vm0, $0xb8;
	[tilespmem:$0x10100] =	vst v63  }
0x137: {  	_ = 	snop  }
0x138: {  	[tilespmem:s8], [sflag:$0x1] =	stream.indirect_vreg.gather [hbm4b:s3+s2], $0x80, v3, vm0, $0xb8;
	[tilespmem:$0x10100] =	vst v63  }
0x139: {  	v3 =	vld [tilespmem:$0xB0];
	_ =	sdelay $0x4  }
0x13a: {  	v59 =	vshll.u32 v3, $0x1  }
0x13b: {  	v3 =	vand.u32 $0x7, v3;
	v4 =	vand.u32 $0xFFFFFFF0, v59  }
0x13c: {  	v3 =	vor.u32 v3, v4  }
0x13d: {  	v4 =	vperm.xlane v3, v0;
	_ =	sdelay $0x1  }
0x13e: {  	v3 =	vperm.xlane v3, v2;
	v4 =	vadd.s32 v1, v4;
	_ =	sdelay $0x1  }
0x13f: {  	v3 =	vadd.s32 v1, v3;
	_ =	sdelay $0x2  }
0x140: {  	[tilespmem:s9], [sflag:$0x1] =	stream.indirect_vreg.gather [hbm4b:s3+s2], $0x80, v4, vm0, $0xb8;
	[tilespmem:$0x10100] =	vst v63  }
0x141: {  	_ = 	snop  }
0x142: {  	[tilespmem:s10], [sflag:$0x1] =	stream.indirect_vreg.gather [hbm4b:s3+s2], $0x80, v3, vm0, $0xb8;
	[tilespmem:$0x10100] =	vst v63  }
0x143: {  	v3 =	vld [tilespmem:$0xC0];
	_ =	sdelay $0x4  }
0x144: {  	v60 =	vshll.u32 v3, $0x1  }
0x145: {  	v3 =	vand.u32 $0x7, v3;
	v4 =	vand.u32 $0xFFFFFFF0, v60  }
0x146: {  	v3 =	vor.u32 v3, v4  }
0x147: {  	v4 =	vperm.xlane v3, v0;
	_ =	sdelay $0x1  }
0x148: {  	v3 =	vperm.xlane v3, v2;
	v4 =	vadd.s32 v1, v4;
	_ =	sdelay $0x1  }
0x149: {  	v3 =	vadd.s32 v1, v3;
	_ =	sdelay $0x2  }
0x14a: {  	[tilespmem:s11], [sflag:$0x1] =	stream.indirect_vreg.gather [hbm4b:s3+s2], $0x80, v4, vm0, $0xb8;
	[tilespmem:$0x10100] =	vst v63  }
0x14b: {  	_ = 	snop  }
0x14c: {  	[tilespmem:s6], [sflag:$0x1] =	stream.indirect_vreg.gather [hbm4b:s3+s2], $0x80, v3, vm0, $0xb8;
	[tilespmem:$0x10100] =	vst v63  }
0x14d: {  	v3 =	vld [tilespmem:$0xD0];
	_ =	sdelay $0x4  }
0x14e: {  	v61 =	vshll.u32 v3, $0x1  }
0x14f: {  	v3 =	vand.u32 $0x7, v3;
	v4 =	vand.u32 $0xFFFFFFF0, v61  }
0x150: {  	v3 =	vor.u32 v3, v4  }
0x151: {  	v4 =	vperm.xlane v3, v0;
	_ =	sdelay $0x1  }
0x152: {  	v3 =	vperm.xlane v3, v2;
	v4 =	vadd.s32 v1, v4;
	_ =	sdelay $0x1  }
0x153: {  	v3 =	vadd.s32 v1, v3;
	_ =	sdelay $0x1  }
0x154: {  	s13 =	simm.s32 $0xD100  }
0x155: {  	[tilespmem:s13], [sflag:$0x1] =	stream.indirect_vreg.gather [hbm4b:s3+s2], $0x80, v4, vm0, $0xb8;
	[tilespmem:$0x10100] =	vst v63  }
0x156: {  	s13 =	simm.s32 $0xD900  }
0x157: {  	[tilespmem:s13], [sflag:$0x1] =	stream.indirect_vreg.gather [hbm4b:s3+s2], $0x80, v3, vm0, $0xb8;
	[tilespmem:$0x10100] =	vst v63  }
0x158: {  	v3 =	vld [tilespmem:$0xE0];
	_ =	sdelay $0x4  }
0x159: {  	v62 =	vshll.u32 v3, $0x1  }
0x15a: {  	v3 =	vand.u32 $0x7, v3;
	v4 =	vand.u32 $0xFFFFFFF0, v62  }
0x15b: {  	v3 =	vor.u32 v3, v4  }
0x15c: {  	v4 =	vperm.xlane v3, v0;
	_ =	sdelay $0x1  }
0x15d: {  	v3 =	vperm.xlane v3, v2;
	v4 =	vadd.s32 v1, v4;
	_ =	sdelay $0x1  }
0x15e: {  	v3 =	vadd.s32 v1, v3;
	_ =	sdelay $0x1  }
0x15f: {  	s13 =	simm.s32 $0xE100  }
0x160: {  	[tilespmem:s13], [sflag:$0x1] =	stream.indirect_vreg.gather [hbm4b:s3+s2], $0x80, v4, vm0, $0xb8;
	[tilespmem:$0x10100] =	vst v63  }
0x161: {  	s13 =	simm.s32 $0xE900  }
0x162: {  	[tilespmem:s13], [sflag:$0x1] =	stream.indirect_vreg.gather [hbm4b:s3+s2], $0x80, v3, vm0, $0xb8;
	[tilespmem:$0x10100] =	vst v63  }
0x163: {  	v3 =	vld [tilespmem:$0xF0];
	_ =	sdelay $0x4  }
0x164: {  	v63 =	vshll.u32 v3, $0x1  }
0x165: {  	v3 =	vand.u32 $0x7, v3;
	v4 =	vand.u32 $0xFFFFFFF0, v63  }
0x166: {  	v3 =	vor.u32 v3, v4  }
0x167: {  	v4 =	vperm.xlane v3, v0;
	_ =	sdelay $0x1  }
0x168: {  	v3 =	vperm.xlane v3, v2;
	v4 =	vadd.s32 v1, v4;
	_ =	sdelay $0x1  }
0x169: {  	v3 =	vadd.s32 v1, v3;
	_ =	sdelay $0x1  }
0x16a: {  	s13 =	simm.s32 $0xF100  }
0x16b: {  	[tilespmem:s13], [sflag:$0x1] =	stream.indirect_vreg.gather [hbm4b:s3+s2], $0x80, v4, vm0, $0xb8;
	[tilespmem:$0x10100] =	vst v63  }
0x16c: {  	s13 =	simm.s32 $0xF900  }
0x16d: {  	[tilespmem:s13], [sflag:$0x1] =	stream.indirect_vreg.gather [hbm4b:s3+s2], $0x80, v3, vm0, $0xb8;
	[tilespmem:$0x10100] =	vst v63  }
0x16e: {  	_ =	swait.ge [sflag:s12], $0x10000  }
0x16f: {  	p0 =	sne.s32 s4, $0x1;
	s0 =	simm.s32 $0x100;
	[sflag:s12] =	ssyncset.done $0x0  }
.Ltmp0:
0x170: {  	s13 =	rddreg [dreg:$0x6];
	[sflag:s12] =	ssyncadd.s32 $0xFFFF0000;
	(pc) =	sbr.rel @p0 .LBB2_1-.Ltmp0, $4  }
0x171: {  	[hbm4b:s13+s2] =	stream.linear.scatter [tilespmem:s0], [sflag:$0x2], $0x10000, $0x38;
	[tilespmem:$0x10100] =	vst v63  }
0x172: {  	_ =	swait.ge [sflag:s5], $0x10000  }
0x173: {  	[sflag:s5] =	ssyncset.done $0x0  }
0x174: {  	s4 =	sadd.s32 $0xFFFFFFFF, s4;
	[sflag:s5] =	ssyncadd.s32 $0xFFFF0000  }
0x175: {  	_ =	sfence.sel $0x180000  }
0x176: {  	[bflag:$0x0] =	sbarrier.arrive $0xFFFF  }
0x177: {  	_ =	strace $0x9000005C  }
0x178: {  	s0 =	stileid.u32;
	[bflag:$0x2] =	sbarrier.arrive $0xFFFF  }
0x179: {  	p0 =	sne.s32 s0, $0x0;
	s0 =	rddreg [dreg:$0x2]  }
0x17a: {  	s0 =	sadd.s32 @!p0 $0x100000, s0  }
0x17b: {  	[sflag:s0] =	ssyncadd.tile.s32 @!p0 $0x1;
	_ =	shalt  }
.Lfunc_end2:
_tile_overlayer_lowered:
.L_overlay_start_2:
0x17c: {  	(tag) =	ssettag $0x2  }
0x17d: {  	s0 =	rddreg [dreg:$0x0];
	s2 =	stileid.u32  }
0x17e: {  	s1 =	rddreg [dreg:$0x1];
	p0 =	sne.s32 s2, $0x0  }
0x17f: {  	s3 =	rddreg [dreg:$0x2];
	[bflag:$0x3] =	sbarrier.arrive $0xFFFF;
	s2 =	simm.s32 @!p0 $0x1C02  }
0x180: {  	[timem:s3], [sflag:s2] =	dma.local @!p0 [hbm:s0], s1  }
0x181: {  	s0 =	simm.s32 @!p0 $0x2  }
0x182: {  	_ =	swait.ge @!p0 [sflag:s0], s1  }
0x183: {  	s1 =	ssub.s32 @!p0 $0x0, s1;
	[sflag:s0] =	ssyncset.done @!p0 $0x0  }
0x184: {  	[sflag:s0] =	ssyncadd.s32 @!p0 s1  }
0x185: {  	[bflag:$0x3] =	sbarrier.arrive $0xFFFF  }
0x186: {  	_ =	shalt  }

// kernel: scatter_offload_async_start.1
scs
__scs_entry_jumppad:
0x0: {  	(pc) =	sbr.rel $0x88, $3  }
0x1: {  	(tag) =	ssettag $0x0;
	lr =	simm.s32 $0x1  }
0x2: {  	[smem:$0x3F91] =	sst lr;
	_ =	strace $0xD0000000  }
0x3: {  	_ = 	snop  }
0x4: {  	_ = 	snop  }
0x5: {  	_ = 	snop  }
0x6: {  	_ = 	snop  }
0x7: {  	_ = 	snop  }
__scs_overlays_trampoline_lowered:
0x8: {  	[smem:$0x3FA0] =	sst s0  }
0x9: {  	[smem:$0x3FA1] =	sst s1  }
0xa: {  	[smem:$0x3FA2] =	sst s2  }
0xb: {  	[smem:$0x3FA3] =	sst s3  }
0xc: {  	[smem:$0x3FA4] =	sst s4  }
0xd: {  	[smem:$0x3FA5] =	sst s5  }
0xe: {  	[smem:$0x3FA6] =	sst s6  }
0xf: {  	[smem:$0x3FA7] =	sst s7  }
0x10: {  	[smem:$0x3FA8] =	sst s8  }
0x11: {  	[smem:$0x3FA9] =	sst s9;
	s0 =	simm.s32 @!p0 $0x0  }
0x12: {  	s1 =	sld [smem:$0x3F8F];
	s0 =	simm.s32 @p0 $0x1  }
0x13: {  	[smem:$0x3FAA] =	sst s0;
	s0 =	simm.s32 @!p1 $0x0  }
0x14: {  	s2 =	sld [smem:$0x3F8E];
	s0 =	simm.s32 @p1 $0x1  }
0x15: {  	[smem:$0x3FAB] =	sst s0;
	s0 =	simm.s32 @!p2 $0x0  }
0x16: {  	s3 =	sld [smem:$0x3FDB];
	s0 =	simm.s32 @p2 $0x1  }
0x17: {  	s4 =	simm.s32 $0x1BF5;
	[smem:$0x3FAD] =	sst s0  }
0x18: {  	s0 =	sld [smem:$0x3F90];
	_ =	swait.ge [sflag:s4], $0x0  }
0x19: {  	s7 =	sld [smem:$0x3F91]  }
0x1a: {  	s8 =	sadd.s32 $0xFFFFE003, lr  }
0x1b: {  	s9 =	sadd.s32 $0xFFFFFEF7, lr;
	s5 =	simm.s32 $0xFFFFFFFF;
	p2 =	slt.u32 s8, $0xFFFFF086  }
0x1c: {  	p1 =	slt.u32 s9, $0xF7A;
	s5 =	simm.s32 @!p2 $0x0  }
0x1d: {  	s5 =	simm.s32 @p1 $0x1;
	p0 =	seq.s32 s7, s2  }
0x1e: {  	s7 =	smul.u32 @!p0 $0xF7A, s2;
	p2 =	seq.s32 @!p0 s5, $0x0  }
0x1f: {  	s9 =	smul.u32 $0xF7A, s1;
	s8 =	simm.s32 @!p0 $0x1BF5;
	p2 =	por !p2, p0  }
0x20: {  	[sflag:s8] =	ssyncset.s32 @!p0 $0xFFFFF086;
	s6 =	sadd.s32 @!p0 s3, s7;
	s7 =	simm.s32 @!p0 $0x108  }
0x21: {  	s3 =	sadd.s32 s3, s9;
	s6 =	sadd.s32 @!p0 $0x88, s6;
	s7 =	simm.s32 @p2 $0x1082  }
0x22: {  	[simem:s7], [sflag:s8] =	dma.local @!p0 [hbm:s6], $0xF7A  }
0x23: {  	s9 =	sor.u32 $0xD0000000, s2;
	s6 =	simm.s32 $0x108;
	_ =	swait.ge @!p0 [sflag:s8], $0x0  }
0x24: {  	s3 =	sadd.s32 $0x88, s3;
	s6 =	simm.s32 @!p1 $0x1082;
	[sflag:s4] =	ssyncset.s32 $0xFFFFF086  }
0x25: {  	[simem:s6], [sflag:s4] =	dma.local [hbm:s3], $0xF7A  }
0x26: {  	[smem:$0x3F91] =	sst s1;
	(tag) =	ssettag s2;
	_ =	strace s9  }
0x27: {  	s1 =	sld [smem:$0x3FA1]  }
0x28: {  	s2 =	sld [smem:$0x3FA2]  }
0x29: {  	s4 =	sld [smem:$0x3FA4]  }
0x2a: {  	p0 =	seq.s32 s5, $0x0;
	s5 =	sld [smem:$0x3FA5]  }
0x2b: {  	s6 =	sld [smem:$0x3FA6]  }
0x2c: {  	s7 =	sld [smem:$0x3FA7]  }
0x2d: {  	s3 =	simm.s32 $0x108;
	s8 =	sld [smem:$0x3FA8]  }
0x2e: {  	s3 =	simm.s32 @!p0 $0x1082;
	s9 =	sld [smem:$0x3FA9]  }
0x2f: {  	lr =	sadd.s32 s0, s3;
	s0 =	sld [smem:$0x3FA0]  }
0x30: {  	s3 =	sld [smem:$0x3FA3]  }
0x31: {  	[smem:$0x3FAC] =	sst s10  }
0x32: {  	s10 =	sld [smem:$0x3FAA];
	_ =	sdelay $0x3  }
0x33: {  	p0 =	seq.s32 s10, $0x1;
	s10 =	sld [smem:$0x3FAC];
	_ =	sdelay $0x3  }
0x34: {  	[smem:$0x3FAC] =	sst s10  }
0x35: {  	s10 =	sld [smem:$0x3FAB];
	_ =	sdelay $0x3  }
0x36: {  	p1 =	seq.s32 s10, $0x1;
	s10 =	sld [smem:$0x3FAC];
	_ =	sdelay $0x3  }
0x37: {  	[smem:$0x3FAC] =	sst s10  }
0x38: {  	s10 =	sld [smem:$0x3FAD]  }
0x39: {  	_ = 	snop;
	(pc) =	sbr.ind lr, $3  }
0x3a: {  	_ = 	snop  }
0x3b: {  	_ = 	snop  }
0x3c: {  	p2 =	seq.s32 s10, $0x1;
	s10 =	sld [smem:$0x3FAC]  }
0x3d: {  	_ =	shalt  }
0x3e: {  	_ =	shalt  }
0x3f: {  	_ =	shalt  }
0x40: {  	_ =	shalt  }
0x41: {  	_ =	shalt  }
0x42: {  	_ =	shalt  }
0x43: {  	_ =	shalt  }
0x44: {  	_ =	shalt  }
0x45: {  	_ =	shalt  }
0x46: {  	_ =	shalt  }
0x47: {  	_ =	shalt  }
0x48: {  	_ =	shalt  }
0x49: {  	_ =	shalt  }
0x4a: {  	_ =	shalt  }
0x4b: {  	_ =	shalt  }
0x4c: {  	_ =	shalt  }
0x4d: {  	_ =	shalt  }
0x4e: {  	_ =	shalt  }
0x4f: {  	_ =	shalt  }
0x50: {  	_ =	shalt  }
0x51: {  	_ =	shalt  }
0x52: {  	_ =	shalt  }
0x53: {  	_ =	shalt  }
0x54: {  	_ =	shalt  }
0x55: {  	_ =	shalt  }
0x56: {  	_ =	shalt  }
0x57: {  	_ =	shalt  }
0x58: {  	_ =	shalt  }
0x59: {  	_ =	shalt  }
0x5a: {  	_ =	shalt  }
0x5b: {  	_ =	shalt  }
0x5c: {  	_ =	shalt  }
0x5d: {  	_ =	shalt  }
0x5e: {  	_ =	shalt  }
0x5f: {  	_ =	shalt  }
0x60: {  	_ =	shalt  }
0x61: {  	_ =	shalt  }
0x62: {  	_ =	shalt  }
0x63: {  	_ =	shalt  }
0x64: {  	_ =	shalt  }
0x65: {  	_ =	shalt  }
0x66: {  	_ =	shalt  }
0x67: {  	_ =	shalt  }
0x68: {  	_ =	shalt  }
0x69: {  	_ =	shalt  }
0x6a: {  	_ =	shalt  }
0x6b: {  	_ =	shalt  }
0x6c: {  	_ =	shalt  }
0x6d: {  	_ =	shalt  }
0x6e: {  	_ =	shalt  }
0x6f: {  	_ =	shalt  }
0x70: {  	_ =	shalt  }
0x71: {  	_ =	shalt  }
0x72: {  	_ =	shalt  }
0x73: {  	_ =	shalt  }
0x74: {  	_ =	shalt  }
0x75: {  	_ =	shalt  }
0x76: {  	_ =	shalt  }
0x77: {  	_ =	shalt  }
0x78: {  	_ =	shalt  }
0x79: {  	_ =	shalt  }
0x7a: {  	_ =	shalt  }
0x7b: {  	_ =	shalt  }
0x7c: {  	_ =	shalt  }
0x7d: {  	_ =	shalt  }
0x7e: {  	_ =	shalt  }
0x7f: {  	_ =	shalt  }
0x80: {  	_ =	shalt  }
0x81: {  	_ =	shalt  }
0x82: {  	_ =	shalt  }
0x83: {  	_ =	shalt  }
0x84: {  	_ =	shalt  }
0x85: {  	_ =	shalt  }
0x86: {  	_ =	shalt  }
0x87: {  	_ =	shalt  }
.Lfunc_end0:
.L_simem_size_0:
called_computation.1_lowered:
.L_overlay_start_0:
0x88: {  	s0 =	sld [smem:$0x3FD9]  }
0x89: {  	s1 =	sld [smem:$0x3FFE];
	_ =	sdelay $0x3  }
0x8a: {  	s0 =	sadd.s32 s1, s0  }
0x8b: {  	[smem:$0x3FB8] =	sst s0  }
0x8c: {  	_ = 	snop  }
0x8d: {  	s0 =	sld [smem:$0x3FD0];
	_ =	sdelay $0x2  }
0x8e: {  	s12 =	simm.s32 $0xD;
	s2 =	simm.s32 $0x10  }
0x8f: {  	[smem:s2], [sflag:s12] =	dma.local [hbm:s0], $0x1  }
0x90: {  	_ =	swait.eq [sflag:s12], $0x1  }
0x91: {  	[sflag:s12] =	ssyncset.done $0x0  }
0x92: {  	[sflag:s12] =	ssyncadd.s32 $0xFFFFFFFF  }
0x93: {  	s13 =	sld [smem:$0x11];
	(tm) =	ssettm $0x1  }
0x94: {  	s14 =	sld [smem:$0x3FFB];
	_ =	sdelay $0x3  }
0x95: {  	_ =	strace s14  }
0x96: {  	s0 =	sld [smem:$0x3FFC];
	_ =	sdelay $0x3  }
0x97: {  	_ =	strace s0  }
0x98: {  	s0 =	sld [smem:$0x3FFD];
	_ =	sdelay $0x3  }
0x99: {  	_ =	strace s0  }
0x9a: {  	_ =	strace $0x8FFFFFFF  }
0x9b: {  	s15 =	sld [smem:$0x3FDB];
	_ =	sdelay $0x1  }
0x9c: {  	s16 =	simm.s32 $_scs_section_size  }
0x9d: {  	s3 =	simm.s32 $_size__tile_overlayer_lowered;
	s4 =	simm.s32 $_tile_overlayer_lowered  }
0x9e: {  	s5 =	simm.s32 $0x1BFF;
	s17 =	sshll.u32 s4, $0x1;
	s2 =	sadd.s32 s16, s15  }
0x9f: {  	s18 =	simm.s32 $0x0;
	s3 =	sshll.u32 s3, $0x1;
	s4 =	sadd.s32 s17, s2  }
0xa0: {  	[timem:s18], [sflag:s5] =	dma.local [hbm:s4], s3  }
0xa1: {  	_ =	swait.ge [sflag:s5], s3  }
0xa2: {  	s3 =	ssub.s32 $0x0, s3;
	[sflag:s5] =	ssyncset.done $0x0  }
0xa3: {  	[sflag:s5] =	ssyncadd.s32 s3;
	_ =	sdelay $0x1  }
0xa4: {  	s19 =	simm.s32 $0x1B8B  }
0xa5: {  	_ =	swait.ge [sflag:s19], $0x1  }
0xa6: {  	[sflag:s19] =	ssyncset.done $0x0  }
0xa7: {  	s21 =	simm.s32 $0x1B8E;
	s20 =	sld [smem:$0x3FFE];
	[sflag:s19] =	ssyncadd.s32 $0xFFFFFFFF  }
0xa8: {  	s22 =	simm.s32 $execute0_lowered;
	[smem:$0x3FD2] =	sst s21  }
0xa9: {  	s4 =	sshll.u32 s22, $0x1;
	_ =	strace $0x8000004F;
	[dreg:$0x1] =	wrdreg $0xFFFFFFFF  }
0xaa: {  	s23 =	simm.s32 $_size_execute0_lowered;
	s4 =	sadd.s32 s2, s4;
	[dreg:$0x0] =	wrdreg $0x0  }
0xab: {  	s5 =	sshll.u32 s23, $0x1;
	[dreg:$0x2] =	wrdreg s4  }
0xac: {  	[dreg:$0x3] =	wrdreg s5  }
0xad: {  	[dreg:$0x4] =	wrdreg $0xC0  }
0xae: {  	s24 =	simm.s32 $execute1_lowered;
	_ =	task [dreg:s18], $0x5FFFF  }
0xaf: {  	s4 =	sshll.u32 s24, $0x1;
	[dreg:$0x1] =	wrdreg $0xFFFFFFFF  }
0xb0: {  	s2 =	sadd.s32 s2, s4;
	[dreg:$0x0] =	wrdreg $0x60  }
0xb1: {  	[dreg:$0x2] =	wrdreg s2  }
0xb2: {  	[dreg:$0x3] =	wrdreg s13  }
0xb3: {  	[dreg:$0x4] =	wrdreg s20  }
0xb4: {  	[dreg:$0x5] =	wrdreg $0xB  }
0xb5: {  	_ =	task.clear_ibuf [dreg:s18], $0x6FFFF;
	_ =	strace $0x9000004F  }
0xb6: {  	s25 =	simm.s32 $0xB;
	_ =	strace $0x80000051  }
0xb7: {  	_ =	swait.ge [sflag:s25], $0x1  }
0xb8: {  	[sflag:s25] =	ssyncadd.s32 $0xFFFFFFFF  }
0xb9: {  	_ =	strace $0x90000051  }
0xba: {  	_ =	strace $0x80000052;
	[dreg:$0x1] =	wrdreg $0xFFFFFFFF  }
0xbb: {  	[dreg:$0x0] =	wrdreg $0x2030  }
0xbc: {  	[dreg:$0x2] =	wrdreg s20  }
0xbd: {  	[dreg:$0x3] =	wrdreg $0xC  }
0xbe: {  	_ =	task.clear_ibuf [dreg:s18], $0x4FFFF;
	_ =	strace $0x90000052  }
0xbf: {  	s26 =	simm.s32 $0xC;
	_ =	strace $0x80000054  }
0xc0: {  	_ =	swait.ge [sflag:s26], $0x1  }
0xc1: {  	[sflag:s26] =	ssyncadd.s32 $0xFFFFFFFF  }
0xc2: {  	_ =	strace $0x90000054  }
0xc3: {  	_ =	sfence  }
0xc4: {  	s28 =	sld [smem:$0x0];
	_ =	sdelay $0x1  }
0xc5: {  	s29 =	srdreg.scid  }
0xc6: {  	s30 =	sshll.u32 s29, $0xD;
	s31 =	sshrl.u32 s29, $0x2  }
0xc7: {  	s3 =	sand.u32 $0x4000, s30;
	s2 =	sand.u32 $0x1, s29;
	s1 =	sadd.s32 s31, s28  }
0xc8: {  	s2 =	sor.u32 s3, s2;
	s1 =	sshll.u32 s1, $0x11  }
0xc9: {  	s1 =	sor.u32 s1, s2  }
0xca: {  	s1 =	sadd.s32 $0x8F2B, s1  }
0xcb: {  	[sflag:s1] =	ssyncadd.remote.s32 $0x1  }
0xcc: {  	_ =	sfence.sel $0xFFFF  }
0xcd: {  	[dreg:$0x0] =	wrdreg $0xFFFFFFFF;
	(pc) =	sbr.abs _section_cstart, $3  }
0xce: {  	[dreg:$0x1] =	wrdreg $0xFFFFFFFF  }
0xcf: {  	_ =	task.clear_ibuf [dreg:s18], $0x2FFFF;
	_ =	strace $0x9FFFFFFF  }
0xd0: {  	(tm) =	ssettm $0x7FFFFFFF  }
0xd1: {  	_ =	shalt  }
tec
execute0_lowered:
.L_overlay_start_1:
0x0: {  	(tag) =	ssettag $0x1  }
0x1: {  	s3 =	rddreg [dreg:$0x0]  }
0x2: {  	s6 =	rddreg [dreg:$0x1]  }
0x3: {  	s2 =	rddreg [dreg:$0x2]  }
0x4: {  	s0 =	rddreg [dreg:$0x3];
	s9 =	stileid.u32  }
0x5: {  	[bflag:$0x3] =	sbarrier.arrive $0xFFFF;
	s1 =	simm.s32 $_size_execute1_lowered;
	p0 =	sne.s32 s9, $0x0  }
0x6: {  	s1 =	sshll.u32 s1, $0x1;
	s4 =	simm.s32 @!p0 $0x1C3F;
	s5 =	simm.s32 @!p0 $0x4060  }
0x7: {  	[timem:s5], [sflag:s4] =	dma.local @!p0 [hbm:s3], s1  }
0x8: {  	s5 =	sshll.u32 s9, $0x5  }
0x9: {  	s7 =	ssub.s32 $0x139, s5  }
0xa: {  	p1 =	sgt.s32 s7, $0x0  }
0xb: {  	s7 =	simm.s32 @!p1 $0x0  }
0xc: {  	s7 =	sand.u32 $0x1F9, s7  }
0xd: {  	s8 =	simm.s32 $0x3;
	p1 =	sne.s32 s7, $0x0  }
0xe: {  	s8 =	simm.s32 @!p1 $0x2  }
0xf: {  	p2 =	sne.s32 s8, $0x1  }
.Ltmp0:
0x10: {  	_ = 	snop;
	(pc) =	sbr.rel @!p2 .LBB2_1-.Ltmp0, $4  }
0x11: {  	s11 =	simm.s32 $0x0;
	s3 =	simm.s32 $0x1;
	s9 =	sshll.u32 s9, $0x2  }
0x12: {  	s4 =	simm.s32 $0x2;
	_ =	strace $0x80000050;
	s6 =	sadd.s32 s9, s6  }
0x13: {  	s9 =	simm.s32 $0x1;
	[sflag:s3] =	ssyncpa.u1 $0x0;
	s7 =	simm.s32 $0x1  }
0x14: {  	[sflag:s4] =	ssyncpa.u1 $0x0;
	s7 =	simm.s32 @!p1 $0x0;
	p1 =	por $0x0, $0x0  }
0x15: {  	p2 =	sle.u32 s7, $0x0;
	p1 =	sle.u32 s7, $0xFFFFFFFF  }
0x16: {  	s10 =	simm.s32 @!p2 $0x20;
	s12 =	simm.s32 @!p2 $0x0;
	s13 =	simm.s32 @!p1 $0x1  }
0x17: {  	[tilespmem:s10], [sflag:$0x1] =	stream.linear.gather @!p2 [hbm4b:s6+s12], $0x20, $0x38;
	[tilespmem:$0x80] =	vst v63  }
0x18: {  	_ =	swait.ge @!p1 [sflag:s13], $0x20  }
0x19: {  	[sflag:s13] =	ssyncset.done @!p1 $0x0  }
0x1a: {  	s10 =	sand.u32 @!p1 $0x20, s11;
	[sflag:s13] =	ssyncadd.s32 @!p1 $0xFFFFFFE0  }
0x1b: {  	v0 =	vld @!p1 [tilespmem:s10+$0x0]  }
0x1c: {  	v1 =	vld @!p1 [tilespmem:s10+$0x10];
	_ =	sdelay $0x1  }
0x1d: {  	p3 =	sne.s32 s8, $0x2  }
.Ltmp1:
0x1e: {  	s11 =	sshrl.u32 @!p1 s5, $0x3;
	(pc) =	sbr.rel @!p3 .LBB2_3-.Ltmp1, $4  }
0x1f: {  	p2 =	por $0x1, $0x1;
	s11 =	sadd.s32 @!p1 s2, s11;
	[tilespmem:s10+$0x40] =	vst @!p1 v0  }
0x20: {  	s12 =	sor.u32 @!p1 $0x40, s10;
	s13 =	simm.s32 @!p1 $0x0;
	[tilespmem:s10+$0x50] =	vst @!p1 v1;
	s10 =	simm.s32 $0x20  }
0x21: {  	[hbm4b:s11+s13] =	stream.linear.scatter @!p1 [tilespmem:s12], [sflag:$0x2], $0x20, $0x38;
	[tilespmem:$0x80] =	vst v63  }
0x22: {  	s11 =	simm.s32 $0x2;
	s12 =	simm.s32 @!p2 $0x2;
	p1 =	por $0x1, $0x1  }
.LBB2_4:
0x23: {  	p4 =	sge.u32 s9, s7  }
0x24: {  	s13 =	sadd.s32 $0xFFFFFFFF, s9;
	_ =	swait.ge @!p2 [sflag:s12], $0x20;
	s14 =	smov.u32 s11  }
0x25: {  	s15 =	simm.s32 @!p4 $0x20;
	p3 =	sge.u32 s13, s7;
	[sflag:s12] =	ssyncset.done @!p2 $0x0  }
0x26: {  	s13 =	simm.s32 @!p4 $0x0;
	s16 =	simm.s32 @!p3 $0x1;
	[sflag:s12] =	ssyncadd.s32 @!p2 $0xFFFFFFE0  }
0x27: {  	[tilespmem:s15], [sflag:$0x1] =	stream.linear.gather @!p4 [hbm4b:s6+s13], $0x20, $0x38;
	[tilespmem:$0x80] =	vst v63  }
0x28: {  	s11 =	sadd.s32 $0x1, s11;
	s12 =	sshrl.u32 @!p3 s5, $0x3;
	_ =	swait.ge @!p3 [sflag:s16], $0x20  }
0x29: {  	p4 =	sne.s32 s11, s8;
	s13 =	sadd.s32 @!p3 s2, s12;
	[sflag:s16] =	ssyncset.done @!p3 $0x0  }
0x2a: {  	s15 =	sand.u32 @!p3 $0x20, s10;
	[sflag:s16] =	ssyncadd.s32 @!p3 $0xFFFFFFE0  }
0x2b: {  	s16 =	sor.u32 @!p3 $0x40, s15;
	v0 =	vld @!p3 [tilespmem:s15+$0x0]  }
0x2c: {  	v1 =	vld @!p3 [tilespmem:s15+$0x10];
	_ =	sdelay $0x1  }
.Ltmp2:
0x2d: {  	(pc) =	sbr.rel @p4 .LBB2_4-.Ltmp2, $4  }
0x2e: {  	s17 =	simm.s32 @!p3 $0x0;
	p2 =	slt.u32 s9, $0x2;
	s9 =	smov.u32 s14  }
0x2f: {  	s12 =	simm.s32 @!p2 $0x2;
	[tilespmem:s15+$0x40] =	vst @!p3 v0  }
0x30: {  	s10 =	sadd.s32 $0x20, s10;
	[tilespmem:s15+$0x50] =	vst @!p3 v1  }
0x31: {  	[hbm4b:s13+s17] =	stream.linear.scatter @!p3 [tilespmem:s16], [sflag:$0x2], $0x20, $0x38;
	[tilespmem:$0x80] =	vst v63  }
0x32: {  	s11 =	smov.u32 s9  }
.LBB2_6:
0x33: {  	p2 =	por p2, !p1  }
0x34: {  	p3 =	sge.u32 s11, s7;
	s8 =	sadd.s32 $0xFFFFFFFF, s11;
	_ =	swait.ge @!p2 [sflag:s12], $0x20  }
0x35: {  	s9 =	simm.s32 @!p3 $0x20;
	p1 =	sge.u32 s8, s7;
	[sflag:s12] =	ssyncset.done @!p2 $0x0  }
0x36: {  	s7 =	simm.s32 @!p3 $0x0;
	s8 =	simm.s32 @!p1 $0x1;
	[sflag:s12] =	ssyncadd.s32 @!p2 $0xFFFFFFE0  }
0x37: {  	[tilespmem:s9], [sflag:$0x1] =	stream.linear.gather @!p3 [hbm4b:s6+s7], $0x20, $0x38;
	[tilespmem:$0x80] =	vst v63  }
0x38: {  	_ =	swait.ge @!p1 [sflag:s8], $0x20  }
0x39: {  	[sflag:s8] =	ssyncset.done @!p1 $0x0  }
0x3a: {  	s6 =	sand.u32 @!p1 $0x20, s10;
	[sflag:s8] =	ssyncadd.s32 @!p1 $0xFFFFFFE0  }
0x3b: {  	v0 =	vld @!p1 [tilespmem:s6+$0x0]  }
0x3c: {  	v1 =	vld @!p1 [tilespmem:s6+$0x10];
	_ =	sdelay $0x2  }
0x3d: {  	s5 =	sshrl.u32 @!p1 s5, $0x3  }
0x3e: {  	s2 =	sadd.s32 @!p1 s2, s5;
	p2 =	slt.u32 s11, $0x2;
	[tilespmem:s6+$0x40] =	vst @!p1 v0  }
0x3f: {  	s7 =	simm.s32 @!p1 $0x0;
	s5 =	sor.u32 @!p1 $0x40, s6;
	s8 =	simm.s32 @!p2 $0x2;
	[tilespmem:s6+$0x50] =	vst @!p1 v1  }
0x40: {  	[hbm4b:s2+s7] =	stream.linear.scatter @!p1 [tilespmem:s5], [sflag:$0x2], $0x20, $0x38;
	[tilespmem:$0x80] =	vst v63  }
0x41: {  	_ =	swait.ge @!p2 [sflag:s8], $0x20  }
0x42: {  	[sflag:s8] =	ssyncset.done @!p2 $0x0  }
0x43: {  	[sflag:s8] =	ssyncadd.s32 @!p2 $0xFFFFFFE0  }
0x44: {  	_ =	sfence.sel $0x180000  }
0x45: {  	[bflag:$0x0] =	sbarrier.arrive $0xFFFF  }
0x46: {  	[sflag:s3] =	ssyncpa.u1 $0x1  }
0x47: {  	[sflag:s4] =	ssyncpa.u1 $0x1  }
0x48: {  	_ =	strace $0x90000050  }
0x49: {  	s0 =	sadd.s32 @!p0 $0x100000, s0;
	[bflag:$0x2] =	sbarrier.arrive $0xFFFF  }
0x4a: {  	[sflag:s0] =	ssyncadd.tile.s32 @!p0 $0x1;
	s0 =	simm.s32 @!p0 $0x3F  }
0x4b: {  	_ =	swait.ge @!p0 [sflag:s0], s1  }
0x4c: {  	s1 =	ssub.s32 @!p0 $0x0, s1;
	[sflag:s0] =	ssyncset.done @!p0 $0x0  }
0x4d: {  	[sflag:s0] =	ssyncadd.s32 @!p0 s1  }
0x4e: {  	[bflag:$0x3] =	sbarrier.arrive $0xFFFF  }
0x4f: {  	_ =	shalt  }
.LBB2_1:
.Ltmp3:
0x50: {  	(pc) =	sbr.rel .LBB2_6-.Ltmp3, $2  }
0x51: {  	_ =	sdelay $0x2  }
0x52: {  	s10 =	simm.s32 $0x0  }
.LBB2_3:
.Ltmp4:
0x53: {  	(pc) =	sbr.rel .LBB2_6-.Ltmp4, $2  }
0x54: {  	_ =	sdelay $0x2  }
0x55: {  	s11 =	simm.s32 $0x1  }
.Lfunc_end2:
execute1_lowered:
.L_overlay_start_2:
0x56: {  	(tag) =	ssettag $0x2  }
0x57: {  	s1 =	rddreg [dreg:$0x0]  }
0x58: {  	s0 =	rddreg [dreg:$0x1]  }
0x59: {  	s3 =	stileid.u32;
	_ =	strace $0x80000053;
	s4 =	simm.s32 $0x3E  }
0x5a: {  	p0 =	sne.s32 s3, $0x0;
	[sflag:s4] =	ssyncpa.u1 $0x0  }
0x5b: {  	s30 =	smin.u32 s3, $0x9;
	s2 =	simm.s32 @!p0 $0x1C3E;
	s5 =	simm.s32 @!p0 $0x0  }
0x5c: {  	[spmem:s5], [sflag:s2] =	dma.local @!p0 [hbm:s1], $0x40  }
0x5d: {  	s2 =	sadd.s32 s3, s30  }
0x5e: {  	p1 =	slt.u32 s3, $0x9;
	s3 =	simm.s32 $0x640;
	s2 =	smul.u32 $0x320, s2  }
0x5f: {  	s3 =	simm.s32 @!p1 $0x320  }
0x60: {  	s3 =	sadd.s32 s3, s2  }
0x61: {  	s3 =	smin.u32 s3, $0x4E20  }
0x62: {  	s7 =	ssub.s32 s3, s2  }
0x63: {  	p1 =	sgt.s32 s7, $0x0  }
0x64: {  	s7 =	simm.s32 @!p1 $0x0  }
0x65: {  	s6 =	sand.u32 $0xFFE0, s7  }
0x66: {  	s5 =	simm.s32 @!p0 $0x3E;
	s6 =	sshrl.u32 s6, $0x5  }
0x67: {  	_ =	swait.ge @!p0 [sflag:s5], $0x40;
	s31 =	smul.u32 $0xA3E, s6  }
0x68: {  	[sflag:s5] =	ssyncset.done @!p0 $0x0  }
0x69: {  	[sflag:s5] =	ssyncadd.s32 @!p0 $0xFFFFFFC0;
	s8 =	sshrl.u32 s31, $0x10  }
0x6a: {  	s11 =	simm.s32 $0x0;
	[bflag:$0x0] =	sbarrier.arrive $0xFFFF;
	s9 =	smul.u32 $0x320, s8  }
.Ltmp5:
0x6b: {  	[sflag:s4] =	ssyncpa.u1 $0x1;
	s4 =	simm.s32 $0x1;
	(pc) =	sbr.rel .LBB3_1-.Ltmp5, $4  }
0x6c: {  	s5 =	sadd.s32 $0x4600, s1;
	s10 =	smov.u32 s2;
	[sflag:s4] =	ssyncpa.u1 $0x0  }
0x6d: {  	s6 =	simm.s32 $0x2;
	p1 =	sne.s32 s7, s9;
	s9 =	simm.s32 $0x1  }
0x6e: {  	(ifvalue) =	ssetifvalue $0x200;
	[sflag:s6] =	ssyncpa.u1 $0x0;
	s9 =	simm.s32 @!p1 $0x0  }
0x6f: {  	vm0 =	vmmov $0xffff;
	s7 =	sadd.s32 $0x55000, s1;
	s8 =	sadd.s32 s8, s9;
	s9 =	simm.s32 $0x0  }
.LBB3_5:
0x70: {  	p2 =	sne.s32 s11, s8  }
.Ltmp6:
0x71: {  	_ = 	snop;
	(pc) =	sbr.rel @!p2 .LBB3_6-.Ltmp6, $4  }
0x72: {  	_ = 	snop  }
0x73: {  	s12 =	sadd.s32 $0x320, s10  }
0x74: {  	s10 =	smov.u32 s2;
	s13 =	sadd.s32 $0x1, s11;
	p1 =	slt.s32 s12, s3  }
0x75: {  	s11 =	smov.u32 s13;
	s10 =	smov.u32 @p1 s12  }
.LBB3_1:
0x76: {  	p1 =	sge.u32 s11, s8  }
0x77: {  	s12 =	sxor.u32 @!p1 $0xFFFFFFFF, s11  }
0x78: {  	s12 =	sand.u32 @!p1 $0x1, s12  }
0x79: {  	s12 =	smul.u32 @!p1 $0x320, s12  }
0x7a: {  	s13 =	sshrl.u32 @!p1 s10, $0x3  }
0x7b: {  	s16 =	sand.u32 @!p1 $0x7, s10;
	s14 =	sadd.s32 @!p1 s5, s13;
	s15 =	sadd.s32 @!p1 $0x20, s12  }
0x7c: {  	[tilespmem:s15], [sflag:$0x2] =	stream.linear.gather @!p1 [hbm4b:s14+s16], $0x320, $0x38;
	[tilespmem:$0xCA0] =	vst v63  }
0x7d: {  	s13 =	sadd.s32 @!p1 s7, s13;
	s12 =	sadd.s32 @!p1 $0x660, s12  }
0x7e: {  	[tilespmem:s12], [sflag:$0x2] =	stream.linear.gather @!p1 [hbm4b:s13+s16], $0x320, $0x38;
	[tilespmem:$0xCA0] =	vst v63  }
0x7f: {  	p1 =	seq.s32 s11, $0x0  }
.Ltmp7:
0x80: {  	_ = 	snop;
	(pc) =	sbr.rel @p1 .LBB3_5-.Ltmp7, $1  }
0x81: {  	_ =	sdelay $0x3  }
0x82: {  	s12 =	sand.u32 $0x1, s11  }
0x83: {  	_ =	swait.ge [sflag:s6], $0x640;
	p1 =	seq.s32 s12, $0x1;
	s12 =	simm.s32 $0x320  }
0x84: {  	[sflag:s6] =	ssyncset.done $0x0;
	s12 =	simm.s32 @!p1 $0x0  }
0x85: {  	[sflag:s6] =	ssyncadd.s32 $0xFFFFF9C0;
	s14 =	sadd.s32 $0x20, s12  }
0x86: {  	v0 =	vld.msk [tilespmem:s14+$0x0 ss:$0x1], $0xffff;
	_ =	sdelay $0x4  }
0x87: {  	v0 =	vmin.u32 v0, $0x200;
	_ =	sdelay $0x3  }
0x88: {  	s13 =	simm.s32 $0x0;
	s12 =	sadd.s32 $0x660, s12;
	s14 =	sadd.s32 $0x10, s14  }
0x89: {  	[spmem:s9] =	stream.indirect_vreg.scatter.add.s32 [tilespmem:s12], [sflag:$0x1], $0x1, v0, vm0, $0x4038;
	[tilespmem:$0xCA0] =	vst v63  }
.LBB3_3:
0x8a: {  	v0 =	vld.msk [tilespmem:s14+$0x0 ss:$0x1], $0xffff;
	s13 =	sadd.s32 $0x10, s13  }
0x8b: {  	p1 =	slt.u32 s13, $0x310;
	_ =	sdelay $0x4  }
0x8c: {  	v0 =	vmin.u32 v0, $0x200  }
.Ltmp8:
0x8d: {  	(pc) =	sbr.rel @p1 .LBB3_3-.Ltmp8, $3  }
0x8e: {  	_ =	sdelay $0x1  }
0x8f: {  	s14 =	sadd.s32 $0x10, s14;
	s12 =	sadd.s32 $0x10, s12  }
0x90: {  	[spmem:s9] =	stream.indirect_vreg.scatter.add.s32 [tilespmem:s12], [sflag:$0x1], $0x1, v0, vm0, $0x4038;
	[tilespmem:$0xCA0] =	vst v63  }
.Ltmp9:
0x91: {  	(pc) =	sbr.rel .LBB3_5-.Ltmp9, $4  }
0x92: {  	_ = 	snop  }
0x93: {  	_ =	swait.ge [sflag:s4], $0x320  }
0x94: {  	[sflag:s4] =	ssyncset.done $0x0  }
0x95: {  	[sflag:s4] =	ssyncadd.s32 $0xFFFFFCE0  }
.LBB3_6:
0x96: {  	_ =	sfence.sel $0x180000  }
0x97: {  	s2 =	simm.s32 $0x2;
	[bflag:$0x0] =	sbarrier.arrive $0xFFFF  }
0x98: {  	s30 =	simm.s32 $0x1;
	[sflag:s2] =	ssyncpa.u1 $0x1  }
0x99: {  	[sflag:s30] =	ssyncpa.u1 $0x1  }
0x9a: {  	_ =	sfence.stream.spmem  }
0x9b: {  	s31 =	simm.s32 $0x3D;
	[bflag:$0x0] =	sbarrier.arrive $0xFFFF  }
0x9c: {  	s2 =	simm.s32 @p0 $0x3D;
	[sflag:s31] =	ssyncpa.u1 $0x0  }
0x9d: {  	[sflag:s2] =	ssyncpa.u1 @p0 $0x1  }
0x9e: {  	[bflag:$0x0] =	sbarrier.arrive @p0 $0xFFFF  }
0x9f: {  	_ =	strace @p0 $0x90000053  }
0xa0: {  	s3 =	simm.s32 @!p0 $0x1C3D;
	s2 =	simm.s32 @!p0 $0x0;
	[bflag:$0x2] =	sbarrier.arrive @p0 $0xFFFF  }
0xa1: {  	[hbm:s1], [sflag:s3] =	dma.local @!p0 [spmem:s2], $0x40  }
0xa2: {  	s1 =	simm.s32 @!p0 $0x3D  }
0xa3: {  	_ =	swait.ge @!p0 [sflag:s1], $0x40  }
0xa4: {  	[sflag:s1] =	ssyncset.done @!p0 $0x0  }
0xa5: {  	[sflag:s1] =	ssyncadd.s32 @!p0 $0xFFFFFFC0  }
0xa6: {  	[sflag:s1] =	ssyncpa.u1 @!p0 $0x1  }
0xa7: {  	[bflag:$0x0] =	sbarrier.arrive @!p0 $0xFFFF  }
0xa8: {  	_ =	strace @!p0 $0x90000053  }
0xa9: {  	s0 =	sadd.s32 @!p0 $0x100000, s0;
	[bflag:$0x2] =	sbarrier.arrive @!p0 $0xFFFF  }
0xaa: {  	[sflag:s0] =	ssyncadd.tile.s32 @!p0 $0x1;
	_ =	shalt  }
.Lfunc_end3:
_tile_overlayer_lowered:
.L_overlay_start_3:
0xab: {  	(tag) =	ssettag $0x3  }
0xac: {  	s0 =	rddreg [dreg:$0x0];
	s2 =	stileid.u32  }
0xad: {  	s1 =	rddreg [dreg:$0x1];
	p0 =	sne.s32 s2, $0x0  }
0xae: {  	s3 =	rddreg [dreg:$0x2];
	[bflag:$0x3] =	sbarrier.arrive $0xFFFF;
	s2 =	simm.s32 @!p0 $0x1C01  }
0xaf: {  	[timem:s3], [sflag:s2] =	dma.local @!p0 [hbm:s0], s1  }
0xb0: {  	s0 =	simm.s32 @!p0 $0x1  }
0xb1: {  	_ =	swait.ge @!p0 [sflag:s0], s1  }
0xb2: {  	s1 =	ssub.s32 @!p0 $0x0, s1;
	[sflag:s0] =	ssyncset.done @!p0 $0x0  }
0xb3: {  	[sflag:s0] =	ssyncadd.s32 @!p0 s1  }
0xb4: {  	[bflag:$0x3] =	sbarrier.arrive $0xFFFF  }
0xb5: {  	_ =	shalt  }

// kernel: scatter_offload_async_start
scs
__scs_entry_jumppad:
0x0: {  	(pc) =	sbr.rel $0x88, $3  }
0x1: {  	(tag) =	ssettag $0x0;
	lr =	simm.s32 $0x1  }
0x2: {  	[smem:$0x3F91] =	sst lr;
	_ =	strace $0xD0000000  }
0x3: {  	_ = 	snop  }
0x4: {  	_ = 	snop  }
0x5: {  	_ = 	snop  }
0x6: {  	_ = 	snop  }
0x7: {  	_ = 	snop  }
__scs_overlays_trampoline_lowered:
0x8: {  	[smem:$0x3FA0] =	sst s0  }
0x9: {  	[smem:$0x3FA1] =	sst s1  }
0xa: {  	[smem:$0x3FA2] =	sst s2  }
0xb: {  	[smem:$0x3FA3] =	sst s3  }
0xc: {  	[smem:$0x3FA4] =	sst s4  }
0xd: {  	[smem:$0x3FA5] =	sst s5  }
0xe: {  	[smem:$0x3FA6] =	sst s6  }
0xf: {  	[smem:$0x3FA7] =	sst s7  }
0x10: {  	[smem:$0x3FA8] =	sst s8  }
0x11: {  	[smem:$0x3FA9] =	sst s9;
	s0 =	simm.s32 @!p0 $0x0  }
0x12: {  	s1 =	sld [smem:$0x3F8F];
	s0 =	simm.s32 @p0 $0x1  }
0x13: {  	[smem:$0x3FAA] =	sst s0;
	s0 =	simm.s32 @!p1 $0x0  }
0x14: {  	s2 =	sld [smem:$0x3F8E];
	s0 =	simm.s32 @p1 $0x1  }
0x15: {  	[smem:$0x3FAB] =	sst s0;
	s0 =	simm.s32 @!p2 $0x0  }
0x16: {  	s3 =	sld [smem:$0x3FDB];
	s0 =	simm.s32 @p2 $0x1  }
0x17: {  	s4 =	simm.s32 $0x1BF5;
	[smem:$0x3FAD] =	sst s0  }
0x18: {  	s0 =	sld [smem:$0x3F90];
	_ =	swait.ge [sflag:s4], $0x0  }
0x19: {  	s7 =	sld [smem:$0x3F91]  }
0x1a: {  	s8 =	sadd.s32 $0xFFFFE003, lr  }
0x1b: {  	s9 =	sadd.s32 $0xFFFFFEF7, lr;
	s5 =	simm.s32 $0xFFFFFFFF;
	p2 =	slt.u32 s8, $0xFFFFF086  }
0x1c: {  	p1 =	slt.u32 s9, $0xF7A;
	s5 =	simm.s32 @!p2 $0x0  }
0x1d: {  	s5 =	simm.s32 @p1 $0x1;
	p0 =	seq.s32 s7, s2  }
0x1e: {  	s7 =	smul.u32 @!p0 $0xF7A, s2;
	p2 =	seq.s32 @!p0 s5, $0x0  }
0x1f: {  	s9 =	smul.u32 $0xF7A, s1;
	s8 =	simm.s32 @!p0 $0x1BF5;
	p2 =	por !p2, p0  }
0x20: {  	[sflag:s8] =	ssyncset.s32 @!p0 $0xFFFFF086;
	s6 =	sadd.s32 @!p0 s3, s7;
	s7 =	simm.s32 @!p0 $0x108  }
0x21: {  	s3 =	sadd.s32 s3, s9;
	s6 =	sadd.s32 @!p0 $0x88, s6;
	s7 =	simm.s32 @p2 $0x1082  }
0x22: {  	[simem:s7], [sflag:s8] =	dma.local @!p0 [hbm:s6], $0xF7A  }
0x23: {  	s9 =	sor.u32 $0xD0000000, s2;
	s6 =	simm.s32 $0x108;
	_ =	swait.ge @!p0 [sflag:s8], $0x0  }
0x24: {  	s3 =	sadd.s32 $0x88, s3;
	s6 =	simm.s32 @!p1 $0x1082;
	[sflag:s4] =	ssyncset.s32 $0xFFFFF086  }
0x25: {  	[simem:s6], [sflag:s4] =	dma.local [hbm:s3], $0xF7A  }
0x26: {  	[smem:$0x3F91] =	sst s1;
	(tag) =	ssettag s2;
	_ =	strace s9  }
0x27: {  	s1 =	sld [smem:$0x3FA1]  }
0x28: {  	s2 =	sld [smem:$0x3FA2]  }
0x29: {  	s4 =	sld [smem:$0x3FA4]  }
0x2a: {  	p0 =	seq.s32 s5, $0x0;
	s5 =	sld [smem:$0x3FA5]  }
0x2b: {  	s6 =	sld [smem:$0x3FA6]  }
0x2c: {  	s7 =	sld [smem:$0x3FA7]  }
0x2d: {  	s3 =	simm.s32 $0x108;
	s8 =	sld [smem:$0x3FA8]  }
0x2e: {  	s3 =	simm.s32 @!p0 $0x1082;
	s9 =	sld [smem:$0x3FA9]  }
0x2f: {  	lr =	sadd.s32 s0, s3;
	s0 =	sld [smem:$0x3FA0]  }
0x30: {  	s3 =	sld [smem:$0x3FA3]  }
0x31: {  	[smem:$0x3FAC] =	sst s10  }
0x32: {  	s10 =	sld [smem:$0x3FAA];
	_ =	sdelay $0x3  }
0x33: {  	p0 =	seq.s32 s10, $0x1;
	s10 =	sld [smem:$0x3FAC];
	_ =	sdelay $0x3  }
0x34: {  	[smem:$0x3FAC] =	sst s10  }
0x35: {  	s10 =	sld [smem:$0x3FAB];
	_ =	sdelay $0x3  }
0x36: {  	p1 =	seq.s32 s10, $0x1;
	s10 =	sld [smem:$0x3FAC];
	_ =	sdelay $0x3  }
0x37: {  	[smem:$0x3FAC] =	sst s10  }
0x38: {  	s10 =	sld [smem:$0x3FAD]  }
0x39: {  	_ = 	snop;
	(pc) =	sbr.ind lr, $3  }
0x3a: {  	_ = 	snop  }
0x3b: {  	_ = 	snop  }
0x3c: {  	p2 =	seq.s32 s10, $0x1;
	s10 =	sld [smem:$0x3FAC]  }
0x3d: {  	_ =	shalt  }
0x3e: {  	_ =	shalt  }
0x3f: {  	_ =	shalt  }
0x40: {  	_ =	shalt  }
0x41: {  	_ =	shalt  }
0x42: {  	_ =	shalt  }
0x43: {  	_ =	shalt  }
0x44: {  	_ =	shalt  }
0x45: {  	_ =	shalt  }
0x46: {  	_ =	shalt  }
0x47: {  	_ =	shalt  }
0x48: {  	_ =	shalt  }
0x49: {  	_ =	shalt  }
0x4a: {  	_ =	shalt  }
0x4b: {  	_ =	shalt  }
0x4c: {  	_ =	shalt  }
0x4d: {  	_ =	shalt  }
0x4e: {  	_ =	shalt  }
0x4f: {  	_ =	shalt  }
0x50: {  	_ =	shalt  }
0x51: {  	_ =	shalt  }
0x52: {  	_ =	shalt  }
0x53: {  	_ =	shalt  }
0x54: {  	_ =	shalt  }
0x55: {  	_ =	shalt  }
0x56: {  	_ =	shalt  }
0x57: {  	_ =	shalt  }
0x58: {  	_ =	shalt  }
0x59: {  	_ =	shalt  }
0x5a: {  	_ =	shalt  }
0x5b: {  	_ =	shalt  }
0x5c: {  	_ =	shalt  }
0x5d: {  	_ =	shalt  }
0x5e: {  	_ =	shalt  }
0x5f: {  	_ =	shalt  }
0x60: {  	_ =	shalt  }
0x61: {  	_ =	shalt  }
0x62: {  	_ =	shalt  }
0x63: {  	_ =	shalt  }
0x64: {  	_ =	shalt  }
0x65: {  	_ =	shalt  }
0x66: {  	_ =	shalt  }
0x67: {  	_ =	shalt  }
0x68: {  	_ =	shalt  }
0x69: {  	_ =	shalt  }
0x6a: {  	_ =	shalt  }
0x6b: {  	_ =	shalt  }
0x6c: {  	_ =	shalt  }
0x6d: {  	_ =	shalt  }
0x6e: {  	_ =	shalt  }
0x6f: {  	_ =	shalt  }
0x70: {  	_ =	shalt  }
0x71: {  	_ =	shalt  }
0x72: {  	_ =	shalt  }
0x73: {  	_ =	shalt  }
0x74: {  	_ =	shalt  }
0x75: {  	_ =	shalt  }
0x76: {  	_ =	shalt  }
0x77: {  	_ =	shalt  }
0x78: {  	_ =	shalt  }
0x79: {  	_ =	shalt  }
0x7a: {  	_ =	shalt  }
0x7b: {  	_ =	shalt  }
0x7c: {  	_ =	shalt  }
0x7d: {  	_ =	shalt  }
0x7e: {  	_ =	shalt  }
0x7f: {  	_ =	shalt  }
0x80: {  	_ =	shalt  }
0x81: {  	_ =	shalt  }
0x82: {  	_ =	shalt  }
0x83: {  	_ =	shalt  }
0x84: {  	_ =	shalt  }
0x85: {  	_ =	shalt  }
0x86: {  	_ =	shalt  }
0x87: {  	_ =	shalt  }
.Lfunc_end0:
.L_simem_size_0:
called_computation_lowered:
.L_overlay_start_0:
0x88: {  	s0 =	sld [smem:$0x3FD9]  }
0x89: {  	s1 =	sld [smem:$0x3FFE];
	_ =	sdelay $0x3  }
0x8a: {  	s0 =	sadd.s32 s1, s0  }
0x8b: {  	[smem:$0x3FB8] =	sst s0  }
0x8c: {  	_ = 	snop  }
0x8d: {  	s0 =	sld [smem:$0x3FD0];
	_ =	sdelay $0x2  }
0x8e: {  	s12 =	simm.s32 $0xD;
	s2 =	simm.s32 $0x10  }
0x8f: {  	[smem:s2], [sflag:s12] =	dma.local [hbm:s0], $0x1  }
0x90: {  	_ =	swait.eq [sflag:s12], $0x1  }
0x91: {  	[sflag:s12] =	ssyncset.done $0x0  }
0x92: {  	[sflag:s12] =	ssyncadd.s32 $0xFFFFFFFF  }
0x93: {  	s13 =	sld [smem:$0x11];
	(tm) =	ssettm $0x1  }
0x94: {  	s14 =	sld [smem:$0x3FFB];
	_ =	sdelay $0x3  }
0x95: {  	_ =	strace s14  }
0x96: {  	s0 =	sld [smem:$0x3FFC];
	_ =	sdelay $0x3  }
0x97: {  	_ =	strace s0  }
0x98: {  	s0 =	sld [smem:$0x3FFD];
	_ =	sdelay $0x3  }
0x99: {  	_ =	strace s0  }
0x9a: {  	_ =	strace $0x8FFFFFFF  }
0x9b: {  	s15 =	sld [smem:$0x3FDB];
	_ =	sdelay $0x1  }
0x9c: {  	s16 =	simm.s32 $_scs_section_size  }
0x9d: {  	s3 =	simm.s32 $_size__tile_overlayer_lowered;
	s4 =	simm.s32 $_tile_overlayer_lowered  }
0x9e: {  	s5 =	simm.s32 $0x1BFF;
	s17 =	sshll.u32 s4, $0x1;
	s2 =	sadd.s32 s16, s15  }
0x9f: {  	s18 =	simm.s32 $0x0;
	s3 =	sshll.u32 s3, $0x1;
	s4 =	sadd.s32 s17, s2  }
0xa0: {  	[timem:s18], [sflag:s5] =	dma.local [hbm:s4], s3  }
0xa1: {  	_ =	swait.ge [sflag:s5], s3  }
0xa2: {  	s3 =	ssub.s32 $0x0, s3;
	[sflag:s5] =	ssyncset.done $0x0  }
0xa3: {  	[sflag:s5] =	ssyncadd.s32 s3;
	_ =	sdelay $0x1  }
0xa4: {  	s19 =	simm.s32 $0x1B8B  }
0xa5: {  	_ =	swait.ge [sflag:s19], $0x1  }
0xa6: {  	[sflag:s19] =	ssyncset.done $0x0  }
0xa7: {  	s21 =	simm.s32 $0x1B8E;
	s20 =	sld [smem:$0x3FFE];
	[sflag:s19] =	ssyncadd.s32 $0xFFFFFFFF  }
0xa8: {  	s22 =	simm.s32 $execute0_lowered;
	[smem:$0x3FD2] =	sst s21  }
0xa9: {  	s4 =	sshll.u32 s22, $0x1;
	_ =	strace $0x80000049;
	[dreg:$0x1] =	wrdreg $0xFFFFFFFF  }
0xaa: {  	s23 =	simm.s32 $_size_execute0_lowered;
	s4 =	sadd.s32 s2, s4;
	[dreg:$0x0] =	wrdreg $0x0  }
0xab: {  	s5 =	sshll.u32 s23, $0x1;
	[dreg:$0x2] =	wrdreg s4  }
0xac: {  	[dreg:$0x3] =	wrdreg s5  }
0xad: {  	[dreg:$0x4] =	wrdreg $0xC0  }
0xae: {  	s24 =	simm.s32 $execute1_lowered;
	_ =	task [dreg:s18], $0x5FFFF  }
0xaf: {  	s4 =	sshll.u32 s24, $0x1;
	[dreg:$0x1] =	wrdreg $0xFFFFFFFF  }
0xb0: {  	s2 =	sadd.s32 s2, s4;
	[dreg:$0x0] =	wrdreg $0x60  }
0xb1: {  	[dreg:$0x2] =	wrdreg s2  }
0xb2: {  	[dreg:$0x3] =	wrdreg s13  }
0xb3: {  	[dreg:$0x4] =	wrdreg s20  }
0xb4: {  	[dreg:$0x5] =	wrdreg $0x9  }
0xb5: {  	_ =	task.clear_ibuf [dreg:s18], $0x6FFFF;
	_ =	strace $0x90000049  }
0xb6: {  	s25 =	simm.s32 $0x9;
	_ =	strace $0x8000004B  }
0xb7: {  	_ =	swait.ge [sflag:s25], $0x1  }
0xb8: {  	[sflag:s25] =	ssyncadd.s32 $0xFFFFFFFF  }
0xb9: {  	_ =	strace $0x9000004B  }
0xba: {  	_ =	strace $0x8000004C;
	[dreg:$0x1] =	wrdreg $0xFFFFFFFF  }
0xbb: {  	[dreg:$0x0] =	wrdreg $0x2030  }
0xbc: {  	[dreg:$0x2] =	wrdreg s20  }
0xbd: {  	[dreg:$0x3] =	wrdreg $0xA  }
0xbe: {  	_ =	task.clear_ibuf [dreg:s18], $0x4FFFF;
	_ =	strace $0x9000004C  }
0xbf: {  	s26 =	simm.s32 $0xA;
	_ =	strace $0x8000004E  }
0xc0: {  	_ =	swait.ge [sflag:s26], $0x1  }
0xc1: {  	[sflag:s26] =	ssyncadd.s32 $0xFFFFFFFF  }
0xc2: {  	_ =	strace $0x9000004E  }
0xc3: {  	_ =	sfence  }
0xc4: {  	s28 =	sld [smem:$0x0];
	_ =	sdelay $0x1  }
0xc5: {  	s29 =	srdreg.scid  }
0xc6: {  	s30 =	sshll.u32 s29, $0xD;
	s31 =	sshrl.u32 s29, $0x2  }
0xc7: {  	s3 =	sand.u32 $0x4000, s30;
	s2 =	sand.u32 $0x1, s29;
	s1 =	sadd.s32 s31, s28  }
0xc8: {  	s2 =	sor.u32 s3, s2;
	s1 =	sshll.u32 s1, $0x11  }
0xc9: {  	s1 =	sor.u32 s1, s2  }
0xca: {  	s1 =	sadd.s32 $0x8F2B, s1  }
0xcb: {  	[sflag:s1] =	ssyncadd.remote.s32 $0x1  }
0xcc: {  	_ =	sfence.sel $0xFFFF  }
0xcd: {  	[dreg:$0x0] =	wrdreg $0xFFFFFFFF;
	(pc) =	sbr.abs _section_cstart, $3  }
0xce: {  	[dreg:$0x1] =	wrdreg $0xFFFFFFFF  }
0xcf: {  	_ =	task.clear_ibuf [dreg:s18], $0x2FFFF;
	_ =	strace $0x9FFFFFFF  }
0xd0: {  	(tm) =	ssettm $0x7FFFFFFF  }
0xd1: {  	_ =	shalt  }
tec
execute0_lowered:
.L_overlay_start_1:
0x0: {  	(tag) =	ssettag $0x1  }
0x1: {  	s2 =	rddreg [dreg:$0x0]  }
0x2: {  	s6 =	rddreg [dreg:$0x1]  }
0x3: {  	s3 =	rddreg [dreg:$0x2]  }
0x4: {  	s0 =	rddreg [dreg:$0x3];
	s9 =	stileid.u32  }
0x5: {  	[bflag:$0x3] =	sbarrier.arrive $0xFFFF;
	s1 =	simm.s32 $_size_execute1_lowered;
	p0 =	sne.s32 s9, $0x0  }
0x6: {  	s1 =	sshll.u32 s1, $0x1;
	s4 =	simm.s32 @!p0 $0x1C3F;
	s5 =	simm.s32 @!p0 $0x4060  }
0x7: {  	[timem:s5], [sflag:s4] =	dma.local @!p0 [hbm:s2], s1  }
0x8: {  	s4 =	sshll.u32 s9, $0x5  }
0x9: {  	s7 =	ssub.s32 $0x139, s4  }
0xa: {  	p1 =	sgt.s32 s7, $0x0  }
0xb: {  	s7 =	simm.s32 @!p1 $0x0  }
0xc: {  	s7 =	sand.u32 $0x1F9, s7  }
0xd: {  	s8 =	simm.s32 $0x3;
	p1 =	sne.s32 s7, $0x0  }
0xe: {  	s8 =	simm.s32 @!p1 $0x2  }
0xf: {  	p2 =	sne.s32 s8, $0x1  }
.Ltmp0:
0x10: {  	s11 =	simm.s32 $0x0;
	(pc) =	sbr.rel @!p2 .LBB2_1-.Ltmp0, $4  }
0x11: {  	s5 =	sadd.s32 $0x55A00, s3;
	s2 =	simm.s32 $0x1;
	s9 =	sshll.u32 s9, $0x2  }
0x12: {  	s3 =	simm.s32 $0x2;
	_ =	strace $0x8000004A;
	s6 =	sadd.s32 s9, s6  }
0x13: {  	s9 =	simm.s32 $0x1;
	[sflag:s2] =	ssyncpa.u1 $0x0;
	s7 =	simm.s32 $0x1  }
0x14: {  	[sflag:s3] =	ssyncpa.u1 $0x0;
	s7 =	simm.s32 @!p1 $0x0;
	p1 =	por $0x0, $0x0  }
0x15: {  	p2 =	sle.u32 s7, $0x0;
	p1 =	sle.u32 s7, $0xFFFFFFFF  }
0x16: {  	s10 =	simm.s32 @!p2 $0x20;
	s12 =	simm.s32 @!p2 $0x0;
	s13 =	simm.s32 @!p1 $0x1  }
0x17: {  	[tilespmem:s10], [sflag:$0x1] =	stream.linear.gather @!p2 [hbm4b:s6+s12], $0x20, $0x38;
	[tilespmem:$0x80] =	vst v63  }
0x18: {  	_ =	swait.ge @!p1 [sflag:s13], $0x20  }
0x19: {  	[sflag:s13] =	ssyncset.done @!p1 $0x0  }
0x1a: {  	s10 =	sand.u32 @!p1 $0x20, s11;
	[sflag:s13] =	ssyncadd.s32 @!p1 $0xFFFFFFE0  }
0x1b: {  	v0 =	vld @!p1 [tilespmem:s10+$0x0]  }
0x1c: {  	v1 =	vld @!p1 [tilespmem:s10+$0x10];
	_ =	sdelay $0x1  }
0x1d: {  	p3 =	sne.s32 s8, $0x2  }
.Ltmp1:
0x1e: {  	s11 =	sshrl.u32 @!p1 s4, $0x3;
	(pc) =	sbr.rel @!p3 .LBB2_3-.Ltmp1, $4  }
0x1f: {  	p2 =	por $0x1, $0x1;
	s11 =	sadd.s32 @!p1 s5, s11;
	[tilespmem:s10+$0x40] =	vst @!p1 v0  }
0x20: {  	s12 =	sor.u32 @!p1 $0x40, s10;
	s13 =	simm.s32 @!p1 $0x0;
	[tilespmem:s10+$0x50] =	vst @!p1 v1;
	s10 =	simm.s32 $0x20  }
0x21: {  	[hbm4b:s11+s13] =	stream.linear.scatter @!p1 [tilespmem:s12], [sflag:$0x2], $0x20, $0x38;
	[tilespmem:$0x80] =	vst v63  }
0x22: {  	s11 =	simm.s32 $0x2;
	s12 =	simm.s32 @!p2 $0x2;
	p1 =	por $0x1, $0x1  }
.LBB2_4:
0x23: {  	p4 =	sge.u32 s9, s7  }
0x24: {  	s13 =	sadd.s32 $0xFFFFFFFF, s9;
	_ =	swait.ge @!p2 [sflag:s12], $0x20;
	s14 =	smov.u32 s11  }
0x25: {  	s15 =	simm.s32 @!p4 $0x20;
	p3 =	sge.u32 s13, s7;
	[sflag:s12] =	ssyncset.done @!p2 $0x0  }
0x26: {  	s13 =	simm.s32 @!p4 $0x0;
	s16 =	simm.s32 @!p3 $0x1;
	[sflag:s12] =	ssyncadd.s32 @!p2 $0xFFFFFFE0  }
0x27: {  	[tilespmem:s15], [sflag:$0x1] =	stream.linear.gather @!p4 [hbm4b:s6+s13], $0x20, $0x38;
	[tilespmem:$0x80] =	vst v63  }
0x28: {  	s11 =	sadd.s32 $0x1, s11;
	s12 =	sshrl.u32 @!p3 s4, $0x3;
	_ =	swait.ge @!p3 [sflag:s16], $0x20  }
0x29: {  	p4 =	sne.s32 s11, s8;
	s13 =	sadd.s32 @!p3 s5, s12;
	[sflag:s16] =	ssyncset.done @!p3 $0x0  }
0x2a: {  	s15 =	sand.u32 @!p3 $0x20, s10;
	[sflag:s16] =	ssyncadd.s32 @!p3 $0xFFFFFFE0  }
0x2b: {  	s16 =	sor.u32 @!p3 $0x40, s15;
	v0 =	vld @!p3 [tilespmem:s15+$0x0]  }
0x2c: {  	v1 =	vld @!p3 [tilespmem:s15+$0x10];
	_ =	sdelay $0x1  }
.Ltmp2:
0x2d: {  	(pc) =	sbr.rel @p4 .LBB2_4-.Ltmp2, $4  }
0x2e: {  	s17 =	simm.s32 @!p3 $0x0;
	p2 =	slt.u32 s9, $0x2;
	s9 =	smov.u32 s14  }
0x2f: {  	s12 =	simm.s32 @!p2 $0x2;
	[tilespmem:s15+$0x40] =	vst @!p3 v0  }
0x30: {  	s10 =	sadd.s32 $0x20, s10;
	[tilespmem:s15+$0x50] =	vst @!p3 v1  }
0x31: {  	[hbm4b:s13+s17] =	stream.linear.scatter @!p3 [tilespmem:s16], [sflag:$0x2], $0x20, $0x38;
	[tilespmem:$0x80] =	vst v63  }
0x32: {  	s11 =	smov.u32 s9  }
.LBB2_6:
0x33: {  	p2 =	por p2, !p1  }
0x34: {  	p3 =	sge.u32 s11, s7;
	s8 =	sadd.s32 $0xFFFFFFFF, s11;
	_ =	swait.ge @!p2 [sflag:s12], $0x20  }
0x35: {  	s9 =	simm.s32 @!p3 $0x20;
	p1 =	sge.u32 s8, s7;
	[sflag:s12] =	ssyncset.done @!p2 $0x0  }
0x36: {  	s7 =	simm.s32 @!p3 $0x0;
	s8 =	simm.s32 @!p1 $0x1;
	[sflag:s12] =	ssyncadd.s32 @!p2 $0xFFFFFFE0  }
0x37: {  	[tilespmem:s9], [sflag:$0x1] =	stream.linear.gather @!p3 [hbm4b:s6+s7], $0x20, $0x38;
	[tilespmem:$0x80] =	vst v63  }
0x38: {  	_ =	swait.ge @!p1 [sflag:s8], $0x20  }
0x39: {  	[sflag:s8] =	ssyncset.done @!p1 $0x0  }
0x3a: {  	s6 =	sand.u32 @!p1 $0x20, s10;
	[sflag:s8] =	ssyncadd.s32 @!p1 $0xFFFFFFE0  }
0x3b: {  	v0 =	vld @!p1 [tilespmem:s6+$0x0]  }
0x3c: {  	v1 =	vld @!p1 [tilespmem:s6+$0x10];
	_ =	sdelay $0x2  }
0x3d: {  	s4 =	sshrl.u32 @!p1 s4, $0x3  }
0x3e: {  	s4 =	sadd.s32 @!p1 s5, s4;
	p2 =	slt.u32 s11, $0x2;
	[tilespmem:s6+$0x40] =	vst @!p1 v0  }
0x3f: {  	s7 =	simm.s32 @!p1 $0x0;
	s5 =	sor.u32 @!p1 $0x40, s6;
	s8 =	simm.s32 @!p2 $0x2;
	[tilespmem:s6+$0x50] =	vst @!p1 v1  }
0x40: {  	[hbm4b:s4+s7] =	stream.linear.scatter @!p1 [tilespmem:s5], [sflag:$0x2], $0x20, $0x38;
	[tilespmem:$0x80] =	vst v63  }
0x41: {  	_ =	swait.ge @!p2 [sflag:s8], $0x20  }
0x42: {  	[sflag:s8] =	ssyncset.done @!p2 $0x0  }
0x43: {  	[sflag:s8] =	ssyncadd.s32 @!p2 $0xFFFFFFE0  }
0x44: {  	_ =	sfence.sel $0x180000  }
0x45: {  	[bflag:$0x0] =	sbarrier.arrive $0xFFFF  }
0x46: {  	[sflag:s2] =	ssyncpa.u1 $0x1  }
0x47: {  	[sflag:s3] =	ssyncpa.u1 $0x1  }
0x48: {  	_ =	strace $0x9000004A  }
0x49: {  	s0 =	sadd.s32 @!p0 $0x100000, s0;
	[bflag:$0x2] =	sbarrier.arrive $0xFFFF  }
0x4a: {  	[sflag:s0] =	ssyncadd.tile.s32 @!p0 $0x1;
	s0 =	simm.s32 @!p0 $0x3F  }
0x4b: {  	_ =	swait.ge @!p0 [sflag:s0], s1  }
0x4c: {  	s1 =	ssub.s32 @!p0 $0x0, s1;
	[sflag:s0] =	ssyncset.done @!p0 $0x0  }
0x4d: {  	[sflag:s0] =	ssyncadd.s32 @!p0 s1  }
0x4e: {  	[bflag:$0x3] =	sbarrier.arrive $0xFFFF  }
0x4f: {  	_ =	shalt  }
.LBB2_1:
.Ltmp3:
0x50: {  	(pc) =	sbr.rel .LBB2_6-.Ltmp3, $2  }
0x51: {  	_ =	sdelay $0x2  }
0x52: {  	s10 =	simm.s32 $0x0  }
.LBB2_3:
.Ltmp4:
0x53: {  	(pc) =	sbr.rel .LBB2_6-.Ltmp4, $2  }
0x54: {  	_ =	sdelay $0x2  }
0x55: {  	s11 =	simm.s32 $0x1  }
.Lfunc_end2:
execute1_lowered:
.L_overlay_start_2:
0x56: {  	(tag) =	ssettag $0x2  }
0x57: {  	s7 =	rddreg [dreg:$0x0]  }
0x58: {  	s0 =	rddreg [dreg:$0x1]  }
0x59: {  	_ =	strace $0x8000004D;
	s3 =	stileid.u32;
	s4 =	simm.s32 $0x3E  }
0x5a: {  	s1 =	sadd.s32 $0x55A00, s7;
	p0 =	sne.s32 s3, $0x0;
	[sflag:s4] =	ssyncpa.u1 $0x0  }
0x5b: {  	s30 =	smin.u32 s3, $0x9;
	s2 =	simm.s32 @!p0 $0x1C3E;
	s5 =	simm.s32 @!p0 $0x0  }
0x5c: {  	[spmem:s5], [sflag:s2] =	dma.local @!p0 [hbm:s1], $0x40  }
0x5d: {  	s2 =	sadd.s32 s3, s30  }
0x5e: {  	p1 =	slt.u32 s3, $0x9;
	s3 =	simm.s32 $0x640;
	s2 =	smul.u32 $0x320, s2  }
0x5f: {  	s3 =	simm.s32 @!p1 $0x320  }
0x60: {  	s3 =	sadd.s32 s3, s2  }
0x61: {  	s3 =	smin.u32 s3, $0x4E20  }
0x62: {  	s8 =	ssub.s32 s3, s2  }
0x63: {  	p1 =	sgt.s32 s8, $0x0  }
0x64: {  	s8 =	simm.s32 @!p1 $0x0  }
0x65: {  	s6 =	sand.u32 $0xFFE0, s8  }
0x66: {  	s5 =	simm.s32 @!p0 $0x3E;
	s6 =	sshrl.u32 s6, $0x5  }
0x67: {  	_ =	swait.ge @!p0 [sflag:s5], $0x40;
	s31 =	smul.u32 $0xA3E, s6  }
0x68: {  	[sflag:s5] =	ssyncset.done @!p0 $0x0  }
0x69: {  	[sflag:s5] =	ssyncadd.s32 @!p0 $0xFFFFFFC0;
	s9 =	sshrl.u32 s31, $0x10  }
0x6a: {  	s11 =	simm.s32 $0x0;
	[bflag:$0x0] =	sbarrier.arrive $0xFFFF;
	s10 =	smul.u32 $0x320, s9  }
.Ltmp5:
0x6b: {  	[sflag:s4] =	ssyncpa.u1 $0x1;
	s4 =	simm.s32 $0x1;
	(pc) =	sbr.rel .LBB3_1-.Ltmp5, $4  }
0x6c: {  	s5 =	sadd.s32 $0x3C00, s7;
	s7 =	sadd.s32 $0x55000, s7;
	[sflag:s4] =	ssyncpa.u1 $0x0  }
0x6d: {  	s6 =	simm.s32 $0x2;
	p1 =	sne.s32 s8, s10;
	s8 =	simm.s32 $0x1  }
0x6e: {  	(ifvalue) =	ssetifvalue $0x200;
	[sflag:s6] =	ssyncpa.u1 $0x0;
	s8 =	simm.s32 @!p1 $0x0  }
0x6f: {  	vm0 =	vmmov $0xffff;
	s10 =	smov.u32 s2;
	s8 =	sadd.s32 s9, s8;
	s9 =	simm.s32 $0x0  }
.LBB3_5:
0x70: {  	p2 =	sne.s32 s11, s8  }
.Ltmp6:
0x71: {  	_ = 	snop;
	(pc) =	sbr.rel @!p2 .LBB3_6-.Ltmp6, $4  }
0x72: {  	_ = 	snop  }
0x73: {  	s12 =	sadd.s32 $0x320, s10  }
0x74: {  	s10 =	smov.u32 s2;
	s13 =	sadd.s32 $0x1, s11;
	p1 =	slt.s32 s12, s3  }
0x75: {  	s11 =	smov.u32 s13;
	s10 =	smov.u32 @p1 s12  }
.LBB3_1:
0x76: {  	p1 =	sge.u32 s11, s8  }
0x77: {  	s12 =	sxor.u32 @!p1 $0xFFFFFFFF, s11  }
0x78: {  	s12 =	sand.u32 @!p1 $0x1, s12  }
0x79: {  	s12 =	smul.u32 @!p1 $0x320, s12  }
0x7a: {  	s13 =	sshrl.u32 @!p1 s10, $0x3  }
0x7b: {  	s16 =	sand.u32 @!p1 $0x7, s10;
	s14 =	sadd.s32 @!p1 s5, s13;
	s15 =	sadd.s32 @!p1 $0x20, s12  }
0x7c: {  	[tilespmem:s15], [sflag:$0x2] =	stream.linear.gather @!p1 [hbm4b:s14+s16], $0x320, $0x38;
	[tilespmem:$0xCA0] =	vst v63  }
0x7d: {  	s13 =	sadd.s32 @!p1 s7, s13;
	s12 =	sadd.s32 @!p1 $0x660, s12  }
0x7e: {  	[tilespmem:s12], [sflag:$0x2] =	stream.linear.gather @!p1 [hbm4b:s13+s16], $0x320, $0x38;
	[tilespmem:$0xCA0] =	vst v63  }
0x7f: {  	p1 =	seq.s32 s11, $0x0  }
.Ltmp7:
0x80: {  	_ = 	snop;
	(pc) =	sbr.rel @p1 .LBB3_5-.Ltmp7, $1  }
0x81: {  	_ =	sdelay $0x3  }
0x82: {  	s12 =	sand.u32 $0x1, s11  }
0x83: {  	_ =	swait.ge [sflag:s6], $0x640;
	p1 =	seq.s32 s12, $0x1;
	s12 =	simm.s32 $0x320  }
0x84: {  	[sflag:s6] =	ssyncset.done $0x0;
	s12 =	simm.s32 @!p1 $0x0  }
0x85: {  	[sflag:s6] =	ssyncadd.s32 $0xFFFFF9C0;
	s14 =	sadd.s32 $0x20, s12  }
0x86: {  	v0 =	vld.msk [tilespmem:s14+$0x0 ss:$0x1], $0xffff;
	_ =	sdelay $0x4  }
0x87: {  	v0 =	vmin.u32 v0, $0x200;
	_ =	sdelay $0x3  }
0x88: {  	s13 =	simm.s32 $0x0;
	s12 =	sadd.s32 $0x660, s12;
	s14 =	sadd.s32 $0x10, s14  }
0x89: {  	[spmem:s9] =	stream.indirect_vreg.scatter.add.s32 [tilespmem:s12], [sflag:$0x1], $0x1, v0, vm0, $0x4038;
	[tilespmem:$0xCA0] =	vst v63  }
.LBB3_3:
0x8a: {  	v0 =	vld.msk [tilespmem:s14+$0x0 ss:$0x1], $0xffff;
	s13 =	sadd.s32 $0x10, s13  }
0x8b: {  	p1 =	slt.u32 s13, $0x310;
	_ =	sdelay $0x4  }
0x8c: {  	v0 =	vmin.u32 v0, $0x200  }
.Ltmp8:
0x8d: {  	(pc) =	sbr.rel @p1 .LBB3_3-.Ltmp8, $3  }
0x8e: {  	_ =	sdelay $0x1  }
0x8f: {  	s14 =	sadd.s32 $0x10, s14;
	s12 =	sadd.s32 $0x10, s12  }
0x90: {  	[spmem:s9] =	stream.indirect_vreg.scatter.add.s32 [tilespmem:s12], [sflag:$0x1], $0x1, v0, vm0, $0x4038;
	[tilespmem:$0xCA0] =	vst v63  }
.Ltmp9:
0x91: {  	(pc) =	sbr.rel .LBB3_5-.Ltmp9, $4  }
0x92: {  	_ = 	snop  }
0x93: {  	_ =	swait.ge [sflag:s4], $0x320  }
0x94: {  	[sflag:s4] =	ssyncset.done $0x0  }
0x95: {  	[sflag:s4] =	ssyncadd.s32 $0xFFFFFCE0  }
.LBB3_6:
0x96: {  	_ =	sfence.sel $0x180000  }
0x97: {  	s2 =	simm.s32 $0x2;
	[bflag:$0x0] =	sbarrier.arrive $0xFFFF  }
0x98: {  	s30 =	simm.s32 $0x1;
	[sflag:s2] =	ssyncpa.u1 $0x1  }
0x99: {  	[sflag:s30] =	ssyncpa.u1 $0x1  }
0x9a: {  	_ =	sfence.stream.spmem  }
0x9b: {  	s31 =	simm.s32 $0x3D;
	[bflag:$0x0] =	sbarrier.arrive $0xFFFF  }
0x9c: {  	s2 =	simm.s32 @p0 $0x3D;
	[sflag:s31] =	ssyncpa.u1 $0x0  }
0x9d: {  	[sflag:s2] =	ssyncpa.u1 @p0 $0x1  }
0x9e: {  	[bflag:$0x0] =	sbarrier.arrive @p0 $0xFFFF  }
0x9f: {  	_ =	strace @p0 $0x9000004D  }
0xa0: {  	s3 =	simm.s32 @!p0 $0x1C3D;
	s2 =	simm.s32 @!p0 $0x0;
	[bflag:$0x2] =	sbarrier.arrive @p0 $0xFFFF  }
0xa1: {  	[hbm:s1], [sflag:s3] =	dma.local @!p0 [spmem:s2], $0x40  }
0xa2: {  	s1 =	simm.s32 @!p0 $0x3D  }
0xa3: {  	_ =	swait.ge @!p0 [sflag:s1], $0x40  }
0xa4: {  	[sflag:s1] =	ssyncset.done @!p0 $0x0  }
0xa5: {  	[sflag:s1] =	ssyncadd.s32 @!p0 $0xFFFFFFC0  }
0xa6: {  	[sflag:s1] =	ssyncpa.u1 @!p0 $0x1  }
0xa7: {  	[bflag:$0x0] =	sbarrier.arrive @!p0 $0xFFFF  }
0xa8: {  	_ =	strace @!p0 $0x9000004D  }
0xa9: {  	s0 =	sadd.s32 @!p0 $0x100000, s0;
	[bflag:$0x2] =	sbarrier.arrive @!p0 $0xFFFF  }
0xaa: {  	[sflag:s0] =	ssyncadd.tile.s32 @!p0 $0x1;
	_ =	shalt  }
.Lfunc_end3:
_tile_overlayer_lowered:
.L_overlay_start_3:
0xab: {  	(tag) =	ssettag $0x3  }
0xac: {  	s0 =	rddreg [dreg:$0x0];
	s2 =	stileid.u32  }
0xad: {  	s1 =	rddreg [dreg:$0x1];
	p0 =	sne.s32 s2, $0x0  }
0xae: {  	s3 =	rddreg [dreg:$0x2];
	[bflag:$0x3] =	sbarrier.arrive $0xFFFF;
	s2 =	simm.s32 @!p0 $0x1C01  }
0xaf: {  	[timem:s3], [sflag:s2] =	dma.local @!p0 [hbm:s0], s1  }
0xb0: {  	s0 =	simm.s32 @!p0 $0x1  }
0xb1: {  	_ =	swait.ge @!p0 [sflag:s0], s1  }
0xb2: {  	s1 =	ssub.s32 @!p0 $0x0, s1;
	[sflag:s0] =	ssyncset.done @!p0 $0x0  }
0xb3: {  	[sflag:s0] =	ssyncadd.s32 @!p0 s1  }
0xb4: {  	[bflag:$0x3] =	sbarrier.arrive $0xFFFF  }
0xb5: {  	_ =	shalt  }

</sc_bundles>
